<compile_context>
chip_gen: v7x
topology: tpu7x:2x2x1
jax: 0.10.2.dev20260603
libtpu: 0.0.44.dev20260713+nightly
codegen_flags: <defaults>
</compile_context>

<pallas_src>
import jax
import jax.numpy as jnp
from jax import lax
from jax.experimental import pallas as pl
from jax.experimental.pallas import tpu as pltpu
from jax.experimental.pallas import tpu_sc as plsc

N_NODES_K = 10000
N_OUT_K = 6000
GDIM = 128
E_K = 320000
NC_K, NS_K = 2, 16
NW_K = NC_K * NS_K
CHUNK_K = 32
CHUNK_SHIFT_K = 5
NBUF_K = 7
GDEPTH_K = 6
EDGES_PER_TILE_K = E_K // NW_K
ROW_K = 80
N_ROWS_K = EDGES_PER_TILE_K // ROW_K
SP_ROWS_K = 6016
STRIPE_K = SP_ROWS_K // NS_K
TRASH_K = 6016
DEG_W_K = 6032
N_PAD_K = 6016
OUT_STRIPE_K = N_PAD_K // NS_K


_PROJ_BLOCK = 1000


def _proj_body(xc_ref, xp_ref, wc_ref, bc_ref, wp_ref, bp_ref, o_ref):
    i = pl.program_id(0)

    @pl.when(i < 6)
    def _():
        o_ref[...] = jnp.dot(xc_ref[...], wc_ref[...],
                             preferred_element_type=jnp.float32) + bc_ref[...]

    @pl.when(i >= 6)
    def _():
        o_ref[...] = jnp.dot(xp_ref[...], wp_ref[...],
                             preferred_element_type=jnp.float32) + bp_ref[...]


def _proj(x_customer, x_product, lin_c_w, lin_c_b, lin_p_w, lin_p_b):
    full = pl.BlockSpec((GDIM, GDIM), lambda i: (0, 0))
    bias = pl.BlockSpec((1, GDIM), lambda i: (0, 0))
    return pl.pallas_call(
        _proj_body,
        grid=(N_NODES_K // _PROJ_BLOCK,),
        in_specs=[
            pl.BlockSpec((_PROJ_BLOCK, GDIM), lambda i: (jnp.minimum(i, 5), 0)),
            pl.BlockSpec((_PROJ_BLOCK, GDIM), lambda i: (jnp.maximum(i - 6, 0), 0)),
            full, bias, full, bias,
        ],
        out_specs=pl.BlockSpec((_PROJ_BLOCK, GDIM), lambda i: (i, 0)),
        out_shape=jax.ShapeDtypeStruct((N_NODES_K, GDIM), jnp.float32),
    )(x_customer, x_product, lin_c_w, lin_c_b.reshape(1, GDIM),
      lin_p_w, lin_p_b.reshape(1, GDIM))


def _sc_body(x_hbm, src_hbm, dst_hbm, agg_out, deg_out,
             src_b, dst_b, ids_b, *rest):
    csd = rest[:2 * NBUF_K]
    rows = rest[2 * NBUF_K:3 * NBUF_K]
    deg_v = rest[3 * NBUF_K]
    agg_sh = rest[3 * NBUF_K + 1]
    sems = rest[3 * NBUF_K + 2:]
    bufs = tuple((rows[k], csd[2 * k], csd[2 * k + 1],
                  sems[k], sems[NBUF_K + k]) for k in range(NBUF_K))
    rows0 = rows[0]
    c = lax.axis_index("c")
    s = lax.axis_index("s")
    wid = c * NS_K + s

    pltpu.sync_copy(src_hbm.at[wid], src_b.at[pl.ds(0, N_ROWS_K)])
    pltpu.sync_copy(dst_hbm.at[wid], dst_b.at[pl.ds(0, N_ROWS_K)])
    src_b[N_ROWS_K, pl.ds(0, 16)] = jnp.zeros((16,), jnp.int32)
    dst_b[N_ROWS_K, pl.ds(0, 16)] = jnp.zeros((16,), jnp.int32)

    def zero_deg(i, carry):
        deg_v[pl.ds(i * 16, 16)] = jnp.zeros((16,), jnp.float32)
        return carry
    lax.fori_loop(0, DEG_W_K // 16, zero_deg, 0)

    def zero_rows(t, carry):
        rows0[t // 8, pl.ds((t % 8) * 16, 16)] = jnp.zeros((16,), jnp.float32)
        return carry
    lax.fori_loop(0, CHUNK_K * 8, zero_rows, 0)
    base_row = s * STRIPE_K
    rem = STRIPE_K - (STRIPE_K // CHUNK_K) * CHUNK_K
    for j in range(STRIPE_K // CHUNK_K):
        pltpu.async_copy(rows0, agg_sh.at[pl.ds(base_row + j * CHUNK_K, CHUNK_K)],
                         sems[0])
    pltpu.async_copy(rows0.at[pl.ds(0, rem)],
                     agg_sh.at[pl.ds(base_row + STRIPE_K - rem, rem)], sems[0])
    for j in range(STRIPE_K // CHUNK_K):
        pltpu.make_async_copy(rows0, agg_sh.at[pl.ds(base_row + j * CHUNK_K, CHUNK_K)],
                              sems[0]).wait()
    pltpu.make_async_copy(rows0.at[pl.ds(0, rem)],
                          agg_sh.at[pl.ds(base_row + STRIPE_K - rem, rem)],
                          sems[0]).wait()
    plsc.subcore_barrier()

    ones16 = jnp.ones((16,), jnp.float32)
    iota16 = lax.iota(jnp.int32, 16)

    def pre_row(i, cnt):
        for j in range(ROW_K // 16):
            d16 = dst_b[i, pl.ds(j * 16, 16)]
            mask = d16 < TRASH_K
            packed = i * 128 + j * 16 + iota16
            plsc.store_compressed(ids_b.at[pl.ds(cnt, 16)], packed, mask=mask)
            plsc.addupdate_scatter(deg_v, [jnp.minimum(d16, TRASH_K)], ones16)
            cnt = cnt + plsc.all_reduce_population_count(mask)[0]
        return cnt
    cnt = lax.fori_loop(0, N_ROWS_K, pre_row, jnp.int32(0))

    dummy16 = jnp.full((16,), N_ROWS_K * 128, jnp.int32) + iota16
    for k in range(CHUNK_K // 16):
        ids_b[pl.ds(cnt + k * 16, 16)] = dummy16
    n_chunks = lax.shift_right_logical(cnt + (CHUNK_K - 1), CHUNK_SHIFT_K)
    pad_cnt = n_chunks * CHUNK_K - cnt
    deg_v[pl.ds(TRASH_K, 16)] = jnp.broadcast_to(
        pad_cnt.astype(jnp.float32), (16,))

    def assemble(i, cs, cd):
        for j in range(CHUNK_K // 16):
            idv = ids_b[pl.ds(i * CHUNK_K + j * 16, 16)]
            rowv = lax.shift_right_logical(idv, 7)
            colv = lax.bitwise_and(idv, 127)
            cs[pl.ds(j * 16, 16)] = plsc.load_gather(src_b, [rowv, colv])
            cd[pl.ds(j * 16, 16)] = plsc.load_gather(dst_b, [rowv, colv])

    def chunk_work(i, p):
        rows_p, cs_p, cd_p, g_p, s_p = bufs[p]
        rows_f, cs_f, cd_f, g_f, s_f = bufs[(p + GDEPTH_K) % NBUF_K]
        pltpu.make_async_copy(x_hbm.at[cs_p], rows_p, g_p).wait()
        pltpu.async_copy(rows_p, agg_sh.at[cd_p], s_p, add=True)

        @pl.when(i >= NBUF_K - GDEPTH_K)
        def _():
            pltpu.make_async_copy(rows_f, agg_sh.at[cd_f], s_f).wait()

        @pl.when(i + GDEPTH_K < n_chunks)
        def _():
            assemble(i + GDEPTH_K, cs_f, cd_f)
            pltpu.async_copy(x_hbm.at[cs_f], rows_f, g_f)

    for d in range(GDEPTH_K):
        @pl.when(d < n_chunks)
        def _(d=d):
            rows_d, cs_d, cd_d, g_d, _ = bufs[d]
            assemble(d, cs_d, cd_d)
            pltpu.async_copy(x_hbm.at[cs_d], rows_d, g_d)

    def body(i, carry):
        for p in range(NBUF_K):
            @pl.when(lax.rem(i, NBUF_K) == p)
            def _(p=p):
                chunk_work(i, p)
        return carry
    lax.fori_loop(0, n_chunks, body, 0)

    for k in range(1, NBUF_K - GDEPTH_K + 1):
        jk = n_chunks - k
        for q in range(NBUF_K):
            @pl.when(jnp.logical_and(jk >= 0, lax.rem(jk, NBUF_K) == q))
            def _(q=q):
                rows_q, _, cd_q, _, s_q = bufs[q]
                pltpu.make_async_copy(rows_q, agg_sh.at[cd_q], s_q).wait()
    plsc.subcore_barrier()

    out_base = s * OUT_STRIPE_K
    pltpu.async_copy(agg_sh.at[pl.ds(out_base, OUT_STRIPE_K)],
                     agg_out.at[c, pl.ds(out_base, OUT_STRIPE_K)], sems[0])
    pltpu.async_copy(deg_v.at[pl.ds(0, DEG_W_K)], deg_out.at[wid], sems[1])
    pltpu.make_async_copy(agg_sh.at[pl.ds(out_base, OUT_STRIPE_K)],
                          agg_out.at[c, pl.ds(out_base, OUT_STRIPE_K)],
                          sems[0]).wait()
    pltpu.make_async_copy(deg_v.at[pl.ds(0, DEG_W_K)], deg_out.at[wid],
                          sems[1]).wait()


def _sc_agg(x, edge_index):
    mesh = plsc.VectorSubcoreMesh(core_axis_name="c", subcore_axis_name="s")
    idx3 = edge_index.reshape(2, NW_K, N_ROWS_K, ROW_K)
    return pl.kernel(
        _sc_body,
        out_type=[
            jax.ShapeDtypeStruct((NC_K, N_PAD_K, GDIM), jnp.float32),
            jax.ShapeDtypeStruct((NW_K, DEG_W_K), jnp.float32),
        ],
        mesh=mesh,
        scratch_types=[
            pltpu.VMEM((N_ROWS_K + 1, ROW_K), jnp.int32),
            pltpu.VMEM((N_ROWS_K + 1, ROW_K), jnp.int32),
            pltpu.VMEM((EDGES_PER_TILE_K + NBUF_K * CHUNK_K + 16,), jnp.int32),
        ] + [pltpu.VMEM((CHUNK_K,), jnp.int32)] * (2 * NBUF_K)
        + [pltpu.VMEM((CHUNK_K, GDIM), jnp.float32)] * NBUF_K
        + [
            pltpu.VMEM((DEG_W_K,), jnp.float32),
            pltpu.VMEM_SHARED((SP_ROWS_K, GDIM), jnp.float32),
        ] + [pltpu.SemaphoreType.DMA] * (2 * NBUF_K),
        compiler_params=pltpu.CompilerParams(needs_layout_passes=False),
    )(x, idx3[0], idx3[1])


def _final_body(x_ref, agg_ref, deg_ref, ws_ref, wn_ref, b_ref, o_ref):
    aggs = agg_ref[0] + agg_ref[1]
    degs = deg_ref[...]
    pads = jnp.sum(degs[:, TRASH_K])
    row0 = lax.broadcasted_iota(jnp.int32, (N_PAD_K, 1), 0) == 0
    aggs = aggs - jnp.where(row0, pads, 0.0) * x_ref[0:1, :]
    deg = jnp.maximum(jnp.sum(degs[:, :N_PAD_K], axis=0), 1.0)
    agg = aggs / deg[:, None]
    res = jnp.maximum(
        jnp.dot(x_ref[...], ws_ref[...], preferred_element_type=jnp.float32)
        + jnp.dot(agg, wn_ref[...], preferred_element_type=jnp.float32)
        + b_ref[...], 0.0)
    o_ref[...] = res[:N_OUT_K]


def _final(x, agg2, deg32, w_self, w_neigh, b_graph):
    whole = lambda shape: pl.BlockSpec(shape, lambda i: tuple(0 for _ in shape))
    return pl.pallas_call(
        _final_body,
        grid=(1,),
        in_specs=[
            pl.BlockSpec((N_PAD_K, GDIM), lambda i: (0, 0)),
            whole((NC_K, N_PAD_K, GDIM)),
            whole((NW_K, DEG_W_K)),
            whole((GDIM, GDIM)),
            whole((GDIM, GDIM)),
            whole((1, GDIM)),
        ],
        out_specs=pl.BlockSpec((N_OUT_K, GDIM), lambda i: (0, 0)),
        out_shape=jax.ShapeDtypeStruct((N_OUT_K, GDIM), jnp.float32),
    )(x, agg2, deg32, w_self, w_neigh, b_graph.reshape(1, GDIM))


def kernel(x_customer, x_product, edge_index, lin_c_w, lin_c_b,
           lin_p_w, lin_p_b, w_self, w_neigh, b_graph):
    x = _proj(x_customer, x_product, lin_c_w, lin_c_b, lin_p_w, lin_p_b)
    agg2, deg32 = _sc_agg(x, edge_index)
    return _final(x, agg2, deg32, w_self, w_neigh, b_graph)

# --- scband reference (transcript-rebuilt; emitter-appended) ---
"""Pipeline reference for scband-multi-table-bridge-13365938225235 (READ-ONLY COPY).

The authoritative reference and input builder live on the scoring server;
editing this copy changes nothing except your own understanding.
"""

import jax, jax.numpy as jnp
import numpy as np

N_NODES = 10000
N_C = 6000
N_P = 4000
D_C = 128
D_P = 128
G = 128
E = 320000

def setup_inputs(seed: int = 0):
    key = jax.random.key(seed)
    ks = jax.random.split(key, 8)
    x_customer = jax.random.normal(ks[0], (N_C, D_C), dtype=jnp.float32)
    x_product = jax.random.normal(ks[1], (N_P, D_P), dtype=jnp.float32)
    edge_index = jax.random.randint(ks[2], (2, E), 0, N_NODES, dtype=jnp.int32)
    lin_c_w = jax.random.normal(ks[3], (D_C, G), dtype=jnp.float32) / np.sqrt(D_C)
    lin_c_b = jnp.zeros((G,), dtype=jnp.float32)
    lin_p_w = jax.random.normal(ks[4], (D_P, G), dtype=jnp.float32) / np.sqrt(D_P)
    lin_p_b = jnp.zeros((G,), dtype=jnp.float32)
    w_self = jax.random.normal(ks[5], (G, G), dtype=jnp.float32) / np.sqrt(G)
    w_neigh = jax.random.normal(ks[6], (G, G), dtype=jnp.float32) / np.sqrt(G)
    b_graph = jnp.zeros((G,), dtype=jnp.float32)
    return {"x_customer": x_customer, "x_product": x_product, "edge_index": edge_index,
            "lin_c_w": lin_c_w, "lin_c_b": lin_c_b, "lin_p_w": lin_p_w, "lin_p_b": lin_p_b,
            "w_self": w_self, "w_neigh": w_neigh, "b_graph": b_graph}

def reference(x_customer, x_product, edge_index, lin_c_w, lin_c_b, lin_p_w, lin_p_b, w_self, w_neigh, b_graph):
    # TableEncoder == identity: x_dict = {t: encoder(table)} -> raw features
    # lin_dict per-table projection to graph_dim
    h_c = x_customer @ lin_c_w + lin_c_b
    h_p = x_product @ lin_p_w + lin_p_b
    # concat all table node embeddings (target table first)
    x = jnp.concatenate([h_c, h_p], axis=0)
    # GraphEncoder: 1-layer mean-aggregation GNN: relu(x @ W_self + mean_neigh(x) @ W_neigh + b)
    src = edge_index[0]
    dst = edge_index[1]
    msgs = jnp.take(x, src, axis=0)
    agg = jax.ops.segment_sum(msgs, dst, num_segments=N_NODES)
    deg = jax.ops.segment_sum(jnp.ones((E,), dtype=jnp.float32), dst, num_segments=N_NODES)
    agg = agg / jnp.clip(deg, 1.0)[:, None]
    node_feats = jax.nn.relu(x @ w_self + agg @ w_neigh + b_graph)
    # return node_feats[:target_l, :]
    return node_feats[:N_C, :]

if __name__ == "__main__":
    import jax
    _d = setup_inputs()
    print(jax.jit(kernel)(*tuple(_d.values())))

</pallas_src>

<mosaic_0001>
#map = affine_map<(d0, d1) -> (0, 0)>
#map1 = affine_map<(d0, d1) -> (0, 0, 0)>
module attributes {stable_mosaic.version = 14 : i64} {
  func.func @_sc_body(%arg0: i32, %arg1: i32, %arg2: memref<10000x128xf32, #tpu.memory_space<hbm>>, %arg3: memref<32x125x80xi32, #tpu.memory_space<hbm>>, %arg4: memref<32x125x80xi32, #tpu.memory_space<hbm>>, %arg5: memref<2x6016x128xf32, #tpu.memory_space<hbm>>, %arg6: memref<32x6032xf32, #tpu.memory_space<hbm>>, %arg7: memref<126x80xi32, #tpu.memory_space<vmem>>, %arg8: memref<126x80xi32, #tpu.memory_space<vmem>>, %arg9: memref<10240xi32, #tpu.memory_space<vmem>>, %arg10: memref<32xi32, #tpu.memory_space<vmem>>, %arg11: memref<32xi32, #tpu.memory_space<vmem>>, %arg12: memref<32xi32, #tpu.memory_space<vmem>>, %arg13: memref<32xi32, #tpu.memory_space<vmem>>, %arg14: memref<32xi32, #tpu.memory_space<vmem>>, %arg15: memref<32xi32, #tpu.memory_space<vmem>>, %arg16: memref<32xi32, #tpu.memory_space<vmem>>, %arg17: memref<32xi32, #tpu.memory_space<vmem>>, %arg18: memref<32xi32, #tpu.memory_space<vmem>>, %arg19: memref<32xi32, #tpu.memory_space<vmem>>, %arg20: memref<32xi32, #tpu.memory_space<vmem>>, %arg21: memref<32xi32, #tpu.memory_space<vmem>>, %arg22: memref<32xi32, #tpu.memory_space<vmem>>, %arg23: memref<32xi32, #tpu.memory_space<vmem>>, %arg24: memref<32x128xf32, #tpu.memory_space<vmem>>, %arg25: memref<32x128xf32, #tpu.memory_space<vmem>>, %arg26: memref<32x128xf32, #tpu.memory_space<vmem>>, %arg27: memref<32x128xf32, #tpu.memory_space<vmem>>, %arg28: memref<32x128xf32, #tpu.memory_space<vmem>>, %arg29: memref<32x128xf32, #tpu.memory_space<vmem>>, %arg30: memref<32x128xf32, #tpu.memory_space<vmem>>, %arg31: memref<6032xf32, #tpu.memory_space<vmem>>, %arg32: memref<6016x128xf32, #tpu.memory_space<vmem_shared>>, %arg33: memref<!tpu.dma_semaphore, #tpu.memory_space<semaphore_mem>>, %arg34: memref<!tpu.dma_semaphore, #tpu.memory_space<semaphore_mem>>, %arg35: memref<!tpu.dma_semaphore, #tpu.memory_space<semaphore_mem>>, %arg36: memref<!tpu.dma_semaphore, #tpu.memory_space<semaphore_mem>>, %arg37: memref<!tpu.dma_semaphore, #tpu.memory_space<semaphore_mem>>, %arg38: memref<!tpu.dma_semaphore, #tpu.memory_space<semaphore_mem>>, %arg39: memref<!tpu.dma_semaphore, #tpu.memory_space<semaphore_mem>>, %arg40: memref<!tpu.dma_semaphore, #tpu.memory_space<semaphore_mem>>, %arg41: memref<!tpu.dma_semaphore, #tpu.memory_space<semaphore_mem>>, %arg42: memref<!tpu.dma_semaphore, #tpu.memory_space<semaphore_mem>>, %arg43: memref<!tpu.dma_semaphore, #tpu.memory_space<semaphore_mem>>, %arg44: memref<!tpu.dma_semaphore, #tpu.memory_space<semaphore_mem>>, %arg45: memref<!tpu.dma_semaphore, #tpu.memory_space<semaphore_mem>>, %arg46: memref<!tpu.dma_semaphore, #tpu.memory_space<semaphore_mem>>) attributes {dimension_semantics = [#tpu.dimension_semantics<core_parallel>, #tpu.dimension_semantics<subcore_parallel>], iteration_bounds = array<i64: 2, 16>, scalar_prefetch = 0 : i64, scratch_operands = 40 : i64, tpu.core_type = #tpu.core_type<sc_vector_subcore>, window_params = [{transform_indices = #map}, {transform_indices = #map1}, {transform_indices = #map1}, {transform_indices = #map1}, {transform_indices = #map}]} {
    %mul3A = arith.constant 16 : i32
    %mul3A_0 = arith.muli %arg0, %mul3A : i32
    %add3A = arith.addi %mul3A_0, %arg1 : i32
    "tpu.region"() ({
      %run_scoped3A = tpu.sem_alloc : memref<!tpu.dma_semaphore, #tpu.memory_space<semaphore_mem>>
      %dma_start3A_348 = arith.constant 0 : i32
      %dma_start3A_349 = arith.constant 0 : i32
      %dma_start3A_350 = tpu.memref_slice %arg7[%dma_start3A_348, %dma_start3A_349] : memref<126x80xi32, #tpu.memory_space<vmem>> -> memref<125x80xi32, #tpu.memory_space<vmem>>
      %dma_start3A_351 = arith.constant 0 : i32
      %dma_start3A_352 = arith.constant 0 : i32
      %dma_start3A_353 = tpu.memref_slice %arg3[%add3A, %dma_start3A_351, %dma_start3A_352] : memref<32x125x80xi32, #tpu.memory_space<hbm>> -> memref<1x125x80xi32, #tpu.memory_space<hbm>>
      %dma_start3A_354 = tpu.memref_squeeze %dma_start3A_353 : memref<1x125x80xi32, #tpu.memory_space<hbm>> -> memref<125x80xi32, #tpu.memory_space<hbm>>
      %dma_start3A_355 = arith.constant 0 : i32
      %dma_start3A_356 = arith.constant 0 : i32
      %dma_start3A_357 = tpu.memref_slice %arg7[%dma_start3A_355, %dma_start3A_356] : memref<126x80xi32, #tpu.memory_space<vmem>> -> memref<125x80xi32, #tpu.memory_space<vmem>>
      %dma_start3A_358 = arith.constant 0 : i32
      %dma_start3A_359 = arith.constant 0 : i32
      %dma_start3A_360 = tpu.memref_slice %arg3[%add3A, %dma_start3A_358, %dma_start3A_359] : memref<32x125x80xi32, #tpu.memory_space<hbm>> -> memref<1x125x80xi32, #tpu.memory_space<hbm>>
      %dma_start3A_361 = tpu.memref_squeeze %dma_start3A_360 : memref<1x125x80xi32, #tpu.memory_space<hbm>> -> memref<125x80xi32, #tpu.memory_space<hbm>>
      tpu.enqueue_dma source(%dma_start3A_361 : memref<125x80xi32, #tpu.memory_space<hbm>>) target(%dma_start3A_357 : memref<125x80xi32, #tpu.memory_space<vmem>>) target_semaphore(%run_scoped3A : memref<!tpu.dma_semaphore, #tpu.memory_space<semaphore_mem>>)
      %dma_wait3A_362 = arith.constant 0 : i32
      %dma_wait3A_363 = arith.constant 0 : i32
      %dma_wait3A_364 = tpu.memref_slice %arg7[%dma_wait3A_362, %dma_wait3A_363] : memref<126x80xi32, #tpu.memory_space<vmem>> -> memref<125x80xi32, #tpu.memory_space<vmem>>
      %dma_wait3A_365 = arith.constant 0 : i32
      %dma_wait3A_366 = arith.constant 0 : i32
      %dma_wait3A_367 = tpu.memref_slice %arg3[%add3A, %dma_wait3A_365, %dma_wait3A_366] : memref<32x125x80xi32, #tpu.memory_space<hbm>> -> memref<1x125x80xi32, #tpu.memory_space<hbm>>
      %dma_wait3A_368 = tpu.memref_squeeze %dma_wait3A_367 : memref<1x125x80xi32, #tpu.memory_space<hbm>> -> memref<125x80xi32, #tpu.memory_space<hbm>>
      %dma_wait3A_369 = arith.constant 0 : i32
      %dma_wait3A_370 = arith.constant 0 : i32
      %dma_wait3A_371 = tpu.memref_slice %arg7[%dma_wait3A_369, %dma_wait3A_370] : memref<126x80xi32, #tpu.memory_space<vmem>> -> memref<125x80xi32, #tpu.memory_space<vmem>>
      %dma_wait3A_372 = arith.constant 0 : i32
      %dma_wait3A_373 = arith.constant 0 : i32
      %dma_wait3A_374 = tpu.memref_slice %arg3[%add3A, %dma_wait3A_372, %dma_wait3A_373] : memref<32x125x80xi32, #tpu.memory_space<hbm>> -> memref<1x125x80xi32, #tpu.memory_space<hbm>>
      %dma_wait3A_375 = tpu.memref_squeeze %dma_wait3A_374 : memref<1x125x80xi32, #tpu.memory_space<hbm>> -> memref<125x80xi32, #tpu.memory_space<hbm>>
      tpu.wait_dma2 semaphore(%run_scoped3A : memref<!tpu.dma_semaphore, #tpu.memory_space<semaphore_mem>>) src(%dma_wait3A_375 : memref<125x80xi32, #tpu.memory_space<hbm>>) dst(%dma_wait3A_371 : memref<125x80xi32, #tpu.memory_space<vmem>>)
      tpu.yield
    }) : () -> ()
    "tpu.region"() ({
      %run_scoped3A = tpu.sem_alloc : memref<!tpu.dma_semaphore, #tpu.memory_space<semaphore_mem>>
      %dma_start3A_348 = arith.constant 0 : i32
      %dma_start3A_349 = arith.constant 0 : i32
      %dma_start3A_350 = tpu.memref_slice %arg8[%dma_start3A_348, %dma_start3A_349] : memref<126x80xi32, #tpu.memory_space<vmem>> -> memref<125x80xi32, #tpu.memory_space<vmem>>
      %dma_start3A_351 = arith.constant 0 : i32
      %dma_start3A_352 = arith.constant 0 : i32
      %dma_start3A_353 = tpu.memref_slice %arg4[%add3A, %dma_start3A_351, %dma_start3A_352] : memref<32x125x80xi32, #tpu.memory_space<hbm>> -> memref<1x125x80xi32, #tpu.memory_space<hbm>>
      %dma_start3A_354 = tpu.memref_squeeze %dma_start3A_353 : memref<1x125x80xi32, #tpu.memory_space<hbm>> -> memref<125x80xi32, #tpu.memory_space<hbm>>
      %dma_start3A_355 = arith.constant 0 : i32
      %dma_start3A_356 = arith.constant 0 : i32
      %dma_start3A_357 = tpu.memref_slice %arg8[%dma_start3A_355, %dma_start3A_356] : memref<126x80xi32, #tpu.memory_space<vmem>> -> memref<125x80xi32, #tpu.memory_space<vmem>>
      %dma_start3A_358 = arith.constant 0 : i32
      %dma_start3A_359 = arith.constant 0 : i32
      %dma_start3A_360 = tpu.memref_slice %arg4[%add3A, %dma_start3A_358, %dma_start3A_359] : memref<32x125x80xi32, #tpu.memory_space<hbm>> -> memref<1x125x80xi32, #tpu.memory_space<hbm>>
      %dma_start3A_361 = tpu.memref_squeeze %dma_start3A_360 : memref<1x125x80xi32, #tpu.memory_space<hbm>> -> memref<125x80xi32, #tpu.memory_space<hbm>>
      tpu.enqueue_dma source(%dma_start3A_361 : memref<125x80xi32, #tpu.memory_space<hbm>>) target(%dma_start3A_357 : memref<125x80xi32, #tpu.memory_space<vmem>>) target_semaphore(%run_scoped3A : memref<!tpu.dma_semaphore, #tpu.memory_space<semaphore_mem>>)
      %dma_wait3A_362 = arith.constant 0 : i32
      %dma_wait3A_363 = arith.constant 0 : i32
      %dma_wait3A_364 = tpu.memref_slice %arg8[%dma_wait3A_362, %dma_wait3A_363] : memref<126x80xi32, #tpu.memory_space<vmem>> -> memref<125x80xi32, #tpu.memory_space<vmem>>
      %dma_wait3A_365 = arith.constant 0 : i32
      %dma_wait3A_366 = arith.constant 0 : i32
      %dma_wait3A_367 = tpu.memref_slice %arg4[%add3A, %dma_wait3A_365, %dma_wait3A_366] : memref<32x125x80xi32, #tpu.memory_space<hbm>> -> memref<1x125x80xi32, #tpu.memory_space<hbm>>
      %dma_wait3A_368 = tpu.memref_squeeze %dma_wait3A_367 : memref<1x125x80xi32, #tpu.memory_space<hbm>> -> memref<125x80xi32, #tpu.memory_space<hbm>>
      %dma_wait3A_369 = arith.constant 0 : i32
      %dma_wait3A_370 = arith.constant 0 : i32
      %dma_wait3A_371 = tpu.memref_slice %arg8[%dma_wait3A_369, %dma_wait3A_370] : memref<126x80xi32, #tpu.memory_space<vmem>> -> memref<125x80xi32, #tpu.memory_space<vmem>>
      %dma_wait3A_372 = arith.constant 0 : i32
      %dma_wait3A_373 = arith.constant 0 : i32
      %dma_wait3A_374 = tpu.memref_slice %arg4[%add3A, %dma_wait3A_372, %dma_wait3A_373] : memref<32x125x80xi32, #tpu.memory_space<hbm>> -> memref<1x125x80xi32, #tpu.memory_space<hbm>>
      %dma_wait3A_375 = tpu.memref_squeeze %dma_wait3A_374 : memref<1x125x80xi32, #tpu.memory_space<hbm>> -> memref<125x80xi32, #tpu.memory_space<hbm>>
      tpu.wait_dma2 semaphore(%run_scoped3A : memref<!tpu.dma_semaphore, #tpu.memory_space<semaphore_mem>>) src(%dma_wait3A_375 : memref<125x80xi32, #tpu.memory_space<hbm>>) dst(%dma_wait3A_371 : memref<125x80xi32, #tpu.memory_space<vmem>>)
      tpu.yield
    }) : () -> ()
    %broadcast_in_dim3A = arith.constant 0 : i32
    %broadcast_in_dim3A_1 = vector.broadcast %broadcast_in_dim3A : i32 to vector<16xi32>
    %swap3A = arith.constant 125 : i32
    %swap3A_2 = arith.index_cast %swap3A : i32 to index
    %swap3A_3 = arith.constant 0 : index
    %swap3A_4 = tpu.vector_load %arg7[%swap3A_2, %swap3A_3] {strides = array<i32>} : memref<126x80xi32, #tpu.memory_space<vmem>>, vector<16xi32>,
    tpu.vector_store %arg7[%swap3A_2, %swap3A_3], %broadcast_in_dim3A_1 {strides = array<i32>} : memref<126x80xi32, #tpu.memory_space<vmem>>, vector<16xi32>,
    %broadcast_in_dim3A_5 = arith.constant 0 : i32
    %broadcast_in_dim3A_6 = vector.broadcast %broadcast_in_dim3A_5 : i32 to vector<16xi32>
    %swap3A_7 = arith.constant 125 : i32
    %swap3A_8 = arith.index_cast %swap3A_7 : i32 to index
    %swap3A_9 = arith.constant 0 : index
    %swap3A_10 = tpu.vector_load %arg8[%swap3A_8, %swap3A_9] {strides = array<i32>} : memref<126x80xi32, #tpu.memory_space<vmem>>, vector<16xi32>,
    tpu.vector_store %arg8[%swap3A_8, %swap3A_9], %broadcast_in_dim3A_6 {strides = array<i32>} : memref<126x80xi32, #tpu.memory_space<vmem>>, vector<16xi32>,
    %scan3A = arith.constant 0 : i32
    %scan3A_11 = arith.constant 0 : i32
    %scan3A_12 = arith.constant 377 : i32
    %scan3A_13 = arith.addi %scan3A_11, %scan3A_12 : i32
    %scan3A_14 = arith.constant 1 : i32
    scf.for %scan3A_348 = %scan3A_11 to %scan3A_13 step %scan3A_14  : i32 {
      %broadcast_in_dim3A_349 = arith.constant 0.000000e+00 : f32
      %broadcast_in_dim3A_350 = vector.broadcast %broadcast_in_dim3A_349 : f32 to vector<16xf32>
      %mul3A_351 = arith.constant 16 : i32
      %mul3A_352 = arith.muli %scan3A_348, %mul3A_351 : i32
      %swap3A_353 = arith.index_cast %mul3A_352 : i32 to index
      %swap3A_354 = tpu.vector_load %arg31[%swap3A_353] {strides = array<i32>} : memref<6032xf32, #tpu.memory_space<vmem>>, vector<16xf32>,
      tpu.vector_store %arg31[%swap3A_353], %broadcast_in_dim3A_350 {strides = array<i32>} : memref<6032xf32, #tpu.memory_space<vmem>>, vector<16xf32>,
    }
    %scan3A_15 = arith.constant 377 : i32
    %scan3A_16 = arith.constant 0 : i32
    %scan3A_17 = arith.constant 0 : i32
    %scan3A_18 = arith.constant 256 : i32
    %scan3A_19 = arith.addi %scan3A_17, %scan3A_18 : i32
    %scan3A_20 = arith.constant 1 : i32
    scf.for %scan3A_348 = %scan3A_17 to %scan3A_19 step %scan3A_20  : i32 {
      %broadcast_in_dim3A_349 = arith.constant 0.000000e+00 : f32
      %broadcast_in_dim3A_350 = vector.broadcast %broadcast_in_dim3A_349 : f32 to vector<16xf32>
      %jit3A = arith.constant 8 : i32
      %div3A = arith.divsi %scan3A_348, %jit3A : i32
      %sign3A = arith.constant 0 : i32
      %sign3A_351 = arith.cmpi sgt, %scan3A_348, %sign3A : i32
      %sign3A_352 = arith.extui %sign3A_351 : i1 to i32
      %sign3A_353 = arith.constant 0 : i32
      %sign3A_354 = arith.cmpi slt, %scan3A_348, %sign3A_353 : i32
      %sign3A_355 = arith.extui %sign3A_354 : i1 to i32
      %sign3A_356 = arith.subi %sign3A_352, %sign3A_355 : i32
      %sign3A_357 = arith.constant 0 : i32
      %sign3A_358 = arith.cmpi sgt, %jit3A, %sign3A_357 : i32
      %sign3A_359 = arith.extui %sign3A_358 : i1 to i32
      %sign3A_360 = arith.constant 0 : i32
      %sign3A_361 = arith.cmpi slt, %jit3A, %sign3A_360 : i32
      %sign3A_362 = arith.extui %sign3A_361 : i1 to i32
      %sign3A_363 = arith.subi %sign3A_359, %sign3A_362 : i32
      %ne3A = arith.cmpi ne, %sign3A_356, %sign3A_363 : i32
      %rem3A_364 = arith.remsi %scan3A_348, %jit3A : i32
      %ne3A_365 = arith.constant 0 : i32
      %ne3A_366 = arith.cmpi ne, %rem3A_364, %ne3A_365 : i32
      %and3A_367 = arith.andi %ne3A, %ne3A_366 : i1
      %sub3A_368 = arith.constant 1 : i32
      %sub3A_369 = arith.subi %div3A, %sub3A_368 : i32
      %select_n3A = arith.select %and3A_367, %sub3A_369, %div3A : i32
      %jit3A_370 = arith.constant 8 : i32
      %eq3A_371 = arith.constant 0 : i32
      %eq3A_372 = arith.cmpi eq, %jit3A_370, %eq3A_371 : i32
      %jit3A_373 = arith.constant 1 : i32
      %select_n3A_374 = arith.select %eq3A_372, %jit3A_373, %jit3A_370 : i32
      %rem3A_375 = arith.remsi %scan3A_348, %select_n3A_374 : i32
      %ne3A_376 = arith.constant 0 : i32
      %ne3A_377 = arith.cmpi ne, %rem3A_375, %ne3A_376 : i32
      %lt3A = arith.constant 0 : i32
      %lt3A_378 = arith.cmpi slt, %rem3A_375, %lt3A : i32
      %lt3A_379 = arith.constant 0 : i32
      %lt3A_380 = arith.cmpi slt, %select_n3A_374, %lt3A_379 : i32
      %ne3A_381 = arith.xori %lt3A_378, %lt3A_380 : i1
      %and3A_382 = arith.andi %ne3A_381, %ne3A_377 : i1
      %add3A_383 = arith.addi %rem3A_375, %select_n3A_374 : i32
      %select_n3A_384 = arith.select %and3A_382, %add3A_383, %rem3A_375 : i32
      %mul3A_385 = arith.constant 16 : i32
      %mul3A_386 = arith.muli %select_n3A_384, %mul3A_385 : i32
      %swap3A_387 = arith.index_cast %select_n3A : i32 to index
      %swap3A_388 = arith.index_cast %mul3A_386 : i32 to index
      %swap3A_389 = tpu.vector_load %arg24[%swap3A_387, %swap3A_388] {strides = array<i32>} : memref<32x128xf32, #tpu.memory_space<vmem>>, vector<16xf32>,
      tpu.vector_store %arg24[%swap3A_387, %swap3A_388], %broadcast_in_dim3A_350 {strides = array<i32>} : memref<32x128xf32, #tpu.memory_space<vmem>>, vector<16xf32>,
    }
    %scan3A_21 = arith.constant 256 : i32
    %mul3A_22 = arith.constant 376 : i32
    %mul3A_23 = arith.muli %arg1, %mul3A_22 : i32
    %add3A_24 = arith.constant 0 : i32
    %add3A_25 = arith.addi %mul3A_23, %add3A_24 : i32
    %dma_start3A = arith.constant 0 : i32
    %dma_start3A_26 = tpu.memref_slice %arg32[%add3A_25, %dma_start3A] : memref<6016x128xf32, #tpu.memory_space<vmem_shared>> -> memref<32x128xf32, #tpu.memory_space<vmem_shared>>
    %dma_start3A_27 = arith.constant 0 : i32
    %dma_start3A_28 = tpu.memref_slice %arg32[%add3A_25, %dma_start3A_27] : memref<6016x128xf32, #tpu.memory_space<vmem_shared>> -> memref<32x128xf32, #tpu.memory_space<vmem_shared>>
    tpu.enqueue_dma source(%arg24 : memref<32x128xf32, #tpu.memory_space<vmem>>) target(%dma_start3A_28 : memref<32x128xf32, #tpu.memory_space<vmem_shared>>) target_semaphore(%arg33 : memref<!tpu.dma_semaphore, #tpu.memory_space<semaphore_mem>>)
    %add3A_29 = arith.constant 32 : i32
    %add3A_30 = arith.addi %mul3A_23, %add3A_29 : i32
    %dma_start3A_31 = arith.constant 0 : i32
    %dma_start3A_32 = tpu.memref_slice %arg32[%add3A_30, %dma_start3A_31] : memref<6016x128xf32, #tpu.memory_space<vmem_shared>> -> memref<32x128xf32, #tpu.memory_space<vmem_shared>>
    %dma_start3A_33 = arith.constant 0 : i32
    %dma_start3A_34 = tpu.memref_slice %arg32[%add3A_30, %dma_start3A_33] : memref<6016x128xf32, #tpu.memory_space<vmem_shared>> -> memref<32x128xf32, #tpu.memory_space<vmem_shared>>
    tpu.enqueue_dma source(%arg24 : memref<32x128xf32, #tpu.memory_space<vmem>>) target(%dma_start3A_34 : memref<32x128xf32, #tpu.memory_space<vmem_shared>>) target_semaphore(%arg33 : memref<!tpu.dma_semaphore, #tpu.memory_space<semaphore_mem>>)
    %add3A_35 = arith.constant 64 : i32
    %add3A_36 = arith.addi %mul3A_23, %add3A_35 : i32
    %dma_start3A_37 = arith.constant 0 : i32
    %dma_start3A_38 = tpu.memref_slice %arg32[%add3A_36, %dma_start3A_37] : memref<6016x128xf32, #tpu.memory_space<vmem_shared>> -> memref<32x128xf32, #tpu.memory_space<vmem_shared>>
    %dma_start3A_39 = arith.constant 0 : i32
    %dma_start3A_40 = tpu.memref_slice %arg32[%add3A_36, %dma_start3A_39] : memref<6016x128xf32, #tpu.memory_space<vmem_shared>> -> memref<32x128xf32, #tpu.memory_space<vmem_shared>>
    tpu.enqueue_dma source(%arg24 : memref<32x128xf32, #tpu.memory_space<vmem>>) target(%dma_start3A_40 : memref<32x128xf32, #tpu.memory_space<vmem_shared>>) target_semaphore(%arg33 : memref<!tpu.dma_semaphore, #tpu.memory_space<semaphore_mem>>)
    %add3A_41 = arith.constant 96 : i32
    %add3A_42 = arith.addi %mul3A_23, %add3A_41 : i32
    %dma_start3A_43 = arith.constant 0 : i32
    %dma_start3A_44 = tpu.memref_slice %arg32[%add3A_42, %dma_start3A_43] : memref<6016x128xf32, #tpu.memory_space<vmem_shared>> -> memref<32x128xf32, #tpu.memory_space<vmem_shared>>
    %dma_start3A_45 = arith.constant 0 : i32
    %dma_start3A_46 = tpu.memref_slice %arg32[%add3A_42, %dma_start3A_45] : memref<6016x128xf32, #tpu.memory_space<vmem_shared>> -> memref<32x128xf32, #tpu.memory_space<vmem_shared>>
    tpu.enqueue_dma source(%arg24 : memref<32x128xf32, #tpu.memory_space<vmem>>) target(%dma_start3A_46 : memref<32x128xf32, #tpu.memory_space<vmem_shared>>) target_semaphore(%arg33 : memref<!tpu.dma_semaphore, #tpu.memory_space<semaphore_mem>>)
    %add3A_47 = arith.constant 128 : i32
    %add3A_48 = arith.addi %mul3A_23, %add3A_47 : i32
    %dma_start3A_49 = arith.constant 0 : i32
    %dma_start3A_50 = tpu.memref_slice %arg32[%add3A_48, %dma_start3A_49] : memref<6016x128xf32, #tpu.memory_space<vmem_shared>> -> memref<32x128xf32, #tpu.memory_space<vmem_shared>>
    %dma_start3A_51 = arith.constant 0 : i32
    %dma_start3A_52 = tpu.memref_slice %arg32[%add3A_48, %dma_start3A_51] : memref<6016x128xf32, #tpu.memory_space<vmem_shared>> -> memref<32x128xf32, #tpu.memory_space<vmem_shared>>
    tpu.enqueue_dma source(%arg24 : memref<32x128xf32, #tpu.memory_space<vmem>>) target(%dma_start3A_52 : memref<32x128xf32, #tpu.memory_space<vmem_shared>>) target_semaphore(%arg33 : memref<!tpu.dma_semaphore, #tpu.memory_space<semaphore_mem>>)
    %add3A_53 = arith.constant 160 : i32
    %add3A_54 = arith.addi %mul3A_23, %add3A_53 : i32
    %dma_start3A_55 = arith.constant 0 : i32
    %dma_start3A_56 = tpu.memref_slice %arg32[%add3A_54, %dma_start3A_55] : memref<6016x128xf32, #tpu.memory_space<vmem_shared>> -> memref<32x128xf32, #tpu.memory_space<vmem_shared>>
    %dma_start3A_57 = arith.constant 0 : i32
    %dma_start3A_58 = tpu.memref_slice %arg32[%add3A_54, %dma_start3A_57] : memref<6016x128xf32, #tpu.memory_space<vmem_shared>> -> memref<32x128xf32, #tpu.memory_space<vmem_shared>>
    tpu.enqueue_dma source(%arg24 : memref<32x128xf32, #tpu.memory_space<vmem>>) target(%dma_start3A_58 : memref<32x128xf32, #tpu.memory_space<vmem_shared>>) target_semaphore(%arg33 : memref<!tpu.dma_semaphore, #tpu.memory_space<semaphore_mem>>)
    %add3A_59 = arith.constant 192 : i32
    %add3A_60 = arith.addi %mul3A_23, %add3A_59 : i32
    %dma_start3A_61 = arith.constant 0 : i32
    %dma_start3A_62 = tpu.memref_slice %arg32[%add3A_60, %dma_start3A_61] : memref<6016x128xf32, #tpu.memory_space<vmem_shared>> -> memref<32x128xf32, #tpu.memory_space<vmem_shared>>
    %dma_start3A_63 = arith.constant 0 : i32
    %dma_start3A_64 = tpu.memref_slice %arg32[%add3A_60, %dma_start3A_63] : memref<6016x128xf32, #tpu.memory_space<vmem_shared>> -> memref<32x128xf32, #tpu.memory_space<vmem_shared>>
    tpu.enqueue_dma source(%arg24 : memref<32x128xf32, #tpu.memory_space<vmem>>) target(%dma_start3A_64 : memref<32x128xf32, #tpu.memory_space<vmem_shared>>) target_semaphore(%arg33 : memref<!tpu.dma_semaphore, #tpu.memory_space<semaphore_mem>>)
    %add3A_65 = arith.constant 224 : i32
    %add3A_66 = arith.addi %mul3A_23, %add3A_65 : i32
    %dma_start3A_67 = arith.constant 0 : i32
    %dma_start3A_68 = tpu.memref_slice %arg32[%add3A_66, %dma_start3A_67] : memref<6016x128xf32, #tpu.memory_space<vmem_shared>> -> memref<32x128xf32, #tpu.memory_space<vmem_shared>>
    %dma_start3A_69 = arith.constant 0 : i32
    %dma_start3A_70 = tpu.memref_slice %arg32[%add3A_66, %dma_start3A_69] : memref<6016x128xf32, #tpu.memory_space<vmem_shared>> -> memref<32x128xf32, #tpu.memory_space<vmem_shared>>
    tpu.enqueue_dma source(%arg24 : memref<32x128xf32, #tpu.memory_space<vmem>>) target(%dma_start3A_70 : memref<32x128xf32, #tpu.memory_space<vmem_shared>>) target_semaphore(%arg33 : memref<!tpu.dma_semaphore, #tpu.memory_space<semaphore_mem>>)
    %add3A_71 = arith.constant 256 : i32
    %add3A_72 = arith.addi %mul3A_23, %add3A_71 : i32
    %dma_start3A_73 = arith.constant 0 : i32
    %dma_start3A_74 = tpu.memref_slice %arg32[%add3A_72, %dma_start3A_73] : memref<6016x128xf32, #tpu.memory_space<vmem_shared>> -> memref<32x128xf32, #tpu.memory_space<vmem_shared>>
    %dma_start3A_75 = arith.constant 0 : i32
    %dma_start3A_76 = tpu.memref_slice %arg32[%add3A_72, %dma_start3A_75] : memref<6016x128xf32, #tpu.memory_space<vmem_shared>> -> memref<32x128xf32, #tpu.memory_space<vmem_shared>>
    tpu.enqueue_dma source(%arg24 : memref<32x128xf32, #tpu.memory_space<vmem>>) target(%dma_start3A_76 : memref<32x128xf32, #tpu.memory_space<vmem_shared>>) target_semaphore(%arg33 : memref<!tpu.dma_semaphore, #tpu.memory_space<semaphore_mem>>)
    %add3A_77 = arith.constant 288 : i32
    %add3A_78 = arith.addi %mul3A_23, %add3A_77 : i32
    %dma_start3A_79 = arith.constant 0 : i32
    %dma_start3A_80 = tpu.memref_slice %arg32[%add3A_78, %dma_start3A_79] : memref<6016x128xf32, #tpu.memory_space<vmem_shared>> -> memref<32x128xf32, #tpu.memory_space<vmem_shared>>
    %dma_start3A_81 = arith.constant 0 : i32
    %dma_start3A_82 = tpu.memref_slice %arg32[%add3A_78, %dma_start3A_81] : memref<6016x128xf32, #tpu.memory_space<vmem_shared>> -> memref<32x128xf32, #tpu.memory_space<vmem_shared>>
    tpu.enqueue_dma source(%arg24 : memref<32x128xf32, #tpu.memory_space<vmem>>) target(%dma_start3A_82 : memref<32x128xf32, #tpu.memory_space<vmem_shared>>) target_semaphore(%arg33 : memref<!tpu.dma_semaphore, #tpu.memory_space<semaphore_mem>>)
    %add3A_83 = arith.constant 320 : i32
    %add3A_84 = arith.addi %mul3A_23, %add3A_83 : i32
    %dma_start3A_85 = arith.constant 0 : i32
    %dma_start3A_86 = tpu.memref_slice %arg32[%add3A_84, %dma_start3A_85] : memref<6016x128xf32, #tpu.memory_space<vmem_shared>> -> memref<32x128xf32, #tpu.memory_space<vmem_shared>>
    %dma_start3A_87 = arith.constant 0 : i32
    %dma_start3A_88 = tpu.memref_slice %arg32[%add3A_84, %dma_start3A_87] : memref<6016x128xf32, #tpu.memory_space<vmem_shared>> -> memref<32x128xf32, #tpu.memory_space<vmem_shared>>
    tpu.enqueue_dma source(%arg24 : memref<32x128xf32, #tpu.memory_space<vmem>>) target(%dma_start3A_88 : memref<32x128xf32, #tpu.memory_space<vmem_shared>>) target_semaphore(%arg33 : memref<!tpu.dma_semaphore, #tpu.memory_space<semaphore_mem>>)
    %add3A_89 = arith.constant 376 : i32
    %add3A_90 = arith.addi %mul3A_23, %add3A_89 : i32
    %sub3A = arith.constant 24 : i32
    %sub3A_91 = arith.subi %add3A_90, %sub3A : i32
    %dma_start3A_92 = arith.constant 0 : i32
    %dma_start3A_93 = arith.constant 0 : i32
    %dma_start3A_94 = tpu.memref_slice %arg24[%dma_start3A_92, %dma_start3A_93] : memref<32x128xf32, #tpu.memory_space<vmem>> -> memref<24x128xf32, #tpu.memory_space<vmem>>
    %dma_start3A_95 = arith.constant 0 : i32
    %dma_start3A_96 = tpu.memref_slice %arg32[%sub3A_91, %dma_start3A_95] : memref<6016x128xf32, #tpu.memory_space<vmem_shared>> -> memref<24x128xf32, #tpu.memory_space<vmem_shared>>
    %dma_start3A_97 = arith.constant 0 : i32
    %dma_start3A_98 = tpu.memref_slice %arg32[%sub3A_91, %dma_start3A_97] : memref<6016x128xf32, #tpu.memory_space<vmem_shared>> -> memref<24x128xf32, #tpu.memory_space<vmem_shared>>
    %dma_start3A_99 = arith.constant 0 : i32
    %dma_start3A_100 = arith.constant 0 : i32
    %dma_start3A_101 = tpu.memref_slice %arg24[%dma_start3A_99, %dma_start3A_100] : memref<32x128xf32, #tpu.memory_space<vmem>> -> memref<24x128xf32, #tpu.memory_space<vmem>>
    tpu.enqueue_dma source(%dma_start3A_101 : memref<24x128xf32, #tpu.memory_space<vmem>>) target(%dma_start3A_98 : memref<24x128xf32, #tpu.memory_space<vmem_shared>>) target_semaphore(%arg33 : memref<!tpu.dma_semaphore, #tpu.memory_space<semaphore_mem>>)
    %add3A_102 = arith.constant 0 : i32
    %add3A_103 = arith.addi %mul3A_23, %add3A_102 : i32
    %dma_wait3A = arith.constant 0 : i32
    %dma_wait3A_104 = tpu.memref_slice %arg32[%add3A_103, %dma_wait3A] : memref<6016x128xf32, #tpu.memory_space<vmem_shared>> -> memref<32x128xf32, #tpu.memory_space<vmem_shared>>
    %dma_wait3A_105 = arith.constant 0 : i32
    %dma_wait3A_106 = tpu.memref_slice %arg32[%add3A_103, %dma_wait3A_105] : memref<6016x128xf32, #tpu.memory_space<vmem_shared>> -> memref<32x128xf32, #tpu.memory_space<vmem_shared>>
    tpu.wait_dma2 semaphore(%arg33 : memref<!tpu.dma_semaphore, #tpu.memory_space<semaphore_mem>>) src(%arg24 : memref<32x128xf32, #tpu.memory_space<vmem>>) dst(%dma_wait3A_106 : memref<32x128xf32, #tpu.memory_space<vmem_shared>>)
    %add3A_107 = arith.constant 32 : i32
    %add3A_108 = arith.addi %mul3A_23, %add3A_107 : i32
    %dma_wait3A_109 = arith.constant 0 : i32
    %dma_wait3A_110 = tpu.memref_slice %arg32[%add3A_108, %dma_wait3A_109] : memref<6016x128xf32, #tpu.memory_space<vmem_shared>> -> memref<32x128xf32, #tpu.memory_space<vmem_shared>>
    %dma_wait3A_111 = arith.constant 0 : i32
    %dma_wait3A_112 = tpu.memref_slice %arg32[%add3A_108, %dma_wait3A_111] : memref<6016x128xf32, #tpu.memory_space<vmem_shared>> -> memref<32x128xf32, #tpu.memory_space<vmem_shared>>
    tpu.wait_dma2 semaphore(%arg33 : memref<!tpu.dma_semaphore, #tpu.memory_space<semaphore_mem>>) src(%arg24 : memref<32x128xf32, #tpu.memory_space<vmem>>) dst(%dma_wait3A_112 : memref<32x128xf32, #tpu.memory_space<vmem_shared>>)
    %add3A_113 = arith.constant 64 : i32
    %add3A_114 = arith.addi %mul3A_23, %add3A_113 : i32
    %dma_wait3A_115 = arith.constant 0 : i32
    %dma_wait3A_116 = tpu.memref_slice %arg32[%add3A_114, %dma_wait3A_115] : memref<6016x128xf32, #tpu.memory_space<vmem_shared>> -> memref<32x128xf32, #tpu.memory_space<vmem_shared>>
    %dma_wait3A_117 = arith.constant 0 : i32
    %dma_wait3A_118 = tpu.memref_slice %arg32[%add3A_114, %dma_wait3A_117] : memref<6016x128xf32, #tpu.memory_space<vmem_shared>> -> memref<32x128xf32, #tpu.memory_space<vmem_shared>>
    tpu.wait_dma2 semaphore(%arg33 : memref<!tpu.dma_semaphore, #tpu.memory_space<semaphore_mem>>) src(%arg24 : memref<32x128xf32, #tpu.memory_space<vmem>>) dst(%dma_wait3A_118 : memref<32x128xf32, #tpu.memory_space<vmem_shared>>)
    %add3A_119 = arith.constant 96 : i32
    %add3A_120 = arith.addi %mul3A_23, %add3A_119 : i32
    %dma_wait3A_121 = arith.constant 0 : i32
    %dma_wait3A_122 = tpu.memref_slice %arg32[%add3A_120, %dma_wait3A_121] : memref<6016x128xf32, #tpu.memory_space<vmem_shared>> -> memref<32x128xf32, #tpu.memory_space<vmem_shared>>
    %dma_wait3A_123 = arith.constant 0 : i32
    %dma_wait3A_124 = tpu.memref_slice %arg32[%add3A_120, %dma_wait3A_123] : memref<6016x128xf32, #tpu.memory_space<vmem_shared>> -> memref<32x128xf32, #tpu.memory_space<vmem_shared>>
    tpu.wait_dma2 semaphore(%arg33 : memref<!tpu.dma_semaphore, #tpu.memory_space<semaphore_mem>>) src(%arg24 : memref<32x128xf32, #tpu.memory_space<vmem>>) dst(%dma_wait3A_124 : memref<32x128xf32, #tpu.memory_space<vmem_shared>>)
    %add3A_125 = arith.constant 128 : i32
    %add3A_126 = arith.addi %mul3A_23, %add3A_125 : i32
    %dma_wait3A_127 = arith.constant 0 : i32
    %dma_wait3A_128 = tpu.memref_slice %arg32[%add3A_126, %dma_wait3A_127] : memref<6016x128xf32, #tpu.memory_space<vmem_shared>> -> memref<32x128xf32, #tpu.memory_space<vmem_shared>>
    %dma_wait3A_129 = arith.constant 0 : i32
    %dma_wait3A_130 = tpu.memref_slice %arg32[%add3A_126, %dma_wait3A_129] : memref<6016x128xf32, #tpu.memory_space<vmem_shared>> -> memref<32x128xf32, #tpu.memory_space<vmem_shared>>
    tpu.wait_dma2 semaphore(%arg33 : memref<!tpu.dma_semaphore, #tpu.memory_space<semaphore_mem>>) src(%arg24 : memref<32x128xf32, #tpu.memory_space<vmem>>) dst(%dma_wait3A_130 : memref<32x128xf32, #tpu.memory_space<vmem_shared>>)
    %add3A_131 = arith.constant 160 : i32
    %add3A_132 = arith.addi %mul3A_23, %add3A_131 : i32
    %dma_wait3A_133 = arith.constant 0 : i32
    %dma_wait3A_134 = tpu.memref_slice %arg32[%add3A_132, %dma_wait3A_133] : memref<6016x128xf32, #tpu.memory_space<vmem_shared>> -> memref<32x128xf32, #tpu.memory_space<vmem_shared>>
    %dma_wait3A_135 = arith.constant 0 : i32
    %dma_wait3A_136 = tpu.memref_slice %arg32[%add3A_132, %dma_wait3A_135] : memref<6016x128xf32, #tpu.memory_space<vmem_shared>> -> memref<32x128xf32, #tpu.memory_space<vmem_shared>>
    tpu.wait_dma2 semaphore(%arg33 : memref<!tpu.dma_semaphore, #tpu.memory_space<semaphore_mem>>) src(%arg24 : memref<32x128xf32, #tpu.memory_space<vmem>>) dst(%dma_wait3A_136 : memref<32x128xf32, #tpu.memory_space<vmem_shared>>)
    %add3A_137 = arith.constant 192 : i32
    %add3A_138 = arith.addi %mul3A_23, %add3A_137 : i32
    %dma_wait3A_139 = arith.constant 0 : i32
    %dma_wait3A_140 = tpu.memref_slice %arg32[%add3A_138, %dma_wait3A_139] : memref<6016x128xf32, #tpu.memory_space<vmem_shared>> -> memref<32x128xf32, #tpu.memory_space<vmem_shared>>
    %dma_wait3A_141 = arith.constant 0 : i32
    %dma_wait3A_142 = tpu.memref_slice %arg32[%add3A_138, %dma_wait3A_141] : memref<6016x128xf32, #tpu.memory_space<vmem_shared>> -> memref<32x128xf32, #tpu.memory_space<vmem_shared>>
    tpu.wait_dma2 semaphore(%arg33 : memref<!tpu.dma_semaphore, #tpu.memory_space<semaphore_mem>>) src(%arg24 : memref<32x128xf32, #tpu.memory_space<vmem>>) dst(%dma_wait3A_142 : memref<32x128xf32, #tpu.memory_space<vmem_shared>>)
    %add3A_143 = arith.constant 224 : i32
    %add3A_144 = arith.addi %mul3A_23, %add3A_143 : i32
    %dma_wait3A_145 = arith.constant 0 : i32
    %dma_wait3A_146 = tpu.memref_slice %arg32[%add3A_144, %dma_wait3A_145] : memref<6016x128xf32, #tpu.memory_space<vmem_shared>> -> memref<32x128xf32, #tpu.memory_space<vmem_shared>>
    %dma_wait3A_147 = arith.constant 0 : i32
    %dma_wait3A_148 = tpu.memref_slice %arg32[%add3A_144, %dma_wait3A_147] : memref<6016x128xf32, #tpu.memory_space<vmem_shared>> -> memref<32x128xf32, #tpu.memory_space<vmem_shared>>
    tpu.wait_dma2 semaphore(%arg33 : memref<!tpu.dma_semaphore, #tpu.memory_space<semaphore_mem>>) src(%arg24 : memref<32x128xf32, #tpu.memory_space<vmem>>) dst(%dma_wait3A_148 : memref<32x128xf32, #tpu.memory_space<vmem_shared>>)
    %add3A_149 = arith.constant 256 : i32
    %add3A_150 = arith.addi %mul3A_23, %add3A_149 : i32
    %dma_wait3A_151 = arith.constant 0 : i32
    %dma_wait3A_152 = tpu.memref_slice %arg32[%add3A_150, %dma_wait3A_151] : memref<6016x128xf32, #tpu.memory_space<vmem_shared>> -> memref<32x128xf32, #tpu.memory_space<vmem_shared>>
    %dma_wait3A_153 = arith.constant 0 : i32
    %dma_wait3A_154 = tpu.memref_slice %arg32[%add3A_150, %dma_wait3A_153] : memref<6016x128xf32, #tpu.memory_space<vmem_shared>> -> memref<32x128xf32, #tpu.memory_space<vmem_shared>>
    tpu.wait_dma2 semaphore(%arg33 : memref<!tpu.dma_semaphore, #tpu.memory_space<semaphore_mem>>) src(%arg24 : memref<32x128xf32, #tpu.memory_space<vmem>>) dst(%dma_wait3A_154 : memref<32x128xf32, #tpu.memory_space<vmem_shared>>)
    %add3A_155 = arith.constant 288 : i32
    %add3A_156 = arith.addi %mul3A_23, %add3A_155 : i32
    %dma_wait3A_157 = arith.constant 0 : i32
    %dma_wait3A_158 = tpu.memref_slice %arg32[%add3A_156, %dma_wait3A_157] : memref<6016x128xf32, #tpu.memory_space<vmem_shared>> -> memref<32x128xf32, #tpu.memory_space<vmem_shared>>
    %dma_wait3A_159 = arith.constant 0 : i32
    %dma_wait3A_160 = tpu.memref_slice %arg32[%add3A_156, %dma_wait3A_159] : memref<6016x128xf32, #tpu.memory_space<vmem_shared>> -> memref<32x128xf32, #tpu.memory_space<vmem_shared>>
    tpu.wait_dma2 semaphore(%arg33 : memref<!tpu.dma_semaphore, #tpu.memory_space<semaphore_mem>>) src(%arg24 : memref<32x128xf32, #tpu.memory_space<vmem>>) dst(%dma_wait3A_160 : memref<32x128xf32, #tpu.memory_space<vmem_shared>>)
    %add3A_161 = arith.constant 320 : i32
    %add3A_162 = arith.addi %mul3A_23, %add3A_161 : i32
    %dma_wait3A_163 = arith.constant 0 : i32
    %dma_wait3A_164 = tpu.memref_slice %arg32[%add3A_162, %dma_wait3A_163] : memref<6016x128xf32, #tpu.memory_space<vmem_shared>> -> memref<32x128xf32, #tpu.memory_space<vmem_shared>>
    %dma_wait3A_165 = arith.constant 0 : i32
    %dma_wait3A_166 = tpu.memref_slice %arg32[%add3A_162, %dma_wait3A_165] : memref<6016x128xf32, #tpu.memory_space<vmem_shared>> -> memref<32x128xf32, #tpu.memory_space<vmem_shared>>
    tpu.wait_dma2 semaphore(%arg33 : memref<!tpu.dma_semaphore, #tpu.memory_space<semaphore_mem>>) src(%arg24 : memref<32x128xf32, #tpu.memory_space<vmem>>) dst(%dma_wait3A_166 : memref<32x128xf32, #tpu.memory_space<vmem_shared>>)
    %add3A_167 = arith.constant 376 : i32
    %add3A_168 = arith.addi %mul3A_23, %add3A_167 : i32
    %sub3A_169 = arith.constant 24 : i32
    %sub3A_170 = arith.subi %add3A_168, %sub3A_169 : i32
    %dma_wait3A_171 = arith.constant 0 : i32
    %dma_wait3A_172 = arith.constant 0 : i32
    %dma_wait3A_173 = tpu.memref_slice %arg24[%dma_wait3A_171, %dma_wait3A_172] : memref<32x128xf32, #tpu.memory_space<vmem>> -> memref<24x128xf32, #tpu.memory_space<vmem>>
    %dma_wait3A_174 = arith.constant 0 : i32
    %dma_wait3A_175 = tpu.memref_slice %arg32[%sub3A_170, %dma_wait3A_174] : memref<6016x128xf32, #tpu.memory_space<vmem_shared>> -> memref<24x128xf32, #tpu.memory_space<vmem_shared>>
    %dma_wait3A_176 = arith.constant 0 : i32
    %dma_wait3A_177 = tpu.memref_slice %arg32[%sub3A_170, %dma_wait3A_176] : memref<6016x128xf32, #tpu.memory_space<vmem_shared>> -> memref<24x128xf32, #tpu.memory_space<vmem_shared>>
    %dma_wait3A_178 = arith.constant 0 : i32
    %dma_wait3A_179 = arith.constant 0 : i32
    %dma_wait3A_180 = tpu.memref_slice %arg24[%dma_wait3A_178, %dma_wait3A_179] : memref<32x128xf32, #tpu.memory_space<vmem>> -> memref<24x128xf32, #tpu.memory_space<vmem>>
    tpu.wait_dma2 semaphore(%arg33 : memref<!tpu.dma_semaphore, #tpu.memory_space<semaphore_mem>>) src(%dma_wait3A_180 : memref<24x128xf32, #tpu.memory_space<vmem>>) dst(%dma_wait3A_177 : memref<24x128xf32, #tpu.memory_space<vmem_shared>>)
    %barrier3A = arith.constant 0 : index
    tpu.barrier barrier_id(%barrier3A)
    %broadcast_in_dim3A_181 = arith.constant 1.000000e+00 : f32
    %broadcast_in_dim3A_182 = vector.broadcast %broadcast_in_dim3A_181 : f32 to vector<16xf32>
    %iota3A = tpu.iota {dimensions = array<i32: 0>} : vector<16xi32>
    %scan3A_183 = arith.constant 0 : i32
    %scan3A_184 = arith.constant 0 : i32
    %scan3A_185 = arith.constant 125 : i32
    %scan3A_186 = arith.addi %scan3A_184, %scan3A_185 : i32
    %scan3A_187 = arith.constant 1 : i32
    %scan3A_188 = scf.for %scan3A_348 = %scan3A_184 to %scan3A_186 step %scan3A_187 iter_args(%scan3A_349 = %scan3A_183) -> (i32)  : i32 {
      %get3A = arith.index_cast %scan3A_348 : i32 to index
      %get3A_350 = arith.constant 0 : index
      %get3A_351 = tpu.vector_load %arg8[%get3A, %get3A_350] {strides = array<i32>} : memref<126x80xi32, #tpu.memory_space<vmem>>, vector<16xi32>,
      %lt3A = arith.constant 6016 : i32
      %lt3A_352 = vector.broadcast %lt3A : i32 to vector<16xi32>
      %lt3A_353 = arith.cmpi slt, %get3A_351, %lt3A_352 : vector<16xi32>
      %mul3A_354 = arith.constant 128 : i32
      %mul3A_355 = arith.muli %scan3A_348, %mul3A_354 : i32
      %add3A_356 = arith.constant 0 : i32
      %add3A_357 = arith.addi %mul3A_355, %add3A_356 : i32
      %add3A_358 = vector.broadcast %add3A_357 : i32 to vector<16xi32>
      %add3A_359 = arith.addi %add3A_358, %iota3A : vector<16xi32>
      %swap3A_360 = arith.index_cast %scan3A_349 : i32 to index
      %swap3A_361 = tpu.vector_load %arg9[%swap3A_360] masked %lt3A_353 {strides = array<i32>} : memref<10240xi32, #tpu.memory_space<vmem>>, vector<16xi32>, vector<16xi1>
      tpu.vector_store %arg9[%swap3A_360], %add3A_359 masked %lt3A_353 {strides = array<i32>} : memref<10240xi32, #tpu.memory_space<vmem>>, vector<16xi32>, vector<16xi1>
      %min3A = arith.constant 6016 : i32
      %min3A_362 = vector.broadcast %min3A : i32 to vector<16xi32>
      %min3A_363 = arith.minsi %get3A_351, %min3A_362 : vector<16xi32>
      tpu.vector_store_idx %arg31[%min3A_363], %broadcast_in_dim3A_182 {add = true} : memref<6032xf32, #tpu.memory_space<vmem>>[vector<16xi32>], vector<16xf32>,
      %all_reduce_population_count3A = tpu.all_reduce %lt3A_353 {dim = 0 : i64, kind = #tpu.reduction_kind<sum>} : vector<16xi1> -> vector<16xi32>
      %slice3A = vector.extract_strided_slice %all_reduce_population_count3A {offsets = [0], sizes = [1], strides = [1]} : vector<16xi32> to vector<1xi32>
      %squeeze3A = vector.extract %slice3A[0] : i32 from vector<1xi32>
      %add3A_364 = arith.addi %scan3A_349, %squeeze3A : i32
      %get3A_365 = arith.index_cast %scan3A_348 : i32 to index
      %get3A_366 = arith.constant 16 : index
      %get3A_367 = tpu.vector_load %arg8[%get3A_365, %get3A_366] {strides = array<i32>} : memref<126x80xi32, #tpu.memory_space<vmem>>, vector<16xi32>,
      %lt3A_368 = arith.constant 6016 : i32
      %lt3A_369 = vector.broadcast %lt3A_368 : i32 to vector<16xi32>
      %lt3A_370 = arith.cmpi slt, %get3A_367, %lt3A_369 : vector<16xi32>
      %mul3A_371 = arith.constant 128 : i32
      %mul3A_372 = arith.muli %scan3A_348, %mul3A_371 : i32
      %add3A_373 = arith.constant 16 : i32
      %add3A_374 = arith.addi %mul3A_372, %add3A_373 : i32
      %add3A_375 = vector.broadcast %add3A_374 : i32 to vector<16xi32>
      %add3A_376 = arith.addi %add3A_375, %iota3A : vector<16xi32>
      %swap3A_377 = arith.index_cast %add3A_364 : i32 to index
      %swap3A_378 = tpu.vector_load %arg9[%swap3A_377] masked %lt3A_370 {strides = array<i32>} : memref<10240xi32, #tpu.memory_space<vmem>>, vector<16xi32>, vector<16xi1>
      tpu.vector_store %arg9[%swap3A_377], %add3A_376 masked %lt3A_370 {strides = array<i32>} : memref<10240xi32, #tpu.memory_space<vmem>>, vector<16xi32>, vector<16xi1>
      %min3A_379 = arith.constant 6016 : i32
      %min3A_380 = vector.broadcast %min3A_379 : i32 to vector<16xi32>
      %min3A_381 = arith.minsi %get3A_367, %min3A_380 : vector<16xi32>
      tpu.vector_store_idx %arg31[%min3A_381], %broadcast_in_dim3A_182 {add = true} : memref<6032xf32, #tpu.memory_space<vmem>>[vector<16xi32>], vector<16xf32>,
      %all_reduce_population_count3A_382 = tpu.all_reduce %lt3A_370 {dim = 0 : i64, kind = #tpu.reduction_kind<sum>} : vector<16xi1> -> vector<16xi32>
      %slice3A_383 = vector.extract_strided_slice %all_reduce_population_count3A_382 {offsets = [0], sizes = [1], strides = [1]} : vector<16xi32> to vector<1xi32>
      %squeeze3A_384 = vector.extract %slice3A_383[0] : i32 from vector<1xi32>
      %add3A_385 = arith.addi %add3A_364, %squeeze3A_384 : i32
      %get3A_386 = arith.index_cast %scan3A_348 : i32 to index
      %get3A_387 = arith.constant 32 : index
      %get3A_388 = tpu.vector_load %arg8[%get3A_386, %get3A_387] {strides = array<i32>} : memref<126x80xi32, #tpu.memory_space<vmem>>, vector<16xi32>,
      %lt3A_389 = arith.constant 6016 : i32
      %lt3A_390 = vector.broadcast %lt3A_389 : i32 to vector<16xi32>
      %lt3A_391 = arith.cmpi slt, %get3A_388, %lt3A_390 : vector<16xi32>
      %mul3A_392 = arith.constant 128 : i32
      %mul3A_393 = arith.muli %scan3A_348, %mul3A_392 : i32
      %add3A_394 = arith.constant 32 : i32
      %add3A_395 = arith.addi %mul3A_393, %add3A_394 : i32
      %add3A_396 = vector.broadcast %add3A_395 : i32 to vector<16xi32>
      %add3A_397 = arith.addi %add3A_396, %iota3A : vector<16xi32>
      %swap3A_398 = arith.index_cast %add3A_385 : i32 to index
      %swap3A_399 = tpu.vector_load %arg9[%swap3A_398] masked %lt3A_391 {strides = array<i32>} : memref<10240xi32, #tpu.memory_space<vmem>>, vector<16xi32>, vector<16xi1>
      tpu.vector_store %arg9[%swap3A_398], %add3A_397 masked %lt3A_391 {strides = array<i32>} : memref<10240xi32, #tpu.memory_space<vmem>>, vector<16xi32>, vector<16xi1>
      %min3A_400 = arith.constant 6016 : i32
      %min3A_401 = vector.broadcast %min3A_400 : i32 to vector<16xi32>
      %min3A_402 = arith.minsi %get3A_388, %min3A_401 : vector<16xi32>
      tpu.vector_store_idx %arg31[%min3A_402], %broadcast_in_dim3A_182 {add = true} : memref<6032xf32, #tpu.memory_space<vmem>>[vector<16xi32>], vector<16xf32>,
      %all_reduce_population_count3A_403 = tpu.all_reduce %lt3A_391 {dim = 0 : i64, kind = #tpu.reduction_kind<sum>} : vector<16xi1> -> vector<16xi32>
      %slice3A_404 = vector.extract_strided_slice %all_reduce_population_count3A_403 {offsets = [0], sizes = [1], strides = [1]} : vector<16xi32> to vector<1xi32>
      %squeeze3A_405 = vector.extract %slice3A_404[0] : i32 from vector<1xi32>
      %add3A_406 = arith.addi %add3A_385, %squeeze3A_405 : i32
      %get3A_407 = arith.index_cast %scan3A_348 : i32 to index
      %get3A_408 = arith.constant 48 : index
      %get3A_409 = tpu.vector_load %arg8[%get3A_407, %get3A_408] {strides = array<i32>} : memref<126x80xi32, #tpu.memory_space<vmem>>, vector<16xi32>,
      %lt3A_410 = arith.constant 6016 : i32
      %lt3A_411 = vector.broadcast %lt3A_410 : i32 to vector<16xi32>
      %lt3A_412 = arith.cmpi slt, %get3A_409, %lt3A_411 : vector<16xi32>
      %mul3A_413 = arith.constant 128 : i32
      %mul3A_414 = arith.muli %scan3A_348, %mul3A_413 : i32
      %add3A_415 = arith.constant 48 : i32
      %add3A_416 = arith.addi %mul3A_414, %add3A_415 : i32
      %add3A_417 = vector.broadcast %add3A_416 : i32 to vector<16xi32>
      %add3A_418 = arith.addi %add3A_417, %iota3A : vector<16xi32>
      %swap3A_419 = arith.index_cast %add3A_406 : i32 to index
      %swap3A_420 = tpu.vector_load %arg9[%swap3A_419] masked %lt3A_412 {strides = array<i32>} : memref<10240xi32, #tpu.memory_space<vmem>>, vector<16xi32>, vector<16xi1>
      tpu.vector_store %arg9[%swap3A_419], %add3A_418 masked %lt3A_412 {strides = array<i32>} : memref<10240xi32, #tpu.memory_space<vmem>>, vector<16xi32>, vector<16xi1>
      %min3A_421 = arith.constant 6016 : i32
      %min3A_422 = vector.broadcast %min3A_421 : i32 to vector<16xi32>
      %min3A_423 = arith.minsi %get3A_409, %min3A_422 : vector<16xi32>
      tpu.vector_store_idx %arg31[%min3A_423], %broadcast_in_dim3A_182 {add = true} : memref<6032xf32, #tpu.memory_space<vmem>>[vector<16xi32>], vector<16xf32>,
      %all_reduce_population_count3A_424 = tpu.all_reduce %lt3A_412 {dim = 0 : i64, kind = #tpu.reduction_kind<sum>} : vector<16xi1> -> vector<16xi32>
      %slice3A_425 = vector.extract_strided_slice %all_reduce_population_count3A_424 {offsets = [0], sizes = [1], strides = [1]} : vector<16xi32> to vector<1xi32>
      %squeeze3A_426 = vector.extract %slice3A_425[0] : i32 from vector<1xi32>
      %add3A_427 = arith.addi %add3A_406, %squeeze3A_426 : i32
      %get3A_428 = arith.index_cast %scan3A_348 : i32 to index
      %get3A_429 = arith.constant 64 : index
      %get3A_430 = tpu.vector_load %arg8[%get3A_428, %get3A_429] {strides = array<i32>} : memref<126x80xi32, #tpu.memory_space<vmem>>, vector<16xi32>,
      %lt3A_431 = arith.constant 6016 : i32
      %lt3A_432 = vector.broadcast %lt3A_431 : i32 to vector<16xi32>
      %lt3A_433 = arith.cmpi slt, %get3A_430, %lt3A_432 : vector<16xi32>
      %mul3A_434 = arith.constant 128 : i32
      %mul3A_435 = arith.muli %scan3A_348, %mul3A_434 : i32
      %add3A_436 = arith.constant 64 : i32
      %add3A_437 = arith.addi %mul3A_435, %add3A_436 : i32
      %add3A_438 = vector.broadcast %add3A_437 : i32 to vector<16xi32>
      %add3A_439 = arith.addi %add3A_438, %iota3A : vector<16xi32>
      %swap3A_440 = arith.index_cast %add3A_427 : i32 to index
      %swap3A_441 = tpu.vector_load %arg9[%swap3A_440] masked %lt3A_433 {strides = array<i32>} : memref<10240xi32, #tpu.memory_space<vmem>>, vector<16xi32>, vector<16xi1>
      tpu.vector_store %arg9[%swap3A_440], %add3A_439 masked %lt3A_433 {strides = array<i32>} : memref<10240xi32, #tpu.memory_space<vmem>>, vector<16xi32>, vector<16xi1>
      %min3A_442 = arith.constant 6016 : i32
      %min3A_443 = vector.broadcast %min3A_442 : i32 to vector<16xi32>
      %min3A_444 = arith.minsi %get3A_430, %min3A_443 : vector<16xi32>
      tpu.vector_store_idx %arg31[%min3A_444], %broadcast_in_dim3A_182 {add = true} : memref<6032xf32, #tpu.memory_space<vmem>>[vector<16xi32>], vector<16xf32>,
      %all_reduce_population_count3A_445 = tpu.all_reduce %lt3A_433 {dim = 0 : i64, kind = #tpu.reduction_kind<sum>} : vector<16xi1> -> vector<16xi32>
      %slice3A_446 = vector.extract_strided_slice %all_reduce_population_count3A_445 {offsets = [0], sizes = [1], strides = [1]} : vector<16xi32> to vector<1xi32>
      %squeeze3A_447 = vector.extract %slice3A_446[0] : i32 from vector<1xi32>
      %add3A_448 = arith.addi %add3A_427, %squeeze3A_447 : i32
      scf.yield %add3A_448 : i32
    }
    %scan3A_189 = arith.constant 125 : i32
    %broadcast_in_dim3A_190 = arith.constant 16000 : i32
    %broadcast_in_dim3A_191 = vector.broadcast %broadcast_in_dim3A_190 : i32 to vector<16xi32>
    %add3A_192 = arith.addi %broadcast_in_dim3A_191, %iota3A : vector<16xi32>
    %add3A_193 = arith.constant 0 : i32
    %add3A_194 = arith.addi %scan3A_188, %add3A_193 : i32
    %swap3A_195 = arith.index_cast %add3A_194 : i32 to index
    %swap3A_196 = tpu.vector_load %arg9[%swap3A_195] {strides = array<i32>} : memref<10240xi32, #tpu.memory_space<vmem>>, vector<16xi32>,
    tpu.vector_store %arg9[%swap3A_195], %add3A_192 {strides = array<i32>} : memref<10240xi32, #tpu.memory_space<vmem>>, vector<16xi32>,
    %add3A_197 = arith.constant 16 : i32
    %add3A_198 = arith.addi %scan3A_188, %add3A_197 : i32
    %swap3A_199 = arith.index_cast %add3A_198 : i32 to index
    %swap3A_200 = tpu.vector_load %arg9[%swap3A_199] {strides = array<i32>} : memref<10240xi32, #tpu.memory_space<vmem>>, vector<16xi32>,
    tpu.vector_store %arg9[%swap3A_199], %add3A_192 {strides = array<i32>} : memref<10240xi32, #tpu.memory_space<vmem>>, vector<16xi32>,
    %add3A_201 = arith.constant 31 : i32
    %add3A_202 = arith.addi %scan3A_188, %add3A_201 : i32
    %shift_right_logical3A = arith.constant 5 : i32
    %shift_right_logical3A_203 = arith.shrui %add3A_202, %shift_right_logical3A : i32
    %mul3A_204 = arith.constant 32 : i32
    %mul3A_205 = arith.muli %shift_right_logical3A_203, %mul3A_204 : i32
    %sub3A_206 = arith.subi %mul3A_205, %scan3A_188 : i32
    %convert_element_type3A = arith.sitofp %sub3A_206 : i32 to f32
    %broadcast_in_dim3A_207 = vector.broadcast %convert_element_type3A : f32 to vector<16xf32>
    %swap3A_208 = arith.constant 6016 : index
    %swap3A_209 = tpu.vector_load %arg31[%swap3A_208] {strides = array<i32>} : memref<6032xf32, #tpu.memory_space<vmem>>, vector<16xf32>,
    tpu.vector_store %arg31[%swap3A_208], %broadcast_in_dim3A_207 {strides = array<i32>} : memref<6032xf32, #tpu.memory_space<vmem>>, vector<16xf32>,
    %gt3A = arith.constant 0 : i32
    %gt3A_210 = arith.cmpi sgt, %shift_right_logical3A_203, %gt3A : i32
    %convert_element_type3A_211 = arith.extui %gt3A_210 : i1 to i32
    %cond3A = arith.constant 0 : i32
    %cond3A_212 = arith.cmpi ne, %convert_element_type3A_211, %cond3A : i32
    scf.if %cond3A_212 {
      %get3A = arith.constant 0 : index
      %get3A_348 = tpu.vector_load %arg9[%get3A] {strides = array<i32>} : memref<10240xi32, #tpu.memory_space<vmem>>, vector<16xi32>,
      %shift_right_logical3A_349 = arith.constant 7 : i32
      %shift_right_logical3A_350 = vector.broadcast %shift_right_logical3A_349 : i32 to vector<16xi32>
      %shift_right_logical3A_351 = arith.shrui %get3A_348, %shift_right_logical3A_350 : vector<16xi32>
      %and3A_352 = arith.constant 127 : i32
      %and3A_353 = vector.broadcast %and3A_352 : i32 to vector<16xi32>
      %and3A_354 = arith.andi %get3A_348, %and3A_353 : vector<16xi32>
      %gather3A = tpu.vector_load_idx %arg7[%shift_right_logical3A_351, %and3A_354] : memref<126x80xi32, #tpu.memory_space<vmem>>[vector<16xi32>, vector<16xi32>], vector<16xi32>,
      %swap3A_355 = arith.constant 0 : index
      %swap3A_356 = tpu.vector_load %arg10[%swap3A_355] {strides = array<i32>} : memref<32xi32, #tpu.memory_space<vmem>>, vector<16xi32>,
      tpu.vector_store %arg10[%swap3A_355], %gather3A {strides = array<i32>} : memref<32xi32, #tpu.memory_space<vmem>>, vector<16xi32>,
      %gather3A_357 = tpu.vector_load_idx %arg8[%shift_right_logical3A_351, %and3A_354] : memref<126x80xi32, #tpu.memory_space<vmem>>[vector<16xi32>, vector<16xi32>], vector<16xi32>,
      %swap3A_358 = arith.constant 0 : index
      %swap3A_359 = tpu.vector_load %arg11[%swap3A_358] {strides = array<i32>} : memref<32xi32, #tpu.memory_space<vmem>>, vector<16xi32>,
      tpu.vector_store %arg11[%swap3A_358], %gather3A_357 {strides = array<i32>} : memref<32xi32, #tpu.memory_space<vmem>>, vector<16xi32>,
      %get3A_360 = arith.constant 16 : index
      %get3A_361 = tpu.vector_load %arg9[%get3A_360] {strides = array<i32>} : memref<10240xi32, #tpu.memory_space<vmem>>, vector<16xi32>,
      %shift_right_logical3A_362 = arith.constant 7 : i32
      %shift_right_logical3A_363 = vector.broadcast %shift_right_logical3A_362 : i32 to vector<16xi32>
      %shift_right_logical3A_364 = arith.shrui %get3A_361, %shift_right_logical3A_363 : vector<16xi32>
      %and3A_365 = arith.constant 127 : i32
      %and3A_366 = vector.broadcast %and3A_365 : i32 to vector<16xi32>
      %and3A_367 = arith.andi %get3A_361, %and3A_366 : vector<16xi32>
      %gather3A_368 = tpu.vector_load_idx %arg7[%shift_right_logical3A_364, %and3A_367] : memref<126x80xi32, #tpu.memory_space<vmem>>[vector<16xi32>, vector<16xi32>], vector<16xi32>,
      %swap3A_369 = arith.constant 16 : index
      %swap3A_370 = tpu.vector_load %arg10[%swap3A_369] {strides = array<i32>} : memref<32xi32, #tpu.memory_space<vmem>>, vector<16xi32>,
      tpu.vector_store %arg10[%swap3A_369], %gather3A_368 {strides = array<i32>} : memref<32xi32, #tpu.memory_space<vmem>>, vector<16xi32>,
      %gather3A_371 = tpu.vector_load_idx %arg8[%shift_right_logical3A_364, %and3A_367] : memref<126x80xi32, #tpu.memory_space<vmem>>[vector<16xi32>, vector<16xi32>], vector<16xi32>,
      %swap3A_372 = arith.constant 16 : index
      %swap3A_373 = tpu.vector_load %arg11[%swap3A_372] {strides = array<i32>} : memref<32xi32, #tpu.memory_space<vmem>>, vector<16xi32>,
      tpu.vector_store %arg11[%swap3A_372], %gather3A_371 {strides = array<i32>} : memref<32xi32, #tpu.memory_space<vmem>>, vector<16xi32>,
      %dma_start3A_374 = arith.constant 0 : i32
      %dma_start3A_375 = arith.constant 0 : i32
      %dma_start3A_376 = tpu.memref_slice %arg2[%dma_start3A_374, %dma_start3A_375] : memref<10000x128xf32, #tpu.memory_space<hbm>> -> memref<10000x128xf32, #tpu.memory_space<hbm>>
      tpu.enqueue_indirect_dma source(%dma_start3A_376 : memref<10000x128xf32, #tpu.memory_space<hbm>>) target(%arg24 : memref<32x128xf32, #tpu.memory_space<vmem>>) offsets(%arg10 : memref<32xi32, #tpu.memory_space<vmem>>) semaphore(%arg33 : memref<!tpu.dma_semaphore, #tpu.memory_space<semaphore_mem>>)
    } else {
    }
    %gt3A_213 = arith.constant 1 : i32
    %gt3A_214 = arith.cmpi sgt, %shift_right_logical3A_203, %gt3A_213 : i32
    %convert_element_type3A_215 = arith.extui %gt3A_214 : i1 to i32
    %cond3A_216 = arith.constant 0 : i32
    %cond3A_217 = arith.cmpi ne, %convert_element_type3A_215, %cond3A_216 : i32
    scf.if %cond3A_217 {
      %get3A = arith.constant 32 : index
      %get3A_348 = tpu.vector_load %arg9[%get3A] {strides = array<i32>} : memref<10240xi32, #tpu.memory_space<vmem>>, vector<16xi32>,
      %shift_right_logical3A_349 = arith.constant 7 : i32
      %shift_right_logical3A_350 = vector.broadcast %shift_right_logical3A_349 : i32 to vector<16xi32>
      %shift_right_logical3A_351 = arith.shrui %get3A_348, %shift_right_logical3A_350 : vector<16xi32>
      %and3A_352 = arith.constant 127 : i32
      %and3A_353 = vector.broadcast %and3A_352 : i32 to vector<16xi32>
      %and3A_354 = arith.andi %get3A_348, %and3A_353 : vector<16xi32>
      %gather3A = tpu.vector_load_idx %arg7[%shift_right_logical3A_351, %and3A_354] : memref<126x80xi32, #tpu.memory_space<vmem>>[vector<16xi32>, vector<16xi32>], vector<16xi32>,
      %swap3A_355 = arith.constant 0 : index
      %swap3A_356 = tpu.vector_load %arg12[%swap3A_355] {strides = array<i32>} : memref<32xi32, #tpu.memory_space<vmem>>, vector<16xi32>,
      tpu.vector_store %arg12[%swap3A_355], %gather3A {strides = array<i32>} : memref<32xi32, #tpu.memory_space<vmem>>, vector<16xi32>,
      %gather3A_357 = tpu.vector_load_idx %arg8[%shift_right_logical3A_351, %and3A_354] : memref<126x80xi32, #tpu.memory_space<vmem>>[vector<16xi32>, vector<16xi32>], vector<16xi32>,
      %swap3A_358 = arith.constant 0 : index
      %swap3A_359 = tpu.vector_load %arg13[%swap3A_358] {strides = array<i32>} : memref<32xi32, #tpu.memory_space<vmem>>, vector<16xi32>,
      tpu.vector_store %arg13[%swap3A_358], %gather3A_357 {strides = array<i32>} : memref<32xi32, #tpu.memory_space<vmem>>, vector<16xi32>,
      %get3A_360 = arith.constant 48 : index
      %get3A_361 = tpu.vector_load %arg9[%get3A_360] {strides = array<i32>} : memref<10240xi32, #tpu.memory_space<vmem>>, vector<16xi32>,
      %shift_right_logical3A_362 = arith.constant 7 : i32
      %shift_right_logical3A_363 = vector.broadcast %shift_right_logical3A_362 : i32 to vector<16xi32>
      %shift_right_logical3A_364 = arith.shrui %get3A_361, %shift_right_logical3A_363 : vector<16xi32>
      %and3A_365 = arith.constant 127 : i32
      %and3A_366 = vector.broadcast %and3A_365 : i32 to vector<16xi32>
      %and3A_367 = arith.andi %get3A_361, %and3A_366 : vector<16xi32>
      %gather3A_368 = tpu.vector_load_idx %arg7[%shift_right_logical3A_364, %and3A_367] : memref<126x80xi32, #tpu.memory_space<vmem>>[vector<16xi32>, vector<16xi32>], vector<16xi32>,
      %swap3A_369 = arith.constant 16 : index
      %swap3A_370 = tpu.vector_load %arg12[%swap3A_369] {strides = array<i32>} : memref<32xi32, #tpu.memory_space<vmem>>, vector<16xi32>,
      tpu.vector_store %arg12[%swap3A_369], %gather3A_368 {strides = array<i32>} : memref<32xi32, #tpu.memory_space<vmem>>, vector<16xi32>,
      %gather3A_371 = tpu.vector_load_idx %arg8[%shift_right_logical3A_364, %and3A_367] : memref<126x80xi32, #tpu.memory_space<vmem>>[vector<16xi32>, vector<16xi32>], vector<16xi32>,
      %swap3A_372 = arith.constant 16 : index
      %swap3A_373 = tpu.vector_load %arg13[%swap3A_372] {strides = array<i32>} : memref<32xi32, #tpu.memory_space<vmem>>, vector<16xi32>,
      tpu.vector_store %arg13[%swap3A_372], %gather3A_371 {strides = array<i32>} : memref<32xi32, #tpu.memory_space<vmem>>, vector<16xi32>,
      %dma_start3A_374 = arith.constant 0 : i32
      %dma_start3A_375 = arith.constant 0 : i32
      %dma_start3A_376 = tpu.memref_slice %arg2[%dma_start3A_374, %dma_start3A_375] : memref<10000x128xf32, #tpu.memory_space<hbm>> -> memref<10000x128xf32, #tpu.memory_space<hbm>>
      tpu.enqueue_indirect_dma source(%dma_start3A_376 : memref<10000x128xf32, #tpu.memory_space<hbm>>) target(%arg25 : memref<32x128xf32, #tpu.memory_space<vmem>>) offsets(%arg12 : memref<32xi32, #tpu.memory_space<vmem>>) semaphore(%arg34 : memref<!tpu.dma_semaphore, #tpu.memory_space<semaphore_mem>>)
    } else {
    }
    %gt3A_218 = arith.constant 2 : i32
    %gt3A_219 = arith.cmpi sgt, %shift_right_logical3A_203, %gt3A_218 : i32
    %convert_element_type3A_220 = arith.extui %gt3A_219 : i1 to i32
    %cond3A_221 = arith.constant 0 : i32
    %cond3A_222 = arith.cmpi ne, %convert_element_type3A_220, %cond3A_221 : i32
    scf.if %cond3A_222 {
      %get3A = arith.constant 64 : index
      %get3A_348 = tpu.vector_load %arg9[%get3A] {strides = array<i32>} : memref<10240xi32, #tpu.memory_space<vmem>>, vector<16xi32>,
      %shift_right_logical3A_349 = arith.constant 7 : i32
      %shift_right_logical3A_350 = vector.broadcast %shift_right_logical3A_349 : i32 to vector<16xi32>
      %shift_right_logical3A_351 = arith.shrui %get3A_348, %shift_right_logical3A_350 : vector<16xi32>
      %and3A_352 = arith.constant 127 : i32
      %and3A_353 = vector.broadcast %and3A_352 : i32 to vector<16xi32>
      %and3A_354 = arith.andi %get3A_348, %and3A_353 : vector<16xi32>
      %gather3A = tpu.vector_load_idx %arg7[%shift_right_logical3A_351, %and3A_354] : memref<126x80xi32, #tpu.memory_space<vmem>>[vector<16xi32>, vector<16xi32>], vector<16xi32>,
      %swap3A_355 = arith.constant 0 : index
      %swap3A_356 = tpu.vector_load %arg14[%swap3A_355] {strides = array<i32>} : memref<32xi32, #tpu.memory_space<vmem>>, vector<16xi32>,
      tpu.vector_store %arg14[%swap3A_355], %gather3A {strides = array<i32>} : memref<32xi32, #tpu.memory_space<vmem>>, vector<16xi32>,
      %gather3A_357 = tpu.vector_load_idx %arg8[%shift_right_logical3A_351, %and3A_354] : memref<126x80xi32, #tpu.memory_space<vmem>>[vector<16xi32>, vector<16xi32>], vector<16xi32>,
      %swap3A_358 = arith.constant 0 : index
      %swap3A_359 = tpu.vector_load %arg15[%swap3A_358] {strides = array<i32>} : memref<32xi32, #tpu.memory_space<vmem>>, vector<16xi32>,
      tpu.vector_store %arg15[%swap3A_358], %gather3A_357 {strides = array<i32>} : memref<32xi32, #tpu.memory_space<vmem>>, vector<16xi32>,
      %get3A_360 = arith.constant 80 : index
      %get3A_361 = tpu.vector_load %arg9[%get3A_360] {strides = array<i32>} : memref<10240xi32, #tpu.memory_space<vmem>>, vector<16xi32>,
      %shift_right_logical3A_362 = arith.constant 7 : i32
      %shift_right_logical3A_363 = vector.broadcast %shift_right_logical3A_362 : i32 to vector<16xi32>
      %shift_right_logical3A_364 = arith.shrui %get3A_361, %shift_right_logical3A_363 : vector<16xi32>
      %and3A_365 = arith.constant 127 : i32
      %and3A_366 = vector.broadcast %and3A_365 : i32 to vector<16xi32>
      %and3A_367 = arith.andi %get3A_361, %and3A_366 : vector<16xi32>
      %gather3A_368 = tpu.vector_load_idx %arg7[%shift_right_logical3A_364, %and3A_367] : memref<126x80xi32, #tpu.memory_space<vmem>>[vector<16xi32>, vector<16xi32>], vector<16xi32>,
      %swap3A_369 = arith.constant 16 : index
      %swap3A_370 = tpu.vector_load %arg14[%swap3A_369] {strides = array<i32>} : memref<32xi32, #tpu.memory_space<vmem>>, vector<16xi32>,
      tpu.vector_store %arg14[%swap3A_369], %gather3A_368 {strides = array<i32>} : memref<32xi32, #tpu.memory_space<vmem>>, vector<16xi32>,
      %gather3A_371 = tpu.vector_load_idx %arg8[%shift_right_logical3A_364, %and3A_367] : memref<126x80xi32, #tpu.memory_space<vmem>>[vector<16xi32>, vector<16xi32>], vector<16xi32>,
      %swap3A_372 = arith.constant 16 : index
      %swap3A_373 = tpu.vector_load %arg15[%swap3A_372] {strides = array<i32>} : memref<32xi32, #tpu.memory_space<vmem>>, vector<16xi32>,
      tpu.vector_store %arg15[%swap3A_372], %gather3A_371 {strides = array<i32>} : memref<32xi32, #tpu.memory_space<vmem>>, vector<16xi32>,
      %dma_start3A_374 = arith.constant 0 : i32
      %dma_start3A_375 = arith.constant 0 : i32
      %dma_start3A_376 = tpu.memref_slice %arg2[%dma_start3A_374, %dma_start3A_375] : memref<10000x128xf32, #tpu.memory_space<hbm>> -> memref<10000x128xf32, #tpu.memory_space<hbm>>
      tpu.enqueue_indirect_dma source(%dma_start3A_376 : memref<10000x128xf32, #tpu.memory_space<hbm>>) target(%arg26 : memref<32x128xf32, #tpu.memory_space<vmem>>) offsets(%arg14 : memref<32xi32, #tpu.memory_space<vmem>>) semaphore(%arg35 : memref<!tpu.dma_semaphore, #tpu.memory_space<semaphore_mem>>)
    } else {
    }
    %gt3A_223 = arith.constant 3 : i32
    %gt3A_224 = arith.cmpi sgt, %shift_right_logical3A_203, %gt3A_223 : i32
    %convert_element_type3A_225 = arith.extui %gt3A_224 : i1 to i32
    %cond3A_226 = arith.constant 0 : i32
    %cond3A_227 = arith.cmpi ne, %convert_element_type3A_225, %cond3A_226 : i32
    scf.if %cond3A_227 {
      %get3A = arith.constant 96 : index
      %get3A_348 = tpu.vector_load %arg9[%get3A] {strides = array<i32>} : memref<10240xi32, #tpu.memory_space<vmem>>, vector<16xi32>,
      %shift_right_logical3A_349 = arith.constant 7 : i32
      %shift_right_logical3A_350 = vector.broadcast %shift_right_logical3A_349 : i32 to vector<16xi32>
      %shift_right_logical3A_351 = arith.shrui %get3A_348, %shift_right_logical3A_350 : vector<16xi32>
      %and3A_352 = arith.constant 127 : i32
      %and3A_353 = vector.broadcast %and3A_352 : i32 to vector<16xi32>
      %and3A_354 = arith.andi %get3A_348, %and3A_353 : vector<16xi32>
      %gather3A = tpu.vector_load_idx %arg7[%shift_right_logical3A_351, %and3A_354] : memref<126x80xi32, #tpu.memory_space<vmem>>[vector<16xi32>, vector<16xi32>], vector<16xi32>,
      %swap3A_355 = arith.constant 0 : index
      %swap3A_356 = tpu.vector_load %arg16[%swap3A_355] {strides = array<i32>} : memref<32xi32, #tpu.memory_space<vmem>>, vector<16xi32>,
      tpu.vector_store %arg16[%swap3A_355], %gather3A {strides = array<i32>} : memref<32xi32, #tpu.memory_space<vmem>>, vector<16xi32>,
      %gather3A_357 = tpu.vector_load_idx %arg8[%shift_right_logical3A_351, %and3A_354] : memref<126x80xi32, #tpu.memory_space<vmem>>[vector<16xi32>, vector<16xi32>], vector<16xi32>,
      %swap3A_358 = arith.constant 0 : index
      %swap3A_359 = tpu.vector_load %arg17[%swap3A_358] {strides = array<i32>} : memref<32xi32, #tpu.memory_space<vmem>>, vector<16xi32>,
      tpu.vector_store %arg17[%swap3A_358], %gather3A_357 {strides = array<i32>} : memref<32xi32, #tpu.memory_space<vmem>>, vector<16xi32>,
      %get3A_360 = arith.constant 112 : index
      %get3A_361 = tpu.vector_load %arg9[%get3A_360] {strides = array<i32>} : memref<10240xi32, #tpu.memory_space<vmem>>, vector<16xi32>,
      %shift_right_logical3A_362 = arith.constant 7 : i32
      %shift_right_logical3A_363 = vector.broadcast %shift_right_logical3A_362 : i32 to vector<16xi32>
      %shift_right_logical3A_364 = arith.shrui %get3A_361, %shift_right_logical3A_363 : vector<16xi32>
      %and3A_365 = arith.constant 127 : i32
      %and3A_366 = vector.broadcast %and3A_365 : i32 to vector<16xi32>
      %and3A_367 = arith.andi %get3A_361, %and3A_366 : vector<16xi32>
      %gather3A_368 = tpu.vector_load_idx %arg7[%shift_right_logical3A_364, %and3A_367] : memref<126x80xi32, #tpu.memory_space<vmem>>[vector<16xi32>, vector<16xi32>], vector<16xi32>,
      %swap3A_369 = arith.constant 16 : index
      %swap3A_370 = tpu.vector_load %arg16[%swap3A_369] {strides = array<i32>} : memref<32xi32, #tpu.memory_space<vmem>>, vector<16xi32>,
      tpu.vector_store %arg16[%swap3A_369], %gather3A_368 {strides = array<i32>} : memref<32xi32, #tpu.memory_space<vmem>>, vector<16xi32>,
      %gather3A_371 = tpu.vector_load_idx %arg8[%shift_right_logical3A_364, %and3A_367] : memref<126x80xi32, #tpu.memory_space<vmem>>[vector<16xi32>, vector<16xi32>], vector<16xi32>,
      %swap3A_372 = arith.constant 16 : index
      %swap3A_373 = tpu.vector_load %arg17[%swap3A_372] {strides = array<i32>} : memref<32xi32, #tpu.memory_space<vmem>>, vector<16xi32>,
      tpu.vector_store %arg17[%swap3A_372], %gather3A_371 {strides = array<i32>} : memref<32xi32, #tpu.memory_space<vmem>>, vector<16xi32>,
      %dma_start3A_374 = arith.constant 0 : i32
      %dma_start3A_375 = arith.constant 0 : i32
      %dma_start3A_376 = tpu.memref_slice %arg2[%dma_start3A_374, %dma_start3A_375] : memref<10000x128xf32, #tpu.memory_space<hbm>> -> memref<10000x128xf32, #tpu.memory_space<hbm>>
      tpu.enqueue_indirect_dma source(%dma_start3A_376 : memref<10000x128xf32, #tpu.memory_space<hbm>>) target(%arg27 : memref<32x128xf32, #tpu.memory_space<vmem>>) offsets(%arg16 : memref<32xi32, #tpu.memory_space<vmem>>) semaphore(%arg36 : memref<!tpu.dma_semaphore, #tpu.memory_space<semaphore_mem>>)
    } else {
    }
    %gt3A_228 = arith.constant 4 : i32
    %gt3A_229 = arith.cmpi sgt, %shift_right_logical3A_203, %gt3A_228 : i32
    %convert_element_type3A_230 = arith.extui %gt3A_229 : i1 to i32
    %cond3A_231 = arith.constant 0 : i32
    %cond3A_232 = arith.cmpi ne, %convert_element_type3A_230, %cond3A_231 : i32
    scf.if %cond3A_232 {
      %get3A = arith.constant 128 : index
      %get3A_348 = tpu.vector_load %arg9[%get3A] {strides = array<i32>} : memref<10240xi32, #tpu.memory_space<vmem>>, vector<16xi32>,
      %shift_right_logical3A_349 = arith.constant 7 : i32
      %shift_right_logical3A_350 = vector.broadcast %shift_right_logical3A_349 : i32 to vector<16xi32>
      %shift_right_logical3A_351 = arith.shrui %get3A_348, %shift_right_logical3A_350 : vector<16xi32>
      %and3A_352 = arith.constant 127 : i32
      %and3A_353 = vector.broadcast %and3A_352 : i32 to vector<16xi32>
      %and3A_354 = arith.andi %get3A_348, %and3A_353 : vector<16xi32>
      %gather3A = tpu.vector_load_idx %arg7[%shift_right_logical3A_351, %and3A_354] : memref<126x80xi32, #tpu.memory_space<vmem>>[vector<16xi32>, vector<16xi32>], vector<16xi32>,
      %swap3A_355 = arith.constant 0 : index
      %swap3A_356 = tpu.vector_load %arg18[%swap3A_355] {strides = array<i32>} : memref<32xi32, #tpu.memory_space<vmem>>, vector<16xi32>,
      tpu.vector_store %arg18[%swap3A_355], %gather3A {strides = array<i32>} : memref<32xi32, #tpu.memory_space<vmem>>, vector<16xi32>,
      %gather3A_357 = tpu.vector_load_idx %arg8[%shift_right_logical3A_351, %and3A_354] : memref<126x80xi32, #tpu.memory_space<vmem>>[vector<16xi32>, vector<16xi32>], vector<16xi32>,
      %swap3A_358 = arith.constant 0 : index
      %swap3A_359 = tpu.vector_load %arg19[%swap3A_358] {strides = array<i32>} : memref<32xi32, #tpu.memory_space<vmem>>, vector<16xi32>,
      tpu.vector_store %arg19[%swap3A_358], %gather3A_357 {strides = array<i32>} : memref<32xi32, #tpu.memory_space<vmem>>, vector<16xi32>,
      %get3A_360 = arith.constant 144 : index
      %get3A_361 = tpu.vector_load %arg9[%get3A_360] {strides = array<i32>} : memref<10240xi32, #tpu.memory_space<vmem>>, vector<16xi32>,
      %shift_right_logical3A_362 = arith.constant 7 : i32
      %shift_right_logical3A_363 = vector.broadcast %shift_right_logical3A_362 : i32 to vector<16xi32>
      %shift_right_logical3A_364 = arith.shrui %get3A_361, %shift_right_logical3A_363 : vector<16xi32>
      %and3A_365 = arith.constant 127 : i32
      %and3A_366 = vector.broadcast %and3A_365 : i32 to vector<16xi32>
      %and3A_367 = arith.andi %get3A_361, %and3A_366 : vector<16xi32>
      %gather3A_368 = tpu.vector_load_idx %arg7[%shift_right_logical3A_364, %and3A_367] : memref<126x80xi32, #tpu.memory_space<vmem>>[vector<16xi32>, vector<16xi32>], vector<16xi32>,
      %swap3A_369 = arith.constant 16 : index
      %swap3A_370 = tpu.vector_load %arg18[%swap3A_369] {strides = array<i32>} : memref<32xi32, #tpu.memory_space<vmem>>, vector<16xi32>,
      tpu.vector_store %arg18[%swap3A_369], %gather3A_368 {strides = array<i32>} : memref<32xi32, #tpu.memory_space<vmem>>, vector<16xi32>,
      %gather3A_371 = tpu.vector_load_idx %arg8[%shift_right_logical3A_364, %and3A_367] : memref<126x80xi32, #tpu.memory_space<vmem>>[vector<16xi32>, vector<16xi32>], vector<16xi32>,
      %swap3A_372 = arith.constant 16 : index
      %swap3A_373 = tpu.vector_load %arg19[%swap3A_372] {strides = array<i32>} : memref<32xi32, #tpu.memory_space<vmem>>, vector<16xi32>,
      tpu.vector_store %arg19[%swap3A_372], %gather3A_371 {strides = array<i32>} : memref<32xi32, #tpu.memory_space<vmem>>, vector<16xi32>,
      %dma_start3A_374 = arith.constant 0 : i32
      %dma_start3A_375 = arith.constant 0 : i32
      %dma_start3A_376 = tpu.memref_slice %arg2[%dma_start3A_374, %dma_start3A_375] : memref<10000x128xf32, #tpu.memory_space<hbm>> -> memref<10000x128xf32, #tpu.memory_space<hbm>>
      tpu.enqueue_indirect_dma source(%dma_start3A_376 : memref<10000x128xf32, #tpu.memory_space<hbm>>) target(%arg28 : memref<32x128xf32, #tpu.memory_space<vmem>>) offsets(%arg18 : memref<32xi32, #tpu.memory_space<vmem>>) semaphore(%arg37 : memref<!tpu.dma_semaphore, #tpu.memory_space<semaphore_mem>>)
    } else {
    }
    %gt3A_233 = arith.constant 5 : i32
    %gt3A_234 = arith.cmpi sgt, %shift_right_logical3A_203, %gt3A_233 : i32
    %convert_element_type3A_235 = arith.extui %gt3A_234 : i1 to i32
    %cond3A_236 = arith.constant 0 : i32
    %cond3A_237 = arith.cmpi ne, %convert_element_type3A_235, %cond3A_236 : i32
    scf.if %cond3A_237 {
      %get3A = arith.constant 160 : index
      %get3A_348 = tpu.vector_load %arg9[%get3A] {strides = array<i32>} : memref<10240xi32, #tpu.memory_space<vmem>>, vector<16xi32>,
      %shift_right_logical3A_349 = arith.constant 7 : i32
      %shift_right_logical3A_350 = vector.broadcast %shift_right_logical3A_349 : i32 to vector<16xi32>
      %shift_right_logical3A_351 = arith.shrui %get3A_348, %shift_right_logical3A_350 : vector<16xi32>
      %and3A_352 = arith.constant 127 : i32
      %and3A_353 = vector.broadcast %and3A_352 : i32 to vector<16xi32>
      %and3A_354 = arith.andi %get3A_348, %and3A_353 : vector<16xi32>
      %gather3A = tpu.vector_load_idx %arg7[%shift_right_logical3A_351, %and3A_354] : memref<126x80xi32, #tpu.memory_space<vmem>>[vector<16xi32>, vector<16xi32>], vector<16xi32>,
      %swap3A_355 = arith.constant 0 : index
      %swap3A_356 = tpu.vector_load %arg20[%swap3A_355] {strides = array<i32>} : memref<32xi32, #tpu.memory_space<vmem>>, vector<16xi32>,
      tpu.vector_store %arg20[%swap3A_355], %gather3A {strides = array<i32>} : memref<32xi32, #tpu.memory_space<vmem>>, vector<16xi32>,
      %gather3A_357 = tpu.vector_load_idx %arg8[%shift_right_logical3A_351, %and3A_354] : memref<126x80xi32, #tpu.memory_space<vmem>>[vector<16xi32>, vector<16xi32>], vector<16xi32>,
      %swap3A_358 = arith.constant 0 : index
      %swap3A_359 = tpu.vector_load %arg21[%swap3A_358] {strides = array<i32>} : memref<32xi32, #tpu.memory_space<vmem>>, vector<16xi32>,
      tpu.vector_store %arg21[%swap3A_358], %gather3A_357 {strides = array<i32>} : memref<32xi32, #tpu.memory_space<vmem>>, vector<16xi32>,
      %get3A_360 = arith.constant 176 : index
      %get3A_361 = tpu.vector_load %arg9[%get3A_360] {strides = array<i32>} : memref<10240xi32, #tpu.memory_space<vmem>>, vector<16xi32>,
      %shift_right_logical3A_362 = arith.constant 7 : i32
      %shift_right_logical3A_363 = vector.broadcast %shift_right_logical3A_362 : i32 to vector<16xi32>
      %shift_right_logical3A_364 = arith.shrui %get3A_361, %shift_right_logical3A_363 : vector<16xi32>
      %and3A_365 = arith.constant 127 : i32
      %and3A_366 = vector.broadcast %and3A_365 : i32 to vector<16xi32>
      %and3A_367 = arith.andi %get3A_361, %and3A_366 : vector<16xi32>
      %gather3A_368 = tpu.vector_load_idx %arg7[%shift_right_logical3A_364, %and3A_367] : memref<126x80xi32, #tpu.memory_space<vmem>>[vector<16xi32>, vector<16xi32>], vector<16xi32>,
      %swap3A_369 = arith.constant 16 : index
      %swap3A_370 = tpu.vector_load %arg20[%swap3A_369] {strides = array<i32>} : memref<32xi32, #tpu.memory_space<vmem>>, vector<16xi32>,
      tpu.vector_store %arg20[%swap3A_369], %gather3A_368 {strides = array<i32>} : memref<32xi32, #tpu.memory_space<vmem>>, vector<16xi32>,
      %gather3A_371 = tpu.vector_load_idx %arg8[%shift_right_logical3A_364, %and3A_367] : memref<126x80xi32, #tpu.memory_space<vmem>>[vector<16xi32>, vector<16xi32>], vector<16xi32>,
      %swap3A_372 = arith.constant 16 : index
      %swap3A_373 = tpu.vector_load %arg21[%swap3A_372] {strides = array<i32>} : memref<32xi32, #tpu.memory_space<vmem>>, vector<16xi32>,
      tpu.vector_store %arg21[%swap3A_372], %gather3A_371 {strides = array<i32>} : memref<32xi32, #tpu.memory_space<vmem>>, vector<16xi32>,
      %dma_start3A_374 = arith.constant 0 : i32
      %dma_start3A_375 = arith.constant 0 : i32
      %dma_start3A_376 = tpu.memref_slice %arg2[%dma_start3A_374, %dma_start3A_375] : memref<10000x128xf32, #tpu.memory_space<hbm>> -> memref<10000x128xf32, #tpu.memory_space<hbm>>
      tpu.enqueue_indirect_dma source(%dma_start3A_376 : memref<10000x128xf32, #tpu.memory_space<hbm>>) target(%arg29 : memref<32x128xf32, #tpu.memory_space<vmem>>) offsets(%arg20 : memref<32xi32, #tpu.memory_space<vmem>>) semaphore(%arg38 : memref<!tpu.dma_semaphore, #tpu.memory_space<semaphore_mem>>)
    } else {
    }
    %while3A = arith.constant 0 : i32
    %while3A_238 = arith.constant 0 : i32
    %while3A_239 = arith.subi %shift_right_logical3A_203, %while3A_238 : i32
    %while3A_240 = arith.addi %while3A_238, %while3A_239 : i32
    %while3A_241 = arith.constant 1 : i32
    %while3A_242 = arith.divsi %while3A_239, %while3A_241 : i32
    %while3A_243 = arith.muli %while3A_242, %while3A_241 : i32
    %while3A_244 = arith.addi %while3A_238, %while3A_243 : i32
    %while3A_245 = arith.constant 1 : i32
    scf.for %while3A_348 = %while3A_238 to %while3A_244 step %while3A_245  : i32 {
      %rem3A_349 = arith.constant 7 : i32
      %rem3A_350 = arith.remsi %while3A_348, %rem3A_349 : i32
      %eq3A_351 = arith.constant 0 : i32
      %eq3A_352 = arith.cmpi eq, %rem3A_350, %eq3A_351 : i32
      %convert_element_type3A_353 = arith.extui %eq3A_352 : i1 to i32
      %cond3A_354 = arith.constant 0 : i32
      %cond3A_355 = arith.cmpi ne, %convert_element_type3A_353, %cond3A_354 : i32
      scf.if %cond3A_355 {
        %dma_wait3A_398 = arith.constant 0 : i32
        %dma_wait3A_399 = arith.constant 0 : i32
        %dma_wait3A_400 = tpu.memref_slice %arg2[%dma_wait3A_398, %dma_wait3A_399] : memref<10000x128xf32, #tpu.memory_space<hbm>> -> memref<10000x128xf32, #tpu.memory_space<hbm>>
        tpu.wait_indirect_dma semaphore(%arg33 : memref<!tpu.dma_semaphore, #tpu.memory_space<semaphore_mem>>) src(%dma_wait3A_400 : memref<10000x128xf32, #tpu.memory_space<hbm>>) dst(%arg24 : memref<32x128xf32, #tpu.memory_space<vmem>>)
        %dma_start3A_401 = arith.constant 0 : i32
        %dma_start3A_402 = arith.constant 0 : i32
        %dma_start3A_403 = tpu.memref_slice %arg32[%dma_start3A_401, %dma_start3A_402] : memref<6016x128xf32, #tpu.memory_space<vmem_shared>> -> memref<6016x128xf32, #tpu.memory_space<vmem_shared>>
        tpu.enqueue_indirect_dma source(%arg24 : memref<32x128xf32, #tpu.memory_space<vmem>>) target(%dma_start3A_403 : memref<6016x128xf32, #tpu.memory_space<vmem_shared>>) offsets(%arg11 : memref<32xi32, #tpu.memory_space<vmem>>) semaphore(%arg40 : memref<!tpu.dma_semaphore, #tpu.memory_space<semaphore_mem>>) {add = true}
        %ge3A_404 = arith.constant 1 : i32
        %ge3A_405 = arith.cmpi sge, %while3A_348, %ge3A_404 : i32
        %convert_element_type3A_406 = arith.extui %ge3A_405 : i1 to i32
        %cond3A_407 = arith.constant 0 : i32
        %cond3A_408 = arith.cmpi ne, %convert_element_type3A_406, %cond3A_407 : i32
        scf.if %cond3A_408 {
          %dma_wait3A_414 = arith.constant 0 : i32
          %dma_wait3A_415 = arith.constant 0 : i32
          %dma_wait3A_416 = tpu.memref_slice %arg32[%dma_wait3A_414, %dma_wait3A_415] : memref<6016x128xf32, #tpu.memory_space<vmem_shared>> -> memref<6016x128xf32, #tpu.memory_space<vmem_shared>>
          tpu.wait_indirect_dma semaphore(%arg46 : memref<!tpu.dma_semaphore, #tpu.memory_space<semaphore_mem>>) src(%arg30 : memref<32x128xf32, #tpu.memory_space<vmem>>) dst(%dma_wait3A_416 : memref<6016x128xf32, #tpu.memory_space<vmem_shared>>)
        } else {
        }
        %add3A_409 = arith.constant 6 : i32
        %add3A_410 = arith.addi %while3A_348, %add3A_409 : i32
        %lt3A = arith.cmpi slt, %add3A_410, %shift_right_logical3A_203 : i32
        %convert_element_type3A_411 = arith.extui %lt3A : i1 to i32
        %cond3A_412 = arith.constant 0 : i32
        %cond3A_413 = arith.cmpi ne, %convert_element_type3A_411, %cond3A_412 : i32
        scf.if %cond3A_413 {
          %add3A_414 = arith.constant 6 : i32
          %add3A_415 = arith.addi %while3A_348, %add3A_414 : i32
          %mul3A_416 = arith.constant 32 : i32
          %mul3A_417 = arith.muli %add3A_415, %mul3A_416 : i32
          %add3A_418 = arith.constant 0 : i32
          %add3A_419 = arith.addi %mul3A_417, %add3A_418 : i32
          %get3A = arith.index_cast %add3A_419 : i32 to index
          %get3A_420 = tpu.vector_load %arg9[%get3A] {strides = array<i32>} : memref<10240xi32, #tpu.memory_space<vmem>>, vector<16xi32>,
          %shift_right_logical3A_421 = arith.constant 7 : i32
          %shift_right_logical3A_422 = vector.broadcast %shift_right_logical3A_421 : i32 to vector<16xi32>
          %shift_right_logical3A_423 = arith.shrui %get3A_420, %shift_right_logical3A_422 : vector<16xi32>
          %and3A_424 = arith.constant 127 : i32
          %and3A_425 = vector.broadcast %and3A_424 : i32 to vector<16xi32>
          %and3A_426 = arith.andi %get3A_420, %and3A_425 : vector<16xi32>
          %gather3A = tpu.vector_load_idx %arg7[%shift_right_logical3A_423, %and3A_426] : memref<126x80xi32, #tpu.memory_space<vmem>>[vector<16xi32>, vector<16xi32>], vector<16xi32>,
          %swap3A_427 = arith.constant 0 : index
          %swap3A_428 = tpu.vector_load %arg22[%swap3A_427] {strides = array<i32>} : memref<32xi32, #tpu.memory_space<vmem>>, vector<16xi32>,
          tpu.vector_store %arg22[%swap3A_427], %gather3A {strides = array<i32>} : memref<32xi32, #tpu.memory_space<vmem>>, vector<16xi32>,
          %gather3A_429 = tpu.vector_load_idx %arg8[%shift_right_logical3A_423, %and3A_426] : memref<126x80xi32, #tpu.memory_space<vmem>>[vector<16xi32>, vector<16xi32>], vector<16xi32>,
          %swap3A_430 = arith.constant 0 : index
          %swap3A_431 = tpu.vector_load %arg23[%swap3A_430] {strides = array<i32>} : memref<32xi32, #tpu.memory_space<vmem>>, vector<16xi32>,
          tpu.vector_store %arg23[%swap3A_430], %gather3A_429 {strides = array<i32>} : memref<32xi32, #tpu.memory_space<vmem>>, vector<16xi32>,
          %mul3A_432 = arith.constant 32 : i32
          %mul3A_433 = arith.muli %add3A_415, %mul3A_432 : i32
          %add3A_434 = arith.constant 16 : i32
          %add3A_435 = arith.addi %mul3A_433, %add3A_434 : i32
          %get3A_436 = arith.index_cast %add3A_435 : i32 to index
          %get3A_437 = tpu.vector_load %arg9[%get3A_436] {strides = array<i32>} : memref<10240xi32, #tpu.memory_space<vmem>>, vector<16xi32>,
          %shift_right_logical3A_438 = arith.constant 7 : i32
          %shift_right_logical3A_439 = vector.broadcast %shift_right_logical3A_438 : i32 to vector<16xi32>
          %shift_right_logical3A_440 = arith.shrui %get3A_437, %shift_right_logical3A_439 : vector<16xi32>
          %and3A_441 = arith.constant 127 : i32
          %and3A_442 = vector.broadcast %and3A_441 : i32 to vector<16xi32>
          %and3A_443 = arith.andi %get3A_437, %and3A_442 : vector<16xi32>
          %gather3A_444 = tpu.vector_load_idx %arg7[%shift_right_logical3A_440, %and3A_443] : memref<126x80xi32, #tpu.memory_space<vmem>>[vector<16xi32>, vector<16xi32>], vector<16xi32>,
          %swap3A_445 = arith.constant 16 : index
          %swap3A_446 = tpu.vector_load %arg22[%swap3A_445] {strides = array<i32>} : memref<32xi32, #tpu.memory_space<vmem>>, vector<16xi32>,
          tpu.vector_store %arg22[%swap3A_445], %gather3A_444 {strides = array<i32>} : memref<32xi32, #tpu.memory_space<vmem>>, vector<16xi32>,
          %gather3A_447 = tpu.vector_load_idx %arg8[%shift_right_logical3A_440, %and3A_443] : memref<126x80xi32, #tpu.memory_space<vmem>>[vector<16xi32>, vector<16xi32>], vector<16xi32>,
          %swap3A_448 = arith.constant 16 : index
          %swap3A_449 = tpu.vector_load %arg23[%swap3A_448] {strides = array<i32>} : memref<32xi32, #tpu.memory_space<vmem>>, vector<16xi32>,
          tpu.vector_store %arg23[%swap3A_448], %gather3A_447 {strides = array<i32>} : memref<32xi32, #tpu.memory_space<vmem>>, vector<16xi32>,
          %dma_start3A_450 = arith.constant 0 : i32
          %dma_start3A_451 = arith.constant 0 : i32
          %dma_start3A_452 = tpu.memref_slice %arg2[%dma_start3A_450, %dma_start3A_451] : memref<10000x128xf32, #tpu.memory_space<hbm>> -> memref<10000x128xf32, #tpu.memory_space<hbm>>
          tpu.enqueue_indirect_dma source(%dma_start3A_452 : memref<10000x128xf32, #tpu.memory_space<hbm>>) target(%arg30 : memref<32x128xf32, #tpu.memory_space<vmem>>) offsets(%arg22 : memref<32xi32, #tpu.memory_space<vmem>>) semaphore(%arg39 : memref<!tpu.dma_semaphore, #tpu.memory_space<semaphore_mem>>)
        } else {
        }
      } else {
      }
      %rem3A_356 = arith.constant 7 : i32
      %rem3A_357 = arith.remsi %while3A_348, %rem3A_356 : i32
      %eq3A_358 = arith.constant 1 : i32
      %eq3A_359 = arith.cmpi eq, %rem3A_357, %eq3A_358 : i32
      %convert_element_type3A_360 = arith.extui %eq3A_359 : i1 to i32
      %cond3A_361 = arith.constant 0 : i32
      %cond3A_362 = arith.cmpi ne, %convert_element_type3A_360, %cond3A_361 : i32
      scf.if %cond3A_362 {
        %dma_wait3A_398 = arith.constant 0 : i32
        %dma_wait3A_399 = arith.constant 0 : i32
        %dma_wait3A_400 = tpu.memref_slice %arg2[%dma_wait3A_398, %dma_wait3A_399] : memref<10000x128xf32, #tpu.memory_space<hbm>> -> memref<10000x128xf32, #tpu.memory_space<hbm>>
        tpu.wait_indirect_dma semaphore(%arg34 : memref<!tpu.dma_semaphore, #tpu.memory_space<semaphore_mem>>) src(%dma_wait3A_400 : memref<10000x128xf32, #tpu.memory_space<hbm>>) dst(%arg25 : memref<32x128xf32, #tpu.memory_space<vmem>>)
        %dma_start3A_401 = arith.constant 0 : i32
        %dma_start3A_402 = arith.constant 0 : i32
        %dma_start3A_403 = tpu.memref_slice %arg32[%dma_start3A_401, %dma_start3A_402] : memref<6016x128xf32, #tpu.memory_space<vmem_shared>> -> memref<6016x128xf32, #tpu.memory_space<vmem_shared>>
        tpu.enqueue_indirect_dma source(%arg25 : memref<32x128xf32, #tpu.memory_space<vmem>>) target(%dma_start3A_403 : memref<6016x128xf32, #tpu.memory_space<vmem_shared>>) offsets(%arg13 : memref<32xi32, #tpu.memory_space<vmem>>) semaphore(%arg41 : memref<!tpu.dma_semaphore, #tpu.memory_space<semaphore_mem>>) {add = true}
        %ge3A_404 = arith.constant 1 : i32
        %ge3A_405 = arith.cmpi sge, %while3A_348, %ge3A_404 : i32
        %convert_element_type3A_406 = arith.extui %ge3A_405 : i1 to i32
        %cond3A_407 = arith.constant 0 : i32
        %cond3A_408 = arith.cmpi ne, %convert_element_type3A_406, %cond3A_407 : i32
        scf.if %cond3A_408 {
          %dma_wait3A_414 = arith.constant 0 : i32
          %dma_wait3A_415 = arith.constant 0 : i32
          %dma_wait3A_416 = tpu.memref_slice %arg32[%dma_wait3A_414, %dma_wait3A_415] : memref<6016x128xf32, #tpu.memory_space<vmem_shared>> -> memref<6016x128xf32, #tpu.memory_space<vmem_shared>>
          tpu.wait_indirect_dma semaphore(%arg40 : memref<!tpu.dma_semaphore, #tpu.memory_space<semaphore_mem>>) src(%arg24 : memref<32x128xf32, #tpu.memory_space<vmem>>) dst(%dma_wait3A_416 : memref<6016x128xf32, #tpu.memory_space<vmem_shared>>)
        } else {
        }
        %add3A_409 = arith.constant 6 : i32
        %add3A_410 = arith.addi %while3A_348, %add3A_409 : i32
        %lt3A = arith.cmpi slt, %add3A_410, %shift_right_logical3A_203 : i32
        %convert_element_type3A_411 = arith.extui %lt3A : i1 to i32
        %cond3A_412 = arith.constant 0 : i32
        %cond3A_413 = arith.cmpi ne, %convert_element_type3A_411, %cond3A_412 : i32
        scf.if %cond3A_413 {
          %add3A_414 = arith.constant 6 : i32
          %add3A_415 = arith.addi %while3A_348, %add3A_414 : i32
          %mul3A_416 = arith.constant 32 : i32
          %mul3A_417 = arith.muli %add3A_415, %mul3A_416 : i32
          %add3A_418 = arith.constant 0 : i32
          %add3A_419 = arith.addi %mul3A_417, %add3A_418 : i32
          %get3A = arith.index_cast %add3A_419 : i32 to index
          %get3A_420 = tpu.vector_load %arg9[%get3A] {strides = array<i32>} : memref<10240xi32, #tpu.memory_space<vmem>>, vector<16xi32>,
          %shift_right_logical3A_421 = arith.constant 7 : i32
          %shift_right_logical3A_422 = vector.broadcast %shift_right_logical3A_421 : i32 to vector<16xi32>
          %shift_right_logical3A_423 = arith.shrui %get3A_420, %shift_right_logical3A_422 : vector<16xi32>
          %and3A_424 = arith.constant 127 : i32
          %and3A_425 = vector.broadcast %and3A_424 : i32 to vector<16xi32>
          %and3A_426 = arith.andi %get3A_420, %and3A_425 : vector<16xi32>
          %gather3A = tpu.vector_load_idx %arg7[%shift_right_logical3A_423, %and3A_426] : memref<126x80xi32, #tpu.memory_space<vmem>>[vector<16xi32>, vector<16xi32>], vector<16xi32>,
          %swap3A_427 = arith.constant 0 : index
          %swap3A_428 = tpu.vector_load %arg10[%swap3A_427] {strides = array<i32>} : memref<32xi32, #tpu.memory_space<vmem>>, vector<16xi32>,
          tpu.vector_store %arg10[%swap3A_427], %gather3A {strides = array<i32>} : memref<32xi32, #tpu.memory_space<vmem>>, vector<16xi32>,
          %gather3A_429 = tpu.vector_load_idx %arg8[%shift_right_logical3A_423, %and3A_426] : memref<126x80xi32, #tpu.memory_space<vmem>>[vector<16xi32>, vector<16xi32>], vector<16xi32>,
          %swap3A_430 = arith.constant 0 : index
          %swap3A_431 = tpu.vector_load %arg11[%swap3A_430] {strides = array<i32>} : memref<32xi32, #tpu.memory_space<vmem>>, vector<16xi32>,
          tpu.vector_store %arg11[%swap3A_430], %gather3A_429 {strides = array<i32>} : memref<32xi32, #tpu.memory_space<vmem>>, vector<16xi32>,
          %mul3A_432 = arith.constant 32 : i32
          %mul3A_433 = arith.muli %add3A_415, %mul3A_432 : i32
          %add3A_434 = arith.constant 16 : i32
          %add3A_435 = arith.addi %mul3A_433, %add3A_434 : i32
          %get3A_436 = arith.index_cast %add3A_435 : i32 to index
          %get3A_437 = tpu.vector_load %arg9[%get3A_436] {strides = array<i32>} : memref<10240xi32, #tpu.memory_space<vmem>>, vector<16xi32>,
          %shift_right_logical3A_438 = arith.constant 7 : i32
          %shift_right_logical3A_439 = vector.broadcast %shift_right_logical3A_438 : i32 to vector<16xi32>
          %shift_right_logical3A_440 = arith.shrui %get3A_437, %shift_right_logical3A_439 : vector<16xi32>
          %and3A_441 = arith.constant 127 : i32
          %and3A_442 = vector.broadcast %and3A_441 : i32 to vector<16xi32>
          %and3A_443 = arith.andi %get3A_437, %and3A_442 : vector<16xi32>
          %gather3A_444 = tpu.vector_load_idx %arg7[%shift_right_logical3A_440, %and3A_443] : memref<126x80xi32, #tpu.memory_space<vmem>>[vector<16xi32>, vector<16xi32>], vector<16xi32>,
          %swap3A_445 = arith.constant 16 : index
          %swap3A_446 = tpu.vector_load %arg10[%swap3A_445] {strides = array<i32>} : memref<32xi32, #tpu.memory_space<vmem>>, vector<16xi32>,
          tpu.vector_store %arg10[%swap3A_445], %gather3A_444 {strides = array<i32>} : memref<32xi32, #tpu.memory_space<vmem>>, vector<16xi32>,
          %gather3A_447 = tpu.vector_load_idx %arg8[%shift_right_logical3A_440, %and3A_443] : memref<126x80xi32, #tpu.memory_space<vmem>>[vector<16xi32>, vector<16xi32>], vector<16xi32>,
          %swap3A_448 = arith.constant 16 : index
          %swap3A_449 = tpu.vector_load %arg11[%swap3A_448] {strides = array<i32>} : memref<32xi32, #tpu.memory_space<vmem>>, vector<16xi32>,
          tpu.vector_store %arg11[%swap3A_448], %gather3A_447 {strides = array<i32>} : memref<32xi32, #tpu.memory_space<vmem>>, vector<16xi32>,
          %dma_start3A_450 = arith.constant 0 : i32
          %dma_start3A_451 = arith.constant 0 : i32
          %dma_start3A_452 = tpu.memref_slice %arg2[%dma_start3A_450, %dma_start3A_451] : memref<10000x128xf32, #tpu.memory_space<hbm>> -> memref<10000x128xf32, #tpu.memory_space<hbm>>
          tpu.enqueue_indirect_dma source(%dma_start3A_452 : memref<10000x128xf32, #tpu.memory_space<hbm>>) target(%arg24 : memref<32x128xf32, #tpu.memory_space<vmem>>) offsets(%arg10 : memref<32xi32, #tpu.memory_space<vmem>>) semaphore(%arg33 : memref<!tpu.dma_semaphore, #tpu.memory_space<semaphore_mem>>)
        } else {
        }
      } else {
      }
      %rem3A_363 = arith.constant 7 : i32
      %rem3A_364 = arith.remsi %while3A_348, %rem3A_363 : i32
      %eq3A_365 = arith.constant 2 : i32
      %eq3A_366 = arith.cmpi eq, %rem3A_364, %eq3A_365 : i32
      %convert_element_type3A_367 = arith.extui %eq3A_366 : i1 to i32
      %cond3A_368 = arith.constant 0 : i32
      %cond3A_369 = arith.cmpi ne, %convert_element_type3A_367, %cond3A_368 : i32
      scf.if %cond3A_369 {
        %dma_wait3A_398 = arith.constant 0 : i32
        %dma_wait3A_399 = arith.constant 0 : i32
        %dma_wait3A_400 = tpu.memref_slice %arg2[%dma_wait3A_398, %dma_wait3A_399] : memref<10000x128xf32, #tpu.memory_space<hbm>> -> memref<10000x128xf32, #tpu.memory_space<hbm>>
        tpu.wait_indirect_dma semaphore(%arg35 : memref<!tpu.dma_semaphore, #tpu.memory_space<semaphore_mem>>) src(%dma_wait3A_400 : memref<10000x128xf32, #tpu.memory_space<hbm>>) dst(%arg26 : memref<32x128xf32, #tpu.memory_space<vmem>>)
        %dma_start3A_401 = arith.constant 0 : i32
        %dma_start3A_402 = arith.constant 0 : i32
        %dma_start3A_403 = tpu.memref_slice %arg32[%dma_start3A_401, %dma_start3A_402] : memref<6016x128xf32, #tpu.memory_space<vmem_shared>> -> memref<6016x128xf32, #tpu.memory_space<vmem_shared>>
        tpu.enqueue_indirect_dma source(%arg26 : memref<32x128xf32, #tpu.memory_space<vmem>>) target(%dma_start3A_403 : memref<6016x128xf32, #tpu.memory_space<vmem_shared>>) offsets(%arg15 : memref<32xi32, #tpu.memory_space<vmem>>) semaphore(%arg42 : memref<!tpu.dma_semaphore, #tpu.memory_space<semaphore_mem>>) {add = true}
        %ge3A_404 = arith.constant 1 : i32
        %ge3A_405 = arith.cmpi sge, %while3A_348, %ge3A_404 : i32
        %convert_element_type3A_406 = arith.extui %ge3A_405 : i1 to i32
        %cond3A_407 = arith.constant 0 : i32
        %cond3A_408 = arith.cmpi ne, %convert_element_type3A_406, %cond3A_407 : i32
        scf.if %cond3A_408 {
          %dma_wait3A_414 = arith.constant 0 : i32
          %dma_wait3A_415 = arith.constant 0 : i32
          %dma_wait3A_416 = tpu.memref_slice %arg32[%dma_wait3A_414, %dma_wait3A_415] : memref<6016x128xf32, #tpu.memory_space<vmem_shared>> -> memref<6016x128xf32, #tpu.memory_space<vmem_shared>>
          tpu.wait_indirect_dma semaphore(%arg41 : memref<!tpu.dma_semaphore, #tpu.memory_space<semaphore_mem>>) src(%arg25 : memref<32x128xf32, #tpu.memory_space<vmem>>) dst(%dma_wait3A_416 : memref<6016x128xf32, #tpu.memory_space<vmem_shared>>)
        } else {
        }
        %add3A_409 = arith.constant 6 : i32
        %add3A_410 = arith.addi %while3A_348, %add3A_409 : i32
        %lt3A = arith.cmpi slt, %add3A_410, %shift_right_logical3A_203 : i32
        %convert_element_type3A_411 = arith.extui %lt3A : i1 to i32
        %cond3A_412 = arith.constant 0 : i32
        %cond3A_413 = arith.cmpi ne, %convert_element_type3A_411, %cond3A_412 : i32
        scf.if %cond3A_413 {
          %add3A_414 = arith.constant 6 : i32
          %add3A_415 = arith.addi %while3A_348, %add3A_414 : i32
          %mul3A_416 = arith.constant 32 : i32
          %mul3A_417 = arith.muli %add3A_415, %mul3A_416 : i32
          %add3A_418 = arith.constant 0 : i32
          %add3A_419 = arith.addi %mul3A_417, %add3A_418 : i32
          %get3A = arith.index_cast %add3A_419 : i32 to index
          %get3A_420 = tpu.vector_load %arg9[%get3A] {strides = array<i32>} : memref<10240xi32, #tpu.memory_space<vmem>>, vector<16xi32>,
          %shift_right_logical3A_421 = arith.constant 7 : i32
          %shift_right_logical3A_422 = vector.broadcast %shift_right_logical3A_421 : i32 to vector<16xi32>
          %shift_right_logical3A_423 = arith.shrui %get3A_420, %shift_right_logical3A_422 : vector<16xi32>
          %and3A_424 = arith.constant 127 : i32
          %and3A_425 = vector.broadcast %and3A_424 : i32 to vector<16xi32>
          %and3A_426 = arith.andi %get3A_420, %and3A_425 : vector<16xi32>
          %gather3A = tpu.vector_load_idx %arg7[%shift_right_logical3A_423, %and3A_426] : memref<126x80xi32, #tpu.memory_space<vmem>>[vector<16xi32>, vector<16xi32>], vector<16xi32>,
          %swap3A_427 = arith.constant 0 : index
          %swap3A_428 = tpu.vector_load %arg12[%swap3A_427] {strides = array<i32>} : memref<32xi32, #tpu.memory_space<vmem>>, vector<16xi32>,
          tpu.vector_store %arg12[%swap3A_427], %gather3A {strides = array<i32>} : memref<32xi32, #tpu.memory_space<vmem>>, vector<16xi32>,
          %gather3A_429 = tpu.vector_load_idx %arg8[%shift_right_logical3A_423, %and3A_426] : memref<126x80xi32, #tpu.memory_space<vmem>>[vector<16xi32>, vector<16xi32>], vector<16xi32>,
          %swap3A_430 = arith.constant 0 : index
          %swap3A_431 = tpu.vector_load %arg13[%swap3A_430] {strides = array<i32>} : memref<32xi32, #tpu.memory_space<vmem>>, vector<16xi32>,
          tpu.vector_store %arg13[%swap3A_430], %gather3A_429 {strides = array<i32>} : memref<32xi32, #tpu.memory_space<vmem>>, vector<16xi32>,
          %mul3A_432 = arith.constant 32 : i32
          %mul3A_433 = arith.muli %add3A_415, %mul3A_432 : i32
          %add3A_434 = arith.constant 16 : i32
          %add3A_435 = arith.addi %mul3A_433, %add3A_434 : i32
          %get3A_436 = arith.index_cast %add3A_435 : i32 to index
          %get3A_437 = tpu.vector_load %arg9[%get3A_436] {strides = array<i32>} : memref<10240xi32, #tpu.memory_space<vmem>>, vector<16xi32>,
          %shift_right_logical3A_438 = arith.constant 7 : i32
          %shift_right_logical3A_439 = vector.broadcast %shift_right_logical3A_438 : i32 to vector<16xi32>
          %shift_right_logical3A_440 = arith.shrui %get3A_437, %shift_right_logical3A_439 : vector<16xi32>
          %and3A_441 = arith.constant 127 : i32
          %and3A_442 = vector.broadcast %and3A_441 : i32 to vector<16xi32>
          %and3A_443 = arith.andi %get3A_437, %and3A_442 : vector<16xi32>
          %gather3A_444 = tpu.vector_load_idx %arg7[%shift_right_logical3A_440, %and3A_443] : memref<126x80xi32, #tpu.memory_space<vmem>>[vector<16xi32>, vector<16xi32>], vector<16xi32>,
          %swap3A_445 = arith.constant 16 : index
          %swap3A_446 = tpu.vector_load %arg12[%swap3A_445] {strides = array<i32>} : memref<32xi32, #tpu.memory_space<vmem>>, vector<16xi32>,
          tpu.vector_store %arg12[%swap3A_445], %gather3A_444 {strides = array<i32>} : memref<32xi32, #tpu.memory_space<vmem>>, vector<16xi32>,
          %gather3A_447 = tpu.vector_load_idx %arg8[%shift_right_logical3A_440, %and3A_443] : memref<126x80xi32, #tpu.memory_space<vmem>>[vector<16xi32>, vector<16xi32>], vector<16xi32>,
          %swap3A_448 = arith.constant 16 : index
          %swap3A_449 = tpu.vector_load %arg13[%swap3A_448] {strides = array<i32>} : memref<32xi32, #tpu.memory_space<vmem>>, vector<16xi32>,
          tpu.vector_store %arg13[%swap3A_448], %gather3A_447 {strides = array<i32>} : memref<32xi32, #tpu.memory_space<vmem>>, vector<16xi32>,
          %dma_start3A_450 = arith.constant 0 : i32
          %dma_start3A_451 = arith.constant 0 : i32
          %dma_start3A_452 = tpu.memref_slice %arg2[%dma_start3A_450, %dma_start3A_451] : memref<10000x128xf32, #tpu.memory_space<hbm>> -> memref<10000x128xf32, #tpu.memory_space<hbm>>
          tpu.enqueue_indirect_dma source(%dma_start3A_452 : memref<10000x128xf32, #tpu.memory_space<hbm>>) target(%arg25 : memref<32x128xf32, #tpu.memory_space<vmem>>) offsets(%arg12 : memref<32xi32, #tpu.memory_space<vmem>>) semaphore(%arg34 : memref<!tpu.dma_semaphore, #tpu.memory_space<semaphore_mem>>)
        } else {
        }
      } else {
      }
      %rem3A_370 = arith.constant 7 : i32
      %rem3A_371 = arith.remsi %while3A_348, %rem3A_370 : i32
      %eq3A_372 = arith.constant 3 : i32
      %eq3A_373 = arith.cmpi eq, %rem3A_371, %eq3A_372 : i32
      %convert_element_type3A_374 = arith.extui %eq3A_373 : i1 to i32
      %cond3A_375 = arith.constant 0 : i32
      %cond3A_376 = arith.cmpi ne, %convert_element_type3A_374, %cond3A_375 : i32
      scf.if %cond3A_376 {
        %dma_wait3A_398 = arith.constant 0 : i32
        %dma_wait3A_399 = arith.constant 0 : i32
        %dma_wait3A_400 = tpu.memref_slice %arg2[%dma_wait3A_398, %dma_wait3A_399] : memref<10000x128xf32, #tpu.memory_space<hbm>> -> memref<10000x128xf32, #tpu.memory_space<hbm>>
        tpu.wait_indirect_dma semaphore(%arg36 : memref<!tpu.dma_semaphore, #tpu.memory_space<semaphore_mem>>) src(%dma_wait3A_400 : memref<10000x128xf32, #tpu.memory_space<hbm>>) dst(%arg27 : memref<32x128xf32, #tpu.memory_space<vmem>>)
        %dma_start3A_401 = arith.constant 0 : i32
        %dma_start3A_402 = arith.constant 0 : i32
        %dma_start3A_403 = tpu.memref_slice %arg32[%dma_start3A_401, %dma_start3A_402] : memref<6016x128xf32, #tpu.memory_space<vmem_shared>> -> memref<6016x128xf32, #tpu.memory_space<vmem_shared>>
        tpu.enqueue_indirect_dma source(%arg27 : memref<32x128xf32, #tpu.memory_space<vmem>>) target(%dma_start3A_403 : memref<6016x128xf32, #tpu.memory_space<vmem_shared>>) offsets(%arg17 : memref<32xi32, #tpu.memory_space<vmem>>) semaphore(%arg43 : memref<!tpu.dma_semaphore, #tpu.memory_space<semaphore_mem>>) {add = true}
        %ge3A_404 = arith.constant 1 : i32
        %ge3A_405 = arith.cmpi sge, %while3A_348, %ge3A_404 : i32
        %convert_element_type3A_406 = arith.extui %ge3A_405 : i1 to i32
        %cond3A_407 = arith.constant 0 : i32
        %cond3A_408 = arith.cmpi ne, %convert_element_type3A_406, %cond3A_407 : i32
        scf.if %cond3A_408 {
          %dma_wait3A_414 = arith.constant 0 : i32
          %dma_wait3A_415 = arith.constant 0 : i32
          %dma_wait3A_416 = tpu.memref_slice %arg32[%dma_wait3A_414, %dma_wait3A_415] : memref<6016x128xf32, #tpu.memory_space<vmem_shared>> -> memref<6016x128xf32, #tpu.memory_space<vmem_shared>>
          tpu.wait_indirect_dma semaphore(%arg42 : memref<!tpu.dma_semaphore, #tpu.memory_space<semaphore_mem>>) src(%arg26 : memref<32x128xf32, #tpu.memory_space<vmem>>) dst(%dma_wait3A_416 : memref<6016x128xf32, #tpu.memory_space<vmem_shared>>)
        } else {
        }
        %add3A_409 = arith.constant 6 : i32
        %add3A_410 = arith.addi %while3A_348, %add3A_409 : i32
        %lt3A = arith.cmpi slt, %add3A_410, %shift_right_logical3A_203 : i32
        %convert_element_type3A_411 = arith.extui %lt3A : i1 to i32
        %cond3A_412 = arith.constant 0 : i32
        %cond3A_413 = arith.cmpi ne, %convert_element_type3A_411, %cond3A_412 : i32
        scf.if %cond3A_413 {
          %add3A_414 = arith.constant 6 : i32
          %add3A_415 = arith.addi %while3A_348, %add3A_414 : i32
          %mul3A_416 = arith.constant 32 : i32
          %mul3A_417 = arith.muli %add3A_415, %mul3A_416 : i32
          %add3A_418 = arith.constant 0 : i32
          %add3A_419 = arith.addi %mul3A_417, %add3A_418 : i32
          %get3A = arith.index_cast %add3A_419 : i32 to index
          %get3A_420 = tpu.vector_load %arg9[%get3A] {strides = array<i32>} : memref<10240xi32, #tpu.memory_space<vmem>>, vector<16xi32>,
          %shift_right_logical3A_421 = arith.constant 7 : i32
          %shift_right_logical3A_422 = vector.broadcast %shift_right_logical3A_421 : i32 to vector<16xi32>
          %shift_right_logical3A_423 = arith.shrui %get3A_420, %shift_right_logical3A_422 : vector<16xi32>
          %and3A_424 = arith.constant 127 : i32
          %and3A_425 = vector.broadcast %and3A_424 : i32 to vector<16xi32>
          %and3A_426 = arith.andi %get3A_420, %and3A_425 : vector<16xi32>
          %gather3A = tpu.vector_load_idx %arg7[%shift_right_logical3A_423, %and3A_426] : memref<126x80xi32, #tpu.memory_space<vmem>>[vector<16xi32>, vector<16xi32>], vector<16xi32>,
          %swap3A_427 = arith.constant 0 : index
          %swap3A_428 = tpu.vector_load %arg14[%swap3A_427] {strides = array<i32>} : memref<32xi32, #tpu.memory_space<vmem>>, vector<16xi32>,
          tpu.vector_store %arg14[%swap3A_427], %gather3A {strides = array<i32>} : memref<32xi32, #tpu.memory_space<vmem>>, vector<16xi32>,
          %gather3A_429 = tpu.vector_load_idx %arg8[%shift_right_logical3A_423, %and3A_426] : memref<126x80xi32, #tpu.memory_space<vmem>>[vector<16xi32>, vector<16xi32>], vector<16xi32>,
          %swap3A_430 = arith.constant 0 : index
          %swap3A_431 = tpu.vector_load %arg15[%swap3A_430] {strides = array<i32>} : memref<32xi32, #tpu.memory_space<vmem>>, vector<16xi32>,
          tpu.vector_store %arg15[%swap3A_430], %gather3A_429 {strides = array<i32>} : memref<32xi32, #tpu.memory_space<vmem>>, vector<16xi32>,
          %mul3A_432 = arith.constant 32 : i32
          %mul3A_433 = arith.muli %add3A_415, %mul3A_432 : i32
          %add3A_434 = arith.constant 16 : i32
          %add3A_435 = arith.addi %mul3A_433, %add3A_434 : i32
          %get3A_436 = arith.index_cast %add3A_435 : i32 to index
          %get3A_437 = tpu.vector_load %arg9[%get3A_436] {strides = array<i32>} : memref<10240xi32, #tpu.memory_space<vmem>>, vector<16xi32>,
          %shift_right_logical3A_438 = arith.constant 7 : i32
          %shift_right_logical3A_439 = vector.broadcast %shift_right_logical3A_438 : i32 to vector<16xi32>
          %shift_right_logical3A_440 = arith.shrui %get3A_437, %shift_right_logical3A_439 : vector<16xi32>
          %and3A_441 = arith.constant 127 : i32
          %and3A_442 = vector.broadcast %and3A_441 : i32 to vector<16xi32>
          %and3A_443 = arith.andi %get3A_437, %and3A_442 : vector<16xi32>
          %gather3A_444 = tpu.vector_load_idx %arg7[%shift_right_logical3A_440, %and3A_443] : memref<126x80xi32, #tpu.memory_space<vmem>>[vector<16xi32>, vector<16xi32>], vector<16xi32>,
          %swap3A_445 = arith.constant 16 : index
          %swap3A_446 = tpu.vector_load %arg14[%swap3A_445] {strides = array<i32>} : memref<32xi32, #tpu.memory_space<vmem>>, vector<16xi32>,
          tpu.vector_store %arg14[%swap3A_445], %gather3A_444 {strides = array<i32>} : memref<32xi32, #tpu.memory_space<vmem>>, vector<16xi32>,
          %gather3A_447 = tpu.vector_load_idx %arg8[%shift_right_logical3A_440, %and3A_443] : memref<126x80xi32, #tpu.memory_space<vmem>>[vector<16xi32>, vector<16xi32>], vector<16xi32>,
          %swap3A_448 = arith.constant 16 : index
          %swap3A_449 = tpu.vector_load %arg15[%swap3A_448] {strides = array<i32>} : memref<32xi32, #tpu.memory_space<vmem>>, vector<16xi32>,
          tpu.vector_store %arg15[%swap3A_448], %gather3A_447 {strides = array<i32>} : memref<32xi32, #tpu.memory_space<vmem>>, vector<16xi32>,
          %dma_start3A_450 = arith.constant 0 : i32
          %dma_start3A_451 = arith.constant 0 : i32
          %dma_start3A_452 = tpu.memref_slice %arg2[%dma_start3A_450, %dma_start3A_451] : memref<10000x128xf32, #tpu.memory_space<hbm>> -> memref<10000x128xf32, #tpu.memory_space<hbm>>
          tpu.enqueue_indirect_dma source(%dma_start3A_452 : memref<10000x128xf32, #tpu.memory_space<hbm>>) target(%arg26 : memref<32x128xf32, #tpu.memory_space<vmem>>) offsets(%arg14 : memref<32xi32, #tpu.memory_space<vmem>>) semaphore(%arg35 : memref<!tpu.dma_semaphore, #tpu.memory_space<semaphore_mem>>)
        } else {
        }
      } else {
      }
      %rem3A_377 = arith.constant 7 : i32
      %rem3A_378 = arith.remsi %while3A_348, %rem3A_377 : i32
      %eq3A_379 = arith.constant 4 : i32
      %eq3A_380 = arith.cmpi eq, %rem3A_378, %eq3A_379 : i32
      %convert_element_type3A_381 = arith.extui %eq3A_380 : i1 to i32
      %cond3A_382 = arith.constant 0 : i32
      %cond3A_383 = arith.cmpi ne, %convert_element_type3A_381, %cond3A_382 : i32
      scf.if %cond3A_383 {
        %dma_wait3A_398 = arith.constant 0 : i32
        %dma_wait3A_399 = arith.constant 0 : i32
        %dma_wait3A_400 = tpu.memref_slice %arg2[%dma_wait3A_398, %dma_wait3A_399] : memref<10000x128xf32, #tpu.memory_space<hbm>> -> memref<10000x128xf32, #tpu.memory_space<hbm>>
        tpu.wait_indirect_dma semaphore(%arg37 : memref<!tpu.dma_semaphore, #tpu.memory_space<semaphore_mem>>) src(%dma_wait3A_400 : memref<10000x128xf32, #tpu.memory_space<hbm>>) dst(%arg28 : memref<32x128xf32, #tpu.memory_space<vmem>>)
        %dma_start3A_401 = arith.constant 0 : i32
        %dma_start3A_402 = arith.constant 0 : i32
        %dma_start3A_403 = tpu.memref_slice %arg32[%dma_start3A_401, %dma_start3A_402] : memref<6016x128xf32, #tpu.memory_space<vmem_shared>> -> memref<6016x128xf32, #tpu.memory_space<vmem_shared>>
        tpu.enqueue_indirect_dma source(%arg28 : memref<32x128xf32, #tpu.memory_space<vmem>>) target(%dma_start3A_403 : memref<6016x128xf32, #tpu.memory_space<vmem_shared>>) offsets(%arg19 : memref<32xi32, #tpu.memory_space<vmem>>) semaphore(%arg44 : memref<!tpu.dma_semaphore, #tpu.memory_space<semaphore_mem>>) {add = true}
        %ge3A_404 = arith.constant 1 : i32
        %ge3A_405 = arith.cmpi sge, %while3A_348, %ge3A_404 : i32
        %convert_element_type3A_406 = arith.extui %ge3A_405 : i1 to i32
        %cond3A_407 = arith.constant 0 : i32
        %cond3A_408 = arith.cmpi ne, %convert_element_type3A_406, %cond3A_407 : i32
        scf.if %cond3A_408 {
          %dma_wait3A_414 = arith.constant 0 : i32
          %dma_wait3A_415 = arith.constant 0 : i32
          %dma_wait3A_416 = tpu.memref_slice %arg32[%dma_wait3A_414, %dma_wait3A_415] : memref<6016x128xf32, #tpu.memory_space<vmem_shared>> -> memref<6016x128xf32, #tpu.memory_space<vmem_shared>>
          tpu.wait_indirect_dma semaphore(%arg43 : memref<!tpu.dma_semaphore, #tpu.memory_space<semaphore_mem>>) src(%arg27 : memref<32x128xf32, #tpu.memory_space<vmem>>) dst(%dma_wait3A_416 : memref<6016x128xf32, #tpu.memory_space<vmem_shared>>)
        } else {
        }
        %add3A_409 = arith.constant 6 : i32
        %add3A_410 = arith.addi %while3A_348, %add3A_409 : i32
        %lt3A = arith.cmpi slt, %add3A_410, %shift_right_logical3A_203 : i32
        %convert_element_type3A_411 = arith.extui %lt3A : i1 to i32
        %cond3A_412 = arith.constant 0 : i32
        %cond3A_413 = arith.cmpi ne, %convert_element_type3A_411, %cond3A_412 : i32
        scf.if %cond3A_413 {
          %add3A_414 = arith.constant 6 : i32
          %add3A_415 = arith.addi %while3A_348, %add3A_414 : i32
          %mul3A_416 = arith.constant 32 : i32
          %mul3A_417 = arith.muli %add3A_415, %mul3A_416 : i32
          %add3A_418 = arith.constant 0 : i32
          %add3A_419 = arith.addi %mul3A_417, %add3A_418 : i32
          %get3A = arith.index_cast %add3A_419 : i32 to index
          %get3A_420 = tpu.vector_load %arg9[%get3A] {strides = array<i32>} : memref<10240xi32, #tpu.memory_space<vmem>>, vector<16xi32>,
          %shift_right_logical3A_421 = arith.constant 7 : i32
          %shift_right_logical3A_422 = vector.broadcast %shift_right_logical3A_421 : i32 to vector<16xi32>
          %shift_right_logical3A_423 = arith.shrui %get3A_420, %shift_right_logical3A_422 : vector<16xi32>
          %and3A_424 = arith.constant 127 : i32
          %and3A_425 = vector.broadcast %and3A_424 : i32 to vector<16xi32>
          %and3A_426 = arith.andi %get3A_420, %and3A_425 : vector<16xi32>
          %gather3A = tpu.vector_load_idx %arg7[%shift_right_logical3A_423, %and3A_426] : memref<126x80xi32, #tpu.memory_space<vmem>>[vector<16xi32>, vector<16xi32>], vector<16xi32>,
          %swap3A_427 = arith.constant 0 : index
          %swap3A_428 = tpu.vector_load %arg16[%swap3A_427] {strides = array<i32>} : memref<32xi32, #tpu.memory_space<vmem>>, vector<16xi32>,
          tpu.vector_store %arg16[%swap3A_427], %gather3A {strides = array<i32>} : memref<32xi32, #tpu.memory_space<vmem>>, vector<16xi32>,
          %gather3A_429 = tpu.vector_load_idx %arg8[%shift_right_logical3A_423, %and3A_426] : memref<126x80xi32, #tpu.memory_space<vmem>>[vector<16xi32>, vector<16xi32>], vector<16xi32>,
          %swap3A_430 = arith.constant 0 : index
          %swap3A_431 = tpu.vector_load %arg17[%swap3A_430] {strides = array<i32>} : memref<32xi32, #tpu.memory_space<vmem>>, vector<16xi32>,
          tpu.vector_store %arg17[%swap3A_430], %gather3A_429 {strides = array<i32>} : memref<32xi32, #tpu.memory_space<vmem>>, vector<16xi32>,
          %mul3A_432 = arith.constant 32 : i32
          %mul3A_433 = arith.muli %add3A_415, %mul3A_432 : i32
          %add3A_434 = arith.constant 16 : i32
          %add3A_435 = arith.addi %mul3A_433, %add3A_434 : i32
          %get3A_436 = arith.index_cast %add3A_435 : i32 to index
          %get3A_437 = tpu.vector_load %arg9[%get3A_436] {strides = array<i32>} : memref<10240xi32, #tpu.memory_space<vmem>>, vector<16xi32>,
          %shift_right_logical3A_438 = arith.constant 7 : i32
          %shift_right_logical3A_439 = vector.broadcast %shift_right_logical3A_438 : i32 to vector<16xi32>
          %shift_right_logical3A_440 = arith.shrui %get3A_437, %shift_right_logical3A_439 : vector<16xi32>
          %and3A_441 = arith.constant 127 : i32
          %and3A_442 = vector.broadcast %and3A_441 : i32 to vector<16xi32>
          %and3A_443 = arith.andi %get3A_437, %and3A_442 : vector<16xi32>
          %gather3A_444 = tpu.vector_load_idx %arg7[%shift_right_logical3A_440, %and3A_443] : memref<126x80xi32, #tpu.memory_space<vmem>>[vector<16xi32>, vector<16xi32>], vector<16xi32>,
          %swap3A_445 = arith.constant 16 : index
          %swap3A_446 = tpu.vector_load %arg16[%swap3A_445] {strides = array<i32>} : memref<32xi32, #tpu.memory_space<vmem>>, vector<16xi32>,
          tpu.vector_store %arg16[%swap3A_445], %gather3A_444 {strides = array<i32>} : memref<32xi32, #tpu.memory_space<vmem>>, vector<16xi32>,
          %gather3A_447 = tpu.vector_load_idx %arg8[%shift_right_logical3A_440, %and3A_443] : memref<126x80xi32, #tpu.memory_space<vmem>>[vector<16xi32>, vector<16xi32>], vector<16xi32>,
          %swap3A_448 = arith.constant 16 : index
          %swap3A_449 = tpu.vector_load %arg17[%swap3A_448] {strides = array<i32>} : memref<32xi32, #tpu.memory_space<vmem>>, vector<16xi32>,
          tpu.vector_store %arg17[%swap3A_448], %gather3A_447 {strides = array<i32>} : memref<32xi32, #tpu.memory_space<vmem>>, vector<16xi32>,
          %dma_start3A_450 = arith.constant 0 : i32
          %dma_start3A_451 = arith.constant 0 : i32
          %dma_start3A_452 = tpu.memref_slice %arg2[%dma_start3A_450, %dma_start3A_451] : memref<10000x128xf32, #tpu.memory_space<hbm>> -> memref<10000x128xf32, #tpu.memory_space<hbm>>
          tpu.enqueue_indirect_dma source(%dma_start3A_452 : memref<10000x128xf32, #tpu.memory_space<hbm>>) target(%arg27 : memref<32x128xf32, #tpu.memory_space<vmem>>) offsets(%arg16 : memref<32xi32, #tpu.memory_space<vmem>>) semaphore(%arg36 : memref<!tpu.dma_semaphore, #tpu.memory_space<semaphore_mem>>)
        } else {
        }
      } else {
      }
      %rem3A_384 = arith.constant 7 : i32
      %rem3A_385 = arith.remsi %while3A_348, %rem3A_384 : i32
      %eq3A_386 = arith.constant 5 : i32
      %eq3A_387 = arith.cmpi eq, %rem3A_385, %eq3A_386 : i32
      %convert_element_type3A_388 = arith.extui %eq3A_387 : i1 to i32
      %cond3A_389 = arith.constant 0 : i32
      %cond3A_390 = arith.cmpi ne, %convert_element_type3A_388, %cond3A_389 : i32
      scf.if %cond3A_390 {
        %dma_wait3A_398 = arith.constant 0 : i32
        %dma_wait3A_399 = arith.constant 0 : i32
        %dma_wait3A_400 = tpu.memref_slice %arg2[%dma_wait3A_398, %dma_wait3A_399] : memref<10000x128xf32, #tpu.memory_space<hbm>> -> memref<10000x128xf32, #tpu.memory_space<hbm>>
        tpu.wait_indirect_dma semaphore(%arg38 : memref<!tpu.dma_semaphore, #tpu.memory_space<semaphore_mem>>) src(%dma_wait3A_400 : memref<10000x128xf32, #tpu.memory_space<hbm>>) dst(%arg29 : memref<32x128xf32, #tpu.memory_space<vmem>>)
        %dma_start3A_401 = arith.constant 0 : i32
        %dma_start3A_402 = arith.constant 0 : i32
        %dma_start3A_403 = tpu.memref_slice %arg32[%dma_start3A_401, %dma_start3A_402] : memref<6016x128xf32, #tpu.memory_space<vmem_shared>> -> memref<6016x128xf32, #tpu.memory_space<vmem_shared>>
        tpu.enqueue_indirect_dma source(%arg29 : memref<32x128xf32, #tpu.memory_space<vmem>>) target(%dma_start3A_403 : memref<6016x128xf32, #tpu.memory_space<vmem_shared>>) offsets(%arg21 : memref<32xi32, #tpu.memory_space<vmem>>) semaphore(%arg45 : memref<!tpu.dma_semaphore, #tpu.memory_space<semaphore_mem>>) {add = true}
        %ge3A_404 = arith.constant 1 : i32
        %ge3A_405 = arith.cmpi sge, %while3A_348, %ge3A_404 : i32
        %convert_element_type3A_406 = arith.extui %ge3A_405 : i1 to i32
        %cond3A_407 = arith.constant 0 : i32
        %cond3A_408 = arith.cmpi ne, %convert_element_type3A_406, %cond3A_407 : i32
        scf.if %cond3A_408 {
          %dma_wait3A_414 = arith.constant 0 : i32
          %dma_wait3A_415 = arith.constant 0 : i32
          %dma_wait3A_416 = tpu.memref_slice %arg32[%dma_wait3A_414, %dma_wait3A_415] : memref<6016x128xf32, #tpu.memory_space<vmem_shared>> -> memref<6016x128xf32, #tpu.memory_space<vmem_shared>>
          tpu.wait_indirect_dma semaphore(%arg44 : memref<!tpu.dma_semaphore, #tpu.memory_space<semaphore_mem>>) src(%arg28 : memref<32x128xf32, #tpu.memory_space<vmem>>) dst(%dma_wait3A_416 : memref<6016x128xf32, #tpu.memory_space<vmem_shared>>)
        } else {
        }
        %add3A_409 = arith.constant 6 : i32
        %add3A_410 = arith.addi %while3A_348, %add3A_409 : i32
        %lt3A = arith.cmpi slt, %add3A_410, %shift_right_logical3A_203 : i32
        %convert_element_type3A_411 = arith.extui %lt3A : i1 to i32
        %cond3A_412 = arith.constant 0 : i32
        %cond3A_413 = arith.cmpi ne, %convert_element_type3A_411, %cond3A_412 : i32
        scf.if %cond3A_413 {
          %add3A_414 = arith.constant 6 : i32
          %add3A_415 = arith.addi %while3A_348, %add3A_414 : i32
          %mul3A_416 = arith.constant 32 : i32
          %mul3A_417 = arith.muli %add3A_415, %mul3A_416 : i32
          %add3A_418 = arith.constant 0 : i32
          %add3A_419 = arith.addi %mul3A_417, %add3A_418 : i32
          %get3A = arith.index_cast %add3A_419 : i32 to index
          %get3A_420 = tpu.vector_load %arg9[%get3A] {strides = array<i32>} : memref<10240xi32, #tpu.memory_space<vmem>>, vector<16xi32>,
          %shift_right_logical3A_421 = arith.constant 7 : i32
          %shift_right_logical3A_422 = vector.broadcast %shift_right_logical3A_421 : i32 to vector<16xi32>
          %shift_right_logical3A_423 = arith.shrui %get3A_420, %shift_right_logical3A_422 : vector<16xi32>
          %and3A_424 = arith.constant 127 : i32
          %and3A_425 = vector.broadcast %and3A_424 : i32 to vector<16xi32>
          %and3A_426 = arith.andi %get3A_420, %and3A_425 : vector<16xi32>
          %gather3A = tpu.vector_load_idx %arg7[%shift_right_logical3A_423, %and3A_426] : memref<126x80xi32, #tpu.memory_space<vmem>>[vector<16xi32>, vector<16xi32>], vector<16xi32>,
          %swap3A_427 = arith.constant 0 : index
          %swap3A_428 = tpu.vector_load %arg18[%swap3A_427] {strides = array<i32>} : memref<32xi32, #tpu.memory_space<vmem>>, vector<16xi32>,
          tpu.vector_store %arg18[%swap3A_427], %gather3A {strides = array<i32>} : memref<32xi32, #tpu.memory_space<vmem>>, vector<16xi32>,
          %gather3A_429 = tpu.vector_load_idx %arg8[%shift_right_logical3A_423, %and3A_426] : memref<126x80xi32, #tpu.memory_space<vmem>>[vector<16xi32>, vector<16xi32>], vector<16xi32>,
          %swap3A_430 = arith.constant 0 : index
          %swap3A_431 = tpu.vector_load %arg19[%swap3A_430] {strides = array<i32>} : memref<32xi32, #tpu.memory_space<vmem>>, vector<16xi32>,
          tpu.vector_store %arg19[%swap3A_430], %gather3A_429 {strides = array<i32>} : memref<32xi32, #tpu.memory_space<vmem>>, vector<16xi32>,
          %mul3A_432 = arith.constant 32 : i32
          %mul3A_433 = arith.muli %add3A_415, %mul3A_432 : i32
          %add3A_434 = arith.constant 16 : i32
          %add3A_435 = arith.addi %mul3A_433, %add3A_434 : i32
          %get3A_436 = arith.index_cast %add3A_435 : i32 to index
          %get3A_437 = tpu.vector_load %arg9[%get3A_436] {strides = array<i32>} : memref<10240xi32, #tpu.memory_space<vmem>>, vector<16xi32>,
          %shift_right_logical3A_438 = arith.constant 7 : i32
          %shift_right_logical3A_439 = vector.broadcast %shift_right_logical3A_438 : i32 to vector<16xi32>
          %shift_right_logical3A_440 = arith.shrui %get3A_437, %shift_right_logical3A_439 : vector<16xi32>
          %and3A_441 = arith.constant 127 : i32
          %and3A_442 = vector.broadcast %and3A_441 : i32 to vector<16xi32>
          %and3A_443 = arith.andi %get3A_437, %and3A_442 : vector<16xi32>
          %gather3A_444 = tpu.vector_load_idx %arg7[%shift_right_logical3A_440, %and3A_443] : memref<126x80xi32, #tpu.memory_space<vmem>>[vector<16xi32>, vector<16xi32>], vector<16xi32>,
          %swap3A_445 = arith.constant 16 : index
          %swap3A_446 = tpu.vector_load %arg18[%swap3A_445] {strides = array<i32>} : memref<32xi32, #tpu.memory_space<vmem>>, vector<16xi32>,
          tpu.vector_store %arg18[%swap3A_445], %gather3A_444 {strides = array<i32>} : memref<32xi32, #tpu.memory_space<vmem>>, vector<16xi32>,
          %gather3A_447 = tpu.vector_load_idx %arg8[%shift_right_logical3A_440, %and3A_443] : memref<126x80xi32, #tpu.memory_space<vmem>>[vector<16xi32>, vector<16xi32>], vector<16xi32>,
          %swap3A_448 = arith.constant 16 : index
          %swap3A_449 = tpu.vector_load %arg19[%swap3A_448] {strides = array<i32>} : memref<32xi32, #tpu.memory_space<vmem>>, vector<16xi32>,
          tpu.vector_store %arg19[%swap3A_448], %gather3A_447 {strides = array<i32>} : memref<32xi32, #tpu.memory_space<vmem>>, vector<16xi32>,
          %dma_start3A_450 = arith.constant 0 : i32
          %dma_start3A_451 = arith.constant 0 : i32
          %dma_start3A_452 = tpu.memref_slice %arg2[%dma_start3A_450, %dma_start3A_451] : memref<10000x128xf32, #tpu.memory_space<hbm>> -> memref<10000x128xf32, #tpu.memory_space<hbm>>
          tpu.enqueue_indirect_dma source(%dma_start3A_452 : memref<10000x128xf32, #tpu.memory_space<hbm>>) target(%arg28 : memref<32x128xf32, #tpu.memory_space<vmem>>) offsets(%arg18 : memref<32xi32, #tpu.memory_space<vmem>>) semaphore(%arg37 : memref<!tpu.dma_semaphore, #tpu.memory_space<semaphore_mem>>)
        } else {
        }
      } else {
      }
      %rem3A_391 = arith.constant 7 : i32
      %rem3A_392 = arith.remsi %while3A_348, %rem3A_391 : i32
      %eq3A_393 = arith.constant 6 : i32
      %eq3A_394 = arith.cmpi eq, %rem3A_392, %eq3A_393 : i32
      %convert_element_type3A_395 = arith.extui %eq3A_394 : i1 to i32
      %cond3A_396 = arith.constant 0 : i32
      %cond3A_397 = arith.cmpi ne, %convert_element_type3A_395, %cond3A_396 : i32
      scf.if %cond3A_397 {
        %dma_wait3A_398 = arith.constant 0 : i32
        %dma_wait3A_399 = arith.constant 0 : i32
        %dma_wait3A_400 = tpu.memref_slice %arg2[%dma_wait3A_398, %dma_wait3A_399] : memref<10000x128xf32, #tpu.memory_space<hbm>> -> memref<10000x128xf32, #tpu.memory_space<hbm>>
        tpu.wait_indirect_dma semaphore(%arg39 : memref<!tpu.dma_semaphore, #tpu.memory_space<semaphore_mem>>) src(%dma_wait3A_400 : memref<10000x128xf32, #tpu.memory_space<hbm>>) dst(%arg30 : memref<32x128xf32, #tpu.memory_space<vmem>>)
        %dma_start3A_401 = arith.constant 0 : i32
        %dma_start3A_402 = arith.constant 0 : i32
        %dma_start3A_403 = tpu.memref_slice %arg32[%dma_start3A_401, %dma_start3A_402] : memref<6016x128xf32, #tpu.memory_space<vmem_shared>> -> memref<6016x128xf32, #tpu.memory_space<vmem_shared>>
        tpu.enqueue_indirect_dma source(%arg30 : memref<32x128xf32, #tpu.memory_space<vmem>>) target(%dma_start3A_403 : memref<6016x128xf32, #tpu.memory_space<vmem_shared>>) offsets(%arg23 : memref<32xi32, #tpu.memory_space<vmem>>) semaphore(%arg46 : memref<!tpu.dma_semaphore, #tpu.memory_space<semaphore_mem>>) {add = true}
        %ge3A_404 = arith.constant 1 : i32
        %ge3A_405 = arith.cmpi sge, %while3A_348, %ge3A_404 : i32
        %convert_element_type3A_406 = arith.extui %ge3A_405 : i1 to i32
        %cond3A_407 = arith.constant 0 : i32
        %cond3A_408 = arith.cmpi ne, %convert_element_type3A_406, %cond3A_407 : i32
        scf.if %cond3A_408 {
          %dma_wait3A_414 = arith.constant 0 : i32
          %dma_wait3A_415 = arith.constant 0 : i32
          %dma_wait3A_416 = tpu.memref_slice %arg32[%dma_wait3A_414, %dma_wait3A_415] : memref<6016x128xf32, #tpu.memory_space<vmem_shared>> -> memref<6016x128xf32, #tpu.memory_space<vmem_shared>>
          tpu.wait_indirect_dma semaphore(%arg45 : memref<!tpu.dma_semaphore, #tpu.memory_space<semaphore_mem>>) src(%arg29 : memref<32x128xf32, #tpu.memory_space<vmem>>) dst(%dma_wait3A_416 : memref<6016x128xf32, #tpu.memory_space<vmem_shared>>)
        } else {
        }
        %add3A_409 = arith.constant 6 : i32
        %add3A_410 = arith.addi %while3A_348, %add3A_409 : i32
        %lt3A = arith.cmpi slt, %add3A_410, %shift_right_logical3A_203 : i32
        %convert_element_type3A_411 = arith.extui %lt3A : i1 to i32
        %cond3A_412 = arith.constant 0 : i32
        %cond3A_413 = arith.cmpi ne, %convert_element_type3A_411, %cond3A_412 : i32
        scf.if %cond3A_413 {
          %add3A_414 = arith.constant 6 : i32
          %add3A_415 = arith.addi %while3A_348, %add3A_414 : i32
          %mul3A_416 = arith.constant 32 : i32
          %mul3A_417 = arith.muli %add3A_415, %mul3A_416 : i32
          %add3A_418 = arith.constant 0 : i32
          %add3A_419 = arith.addi %mul3A_417, %add3A_418 : i32
          %get3A = arith.index_cast %add3A_419 : i32 to index
          %get3A_420 = tpu.vector_load %arg9[%get3A] {strides = array<i32>} : memref<10240xi32, #tpu.memory_space<vmem>>, vector<16xi32>,
          %shift_right_logical3A_421 = arith.constant 7 : i32
          %shift_right_logical3A_422 = vector.broadcast %shift_right_logical3A_421 : i32 to vector<16xi32>
          %shift_right_logical3A_423 = arith.shrui %get3A_420, %shift_right_logical3A_422 : vector<16xi32>
          %and3A_424 = arith.constant 127 : i32
          %and3A_425 = vector.broadcast %and3A_424 : i32 to vector<16xi32>
          %and3A_426 = arith.andi %get3A_420, %and3A_425 : vector<16xi32>
          %gather3A = tpu.vector_load_idx %arg7[%shift_right_logical3A_423, %and3A_426] : memref<126x80xi32, #tpu.memory_space<vmem>>[vector<16xi32>, vector<16xi32>], vector<16xi32>,
          %swap3A_427 = arith.constant 0 : index
          %swap3A_428 = tpu.vector_load %arg20[%swap3A_427] {strides = array<i32>} : memref<32xi32, #tpu.memory_space<vmem>>, vector<16xi32>,
          tpu.vector_store %arg20[%swap3A_427], %gather3A {strides = array<i32>} : memref<32xi32, #tpu.memory_space<vmem>>, vector<16xi32>,
          %gather3A_429 = tpu.vector_load_idx %arg8[%shift_right_logical3A_423, %and3A_426] : memref<126x80xi32, #tpu.memory_space<vmem>>[vector<16xi32>, vector<16xi32>], vector<16xi32>,
          %swap3A_430 = arith.constant 0 : index
          %swap3A_431 = tpu.vector_load %arg21[%swap3A_430] {strides = array<i32>} : memref<32xi32, #tpu.memory_space<vmem>>, vector<16xi32>,
          tpu.vector_store %arg21[%swap3A_430], %gather3A_429 {strides = array<i32>} : memref<32xi32, #tpu.memory_space<vmem>>, vector<16xi32>,
          %mul3A_432 = arith.constant 32 : i32
          %mul3A_433 = arith.muli %add3A_415, %mul3A_432 : i32
          %add3A_434 = arith.constant 16 : i32
          %add3A_435 = arith.addi %mul3A_433, %add3A_434 : i32
          %get3A_436 = arith.index_cast %add3A_435 : i32 to index
          %get3A_437 = tpu.vector_load %arg9[%get3A_436] {strides = array<i32>} : memref<10240xi32, #tpu.memory_space<vmem>>, vector<16xi32>,
          %shift_right_logical3A_438 = arith.constant 7 : i32
          %shift_right_logical3A_439 = vector.broadcast %shift_right_logical3A_438 : i32 to vector<16xi32>
          %shift_right_logical3A_440 = arith.shrui %get3A_437, %shift_right_logical3A_439 : vector<16xi32>
          %and3A_441 = arith.constant 127 : i32
          %and3A_442 = vector.broadcast %and3A_441 : i32 to vector<16xi32>
          %and3A_443 = arith.andi %get3A_437, %and3A_442 : vector<16xi32>
          %gather3A_444 = tpu.vector_load_idx %arg7[%shift_right_logical3A_440, %and3A_443] : memref<126x80xi32, #tpu.memory_space<vmem>>[vector<16xi32>, vector<16xi32>], vector<16xi32>,
          %swap3A_445 = arith.constant 16 : index
          %swap3A_446 = tpu.vector_load %arg20[%swap3A_445] {strides = array<i32>} : memref<32xi32, #tpu.memory_space<vmem>>, vector<16xi32>,
          tpu.vector_store %arg20[%swap3A_445], %gather3A_444 {strides = array<i32>} : memref<32xi32, #tpu.memory_space<vmem>>, vector<16xi32>,
          %gather3A_447 = tpu.vector_load_idx %arg8[%shift_right_logical3A_440, %and3A_443] : memref<126x80xi32, #tpu.memory_space<vmem>>[vector<16xi32>, vector<16xi32>], vector<16xi32>,
          %swap3A_448 = arith.constant 16 : index
          %swap3A_449 = tpu.vector_load %arg21[%swap3A_448] {strides = array<i32>} : memref<32xi32, #tpu.memory_space<vmem>>, vector<16xi32>,
          tpu.vector_store %arg21[%swap3A_448], %gather3A_447 {strides = array<i32>} : memref<32xi32, #tpu.memory_space<vmem>>, vector<16xi32>,
          %dma_start3A_450 = arith.constant 0 : i32
          %dma_start3A_451 = arith.constant 0 : i32
          %dma_start3A_452 = tpu.memref_slice %arg2[%dma_start3A_450, %dma_start3A_451] : memref<10000x128xf32, #tpu.memory_space<hbm>> -> memref<10000x128xf32, #tpu.memory_space<hbm>>
          tpu.enqueue_indirect_dma source(%dma_start3A_452 : memref<10000x128xf32, #tpu.memory_space<hbm>>) target(%arg29 : memref<32x128xf32, #tpu.memory_space<vmem>>) offsets(%arg20 : memref<32xi32, #tpu.memory_space<vmem>>) semaphore(%arg38 : memref<!tpu.dma_semaphore, #tpu.memory_space<semaphore_mem>>)
        } else {
        }
      } else {
      }
    }
    %while3A_246 = arith.constant 1 : i32
    scf.for %while3A_348 = %while3A_244 to %while3A_240 step %while3A_246  : i32 {
      %rem3A_349 = arith.constant 7 : i32
      %rem3A_350 = arith.remsi %while3A_348, %rem3A_349 : i32
      %eq3A_351 = arith.constant 0 : i32
      %eq3A_352 = arith.cmpi eq, %rem3A_350, %eq3A_351 : i32
      %convert_element_type3A_353 = arith.extui %eq3A_352 : i1 to i32
      %cond3A_354 = arith.constant 0 : i32
      %cond3A_355 = arith.cmpi ne, %convert_element_type3A_353, %cond3A_354 : i32
      scf.if %cond3A_355 {
        %dma_wait3A_398 = arith.constant 0 : i32
        %dma_wait3A_399 = arith.constant 0 : i32
        %dma_wait3A_400 = tpu.memref_slice %arg2[%dma_wait3A_398, %dma_wait3A_399] : memref<10000x128xf32, #tpu.memory_space<hbm>> -> memref<10000x128xf32, #tpu.memory_space<hbm>>
        tpu.wait_indirect_dma semaphore(%arg33 : memref<!tpu.dma_semaphore, #tpu.memory_space<semaphore_mem>>) src(%dma_wait3A_400 : memref<10000x128xf32, #tpu.memory_space<hbm>>) dst(%arg24 : memref<32x128xf32, #tpu.memory_space<vmem>>)
        %dma_start3A_401 = arith.constant 0 : i32
        %dma_start3A_402 = arith.constant 0 : i32
        %dma_start3A_403 = tpu.memref_slice %arg32[%dma_start3A_401, %dma_start3A_402] : memref<6016x128xf32, #tpu.memory_space<vmem_shared>> -> memref<6016x128xf32, #tpu.memory_space<vmem_shared>>
        tpu.enqueue_indirect_dma source(%arg24 : memref<32x128xf32, #tpu.memory_space<vmem>>) target(%dma_start3A_403 : memref<6016x128xf32, #tpu.memory_space<vmem_shared>>) offsets(%arg11 : memref<32xi32, #tpu.memory_space<vmem>>) semaphore(%arg40 : memref<!tpu.dma_semaphore, #tpu.memory_space<semaphore_mem>>) {add = true}
        %ge3A_404 = arith.constant 1 : i32
        %ge3A_405 = arith.cmpi sge, %while3A_348, %ge3A_404 : i32
        %convert_element_type3A_406 = arith.extui %ge3A_405 : i1 to i32
        %cond3A_407 = arith.constant 0 : i32
        %cond3A_408 = arith.cmpi ne, %convert_element_type3A_406, %cond3A_407 : i32
        scf.if %cond3A_408 {
          %dma_wait3A_414 = arith.constant 0 : i32
          %dma_wait3A_415 = arith.constant 0 : i32
          %dma_wait3A_416 = tpu.memref_slice %arg32[%dma_wait3A_414, %dma_wait3A_415] : memref<6016x128xf32, #tpu.memory_space<vmem_shared>> -> memref<6016x128xf32, #tpu.memory_space<vmem_shared>>
          tpu.wait_indirect_dma semaphore(%arg46 : memref<!tpu.dma_semaphore, #tpu.memory_space<semaphore_mem>>) src(%arg30 : memref<32x128xf32, #tpu.memory_space<vmem>>) dst(%dma_wait3A_416 : memref<6016x128xf32, #tpu.memory_space<vmem_shared>>)
        } else {
        }
        %add3A_409 = arith.constant 6 : i32
        %add3A_410 = arith.addi %while3A_348, %add3A_409 : i32
        %lt3A = arith.cmpi slt, %add3A_410, %shift_right_logical3A_203 : i32
        %convert_element_type3A_411 = arith.extui %lt3A : i1 to i32
        %cond3A_412 = arith.constant 0 : i32
        %cond3A_413 = arith.cmpi ne, %convert_element_type3A_411, %cond3A_412 : i32
        scf.if %cond3A_413 {
          %add3A_414 = arith.constant 6 : i32
          %add3A_415 = arith.addi %while3A_348, %add3A_414 : i32
          %mul3A_416 = arith.constant 32 : i32
          %mul3A_417 = arith.muli %add3A_415, %mul3A_416 : i32
          %add3A_418 = arith.constant 0 : i32
          %add3A_419 = arith.addi %mul3A_417, %add3A_418 : i32
          %get3A = arith.index_cast %add3A_419 : i32 to index
          %get3A_420 = tpu.vector_load %arg9[%get3A] {strides = array<i32>} : memref<10240xi32, #tpu.memory_space<vmem>>, vector<16xi32>,
          %shift_right_logical3A_421 = arith.constant 7 : i32
          %shift_right_logical3A_422 = vector.broadcast %shift_right_logical3A_421 : i32 to vector<16xi32>
          %shift_right_logical3A_423 = arith.shrui %get3A_420, %shift_right_logical3A_422 : vector<16xi32>
          %and3A_424 = arith.constant 127 : i32
          %and3A_425 = vector.broadcast %and3A_424 : i32 to vector<16xi32>
          %and3A_426 = arith.andi %get3A_420, %and3A_425 : vector<16xi32>
          %gather3A = tpu.vector_load_idx %arg7[%shift_right_logical3A_423, %and3A_426] : memref<126x80xi32, #tpu.memory_space<vmem>>[vector<16xi32>, vector<16xi32>], vector<16xi32>,
          %swap3A_427 = arith.constant 0 : index
          %swap3A_428 = tpu.vector_load %arg22[%swap3A_427] {strides = array<i32>} : memref<32xi32, #tpu.memory_space<vmem>>, vector<16xi32>,
          tpu.vector_store %arg22[%swap3A_427], %gather3A {strides = array<i32>} : memref<32xi32, #tpu.memory_space<vmem>>, vector<16xi32>,
          %gather3A_429 = tpu.vector_load_idx %arg8[%shift_right_logical3A_423, %and3A_426] : memref<126x80xi32, #tpu.memory_space<vmem>>[vector<16xi32>, vector<16xi32>], vector<16xi32>,
          %swap3A_430 = arith.constant 0 : index
          %swap3A_431 = tpu.vector_load %arg23[%swap3A_430] {strides = array<i32>} : memref<32xi32, #tpu.memory_space<vmem>>, vector<16xi32>,
          tpu.vector_store %arg23[%swap3A_430], %gather3A_429 {strides = array<i32>} : memref<32xi32, #tpu.memory_space<vmem>>, vector<16xi32>,
          %mul3A_432 = arith.constant 32 : i32
          %mul3A_433 = arith.muli %add3A_415, %mul3A_432 : i32
          %add3A_434 = arith.constant 16 : i32
          %add3A_435 = arith.addi %mul3A_433, %add3A_434 : i32
          %get3A_436 = arith.index_cast %add3A_435 : i32 to index
          %get3A_437 = tpu.vector_load %arg9[%get3A_436] {strides = array<i32>} : memref<10240xi32, #tpu.memory_space<vmem>>, vector<16xi32>,
          %shift_right_logical3A_438 = arith.constant 7 : i32
          %shift_right_logical3A_439 = vector.broadcast %shift_right_logical3A_438 : i32 to vector<16xi32>
          %shift_right_logical3A_440 = arith.shrui %get3A_437, %shift_right_logical3A_439 : vector<16xi32>
          %and3A_441 = arith.constant 127 : i32
          %and3A_442 = vector.broadcast %and3A_441 : i32 to vector<16xi32>
          %and3A_443 = arith.andi %get3A_437, %and3A_442 : vector<16xi32>
          %gather3A_444 = tpu.vector_load_idx %arg7[%shift_right_logical3A_440, %and3A_443] : memref<126x80xi32, #tpu.memory_space<vmem>>[vector<16xi32>, vector<16xi32>], vector<16xi32>,
          %swap3A_445 = arith.constant 16 : index
          %swap3A_446 = tpu.vector_load %arg22[%swap3A_445] {strides = array<i32>} : memref<32xi32, #tpu.memory_space<vmem>>, vector<16xi32>,
          tpu.vector_store %arg22[%swap3A_445], %gather3A_444 {strides = array<i32>} : memref<32xi32, #tpu.memory_space<vmem>>, vector<16xi32>,
          %gather3A_447 = tpu.vector_load_idx %arg8[%shift_right_logical3A_440, %and3A_443] : memref<126x80xi32, #tpu.memory_space<vmem>>[vector<16xi32>, vector<16xi32>], vector<16xi32>,
          %swap3A_448 = arith.constant 16 : index
          %swap3A_449 = tpu.vector_load %arg23[%swap3A_448] {strides = array<i32>} : memref<32xi32, #tpu.memory_space<vmem>>, vector<16xi32>,
          tpu.vector_store %arg23[%swap3A_448], %gather3A_447 {strides = array<i32>} : memref<32xi32, #tpu.memory_space<vmem>>, vector<16xi32>,
          %dma_start3A_450 = arith.constant 0 : i32
          %dma_start3A_451 = arith.constant 0 : i32
          %dma_start3A_452 = tpu.memref_slice %arg2[%dma_start3A_450, %dma_start3A_451] : memref<10000x128xf32, #tpu.memory_space<hbm>> -> memref<10000x128xf32, #tpu.memory_space<hbm>>
          tpu.enqueue_indirect_dma source(%dma_start3A_452 : memref<10000x128xf32, #tpu.memory_space<hbm>>) target(%arg30 : memref<32x128xf32, #tpu.memory_space<vmem>>) offsets(%arg22 : memref<32xi32, #tpu.memory_space<vmem>>) semaphore(%arg39 : memref<!tpu.dma_semaphore, #tpu.memory_space<semaphore_mem>>)
        } else {
        }
      } else {
      }
      %rem3A_356 = arith.constant 7 : i32
      %rem3A_357 = arith.remsi %while3A_348, %rem3A_356 : i32
      %eq3A_358 = arith.constant 1 : i32
      %eq3A_359 = arith.cmpi eq, %rem3A_357, %eq3A_358 : i32
      %convert_element_type3A_360 = arith.extui %eq3A_359 : i1 to i32
      %cond3A_361 = arith.constant 0 : i32
      %cond3A_362 = arith.cmpi ne, %convert_element_type3A_360, %cond3A_361 : i32
      scf.if %cond3A_362 {
        %dma_wait3A_398 = arith.constant 0 : i32
        %dma_wait3A_399 = arith.constant 0 : i32
        %dma_wait3A_400 = tpu.memref_slice %arg2[%dma_wait3A_398, %dma_wait3A_399] : memref<10000x128xf32, #tpu.memory_space<hbm>> -> memref<10000x128xf32, #tpu.memory_space<hbm>>
        tpu.wait_indirect_dma semaphore(%arg34 : memref<!tpu.dma_semaphore, #tpu.memory_space<semaphore_mem>>) src(%dma_wait3A_400 : memref<10000x128xf32, #tpu.memory_space<hbm>>) dst(%arg25 : memref<32x128xf32, #tpu.memory_space<vmem>>)
        %dma_start3A_401 = arith.constant 0 : i32
        %dma_start3A_402 = arith.constant 0 : i32
        %dma_start3A_403 = tpu.memref_slice %arg32[%dma_start3A_401, %dma_start3A_402] : memref<6016x128xf32, #tpu.memory_space<vmem_shared>> -> memref<6016x128xf32, #tpu.memory_space<vmem_shared>>
        tpu.enqueue_indirect_dma source(%arg25 : memref<32x128xf32, #tpu.memory_space<vmem>>) target(%dma_start3A_403 : memref<6016x128xf32, #tpu.memory_space<vmem_shared>>) offsets(%arg13 : memref<32xi32, #tpu.memory_space<vmem>>) semaphore(%arg41 : memref<!tpu.dma_semaphore, #tpu.memory_space<semaphore_mem>>) {add = true}
        %ge3A_404 = arith.constant 1 : i32
        %ge3A_405 = arith.cmpi sge, %while3A_348, %ge3A_404 : i32
        %convert_element_type3A_406 = arith.extui %ge3A_405 : i1 to i32
        %cond3A_407 = arith.constant 0 : i32
        %cond3A_408 = arith.cmpi ne, %convert_element_type3A_406, %cond3A_407 : i32
        scf.if %cond3A_408 {
          %dma_wait3A_414 = arith.constant 0 : i32
          %dma_wait3A_415 = arith.constant 0 : i32
          %dma_wait3A_416 = tpu.memref_slice %arg32[%dma_wait3A_414, %dma_wait3A_415] : memref<6016x128xf32, #tpu.memory_space<vmem_shared>> -> memref<6016x128xf32, #tpu.memory_space<vmem_shared>>
          tpu.wait_indirect_dma semaphore(%arg40 : memref<!tpu.dma_semaphore, #tpu.memory_space<semaphore_mem>>) src(%arg24 : memref<32x128xf32, #tpu.memory_space<vmem>>) dst(%dma_wait3A_416 : memref<6016x128xf32, #tpu.memory_space<vmem_shared>>)
        } else {
        }
        %add3A_409 = arith.constant 6 : i32
        %add3A_410 = arith.addi %while3A_348, %add3A_409 : i32
        %lt3A = arith.cmpi slt, %add3A_410, %shift_right_logical3A_203 : i32
        %convert_element_type3A_411 = arith.extui %lt3A : i1 to i32
        %cond3A_412 = arith.constant 0 : i32
        %cond3A_413 = arith.cmpi ne, %convert_element_type3A_411, %cond3A_412 : i32
        scf.if %cond3A_413 {
          %add3A_414 = arith.constant 6 : i32
          %add3A_415 = arith.addi %while3A_348, %add3A_414 : i32
          %mul3A_416 = arith.constant 32 : i32
          %mul3A_417 = arith.muli %add3A_415, %mul3A_416 : i32
          %add3A_418 = arith.constant 0 : i32
          %add3A_419 = arith.addi %mul3A_417, %add3A_418 : i32
          %get3A = arith.index_cast %add3A_419 : i32 to index
          %get3A_420 = tpu.vector_load %arg9[%get3A] {strides = array<i32>} : memref<10240xi32, #tpu.memory_space<vmem>>, vector<16xi32>,
          %shift_right_logical3A_421 = arith.constant 7 : i32
          %shift_right_logical3A_422 = vector.broadcast %shift_right_logical3A_421 : i32 to vector<16xi32>
          %shift_right_logical3A_423 = arith.shrui %get3A_420, %shift_right_logical3A_422 : vector<16xi32>
          %and3A_424 = arith.constant 127 : i32
          %and3A_425 = vector.broadcast %and3A_424 : i32 to vector<16xi32>
          %and3A_426 = arith.andi %get3A_420, %and3A_425 : vector<16xi32>
          %gather3A = tpu.vector_load_idx %arg7[%shift_right_logical3A_423, %and3A_426] : memref<126x80xi32, #tpu.memory_space<vmem>>[vector<16xi32>, vector<16xi32>], vector<16xi32>,
          %swap3A_427 = arith.constant 0 : index
          %swap3A_428 = tpu.vector_load %arg10[%swap3A_427] {strides = array<i32>} : memref<32xi32, #tpu.memory_space<vmem>>, vector<16xi32>,
          tpu.vector_store %arg10[%swap3A_427], %gather3A {strides = array<i32>} : memref<32xi32, #tpu.memory_space<vmem>>, vector<16xi32>,
          %gather3A_429 = tpu.vector_load_idx %arg8[%shift_right_logical3A_423, %and3A_426] : memref<126x80xi32, #tpu.memory_space<vmem>>[vector<16xi32>, vector<16xi32>], vector<16xi32>,
          %swap3A_430 = arith.constant 0 : index
          %swap3A_431 = tpu.vector_load %arg11[%swap3A_430] {strides = array<i32>} : memref<32xi32, #tpu.memory_space<vmem>>, vector<16xi32>,
          tpu.vector_store %arg11[%swap3A_430], %gather3A_429 {strides = array<i32>} : memref<32xi32, #tpu.memory_space<vmem>>, vector<16xi32>,
          %mul3A_432 = arith.constant 32 : i32
          %mul3A_433 = arith.muli %add3A_415, %mul3A_432 : i32
          %add3A_434 = arith.constant 16 : i32
          %add3A_435 = arith.addi %mul3A_433, %add3A_434 : i32
          %get3A_436 = arith.index_cast %add3A_435 : i32 to index
          %get3A_437 = tpu.vector_load %arg9[%get3A_436] {strides = array<i32>} : memref<10240xi32, #tpu.memory_space<vmem>>, vector<16xi32>,
          %shift_right_logical3A_438 = arith.constant 7 : i32
          %shift_right_logical3A_439 = vector.broadcast %shift_right_logical3A_438 : i32 to vector<16xi32>
          %shift_right_logical3A_440 = arith.shrui %get3A_437, %shift_right_logical3A_439 : vector<16xi32>
          %and3A_441 = arith.constant 127 : i32
          %and3A_442 = vector.broadcast %and3A_441 : i32 to vector<16xi32>
          %and3A_443 = arith.andi %get3A_437, %and3A_442 : vector<16xi32>
          %gather3A_444 = tpu.vector_load_idx %arg7[%shift_right_logical3A_440, %and3A_443] : memref<126x80xi32, #tpu.memory_space<vmem>>[vector<16xi32>, vector<16xi32>], vector<16xi32>,
          %swap3A_445 = arith.constant 16 : index
          %swap3A_446 = tpu.vector_load %arg10[%swap3A_445] {strides = array<i32>} : memref<32xi32, #tpu.memory_space<vmem>>, vector<16xi32>,
          tpu.vector_store %arg10[%swap3A_445], %gather3A_444 {strides = array<i32>} : memref<32xi32, #tpu.memory_space<vmem>>, vector<16xi32>,
          %gather3A_447 = tpu.vector_load_idx %arg8[%shift_right_logical3A_440, %and3A_443] : memref<126x80xi32, #tpu.memory_space<vmem>>[vector<16xi32>, vector<16xi32>], vector<16xi32>,
          %swap3A_448 = arith.constant 16 : index
          %swap3A_449 = tpu.vector_load %arg11[%swap3A_448] {strides = array<i32>} : memref<32xi32, #tpu.memory_space<vmem>>, vector<16xi32>,
          tpu.vector_store %arg11[%swap3A_448], %gather3A_447 {strides = array<i32>} : memref<32xi32, #tpu.memory_space<vmem>>, vector<16xi32>,
          %dma_start3A_450 = arith.constant 0 : i32
          %dma_start3A_451 = arith.constant 0 : i32
          %dma_start3A_452 = tpu.memref_slice %arg2[%dma_start3A_450, %dma_start3A_451] : memref<10000x128xf32, #tpu.memory_space<hbm>> -> memref<10000x128xf32, #tpu.memory_space<hbm>>
          tpu.enqueue_indirect_dma source(%dma_start3A_452 : memref<10000x128xf32, #tpu.memory_space<hbm>>) target(%arg24 : memref<32x128xf32, #tpu.memory_space<vmem>>) offsets(%arg10 : memref<32xi32, #tpu.memory_space<vmem>>) semaphore(%arg33 : memref<!tpu.dma_semaphore, #tpu.memory_space<semaphore_mem>>)
        } else {
        }
      } else {
      }
      %rem3A_363 = arith.constant 7 : i32
      %rem3A_364 = arith.remsi %while3A_348, %rem3A_363 : i32
      %eq3A_365 = arith.constant 2 : i32
      %eq3A_366 = arith.cmpi eq, %rem3A_364, %eq3A_365 : i32
      %convert_element_type3A_367 = arith.extui %eq3A_366 : i1 to i32
      %cond3A_368 = arith.constant 0 : i32
      %cond3A_369 = arith.cmpi ne, %convert_element_type3A_367, %cond3A_368 : i32
      scf.if %cond3A_369 {
        %dma_wait3A_398 = arith.constant 0 : i32
        %dma_wait3A_399 = arith.constant 0 : i32
        %dma_wait3A_400 = tpu.memref_slice %arg2[%dma_wait3A_398, %dma_wait3A_399] : memref<10000x128xf32, #tpu.memory_space<hbm>> -> memref<10000x128xf32, #tpu.memory_space<hbm>>
        tpu.wait_indirect_dma semaphore(%arg35 : memref<!tpu.dma_semaphore, #tpu.memory_space<semaphore_mem>>) src(%dma_wait3A_400 : memref<10000x128xf32, #tpu.memory_space<hbm>>) dst(%arg26 : memref<32x128xf32, #tpu.memory_space<vmem>>)
        %dma_start3A_401 = arith.constant 0 : i32
        %dma_start3A_402 = arith.constant 0 : i32
        %dma_start3A_403 = tpu.memref_slice %arg32[%dma_start3A_401, %dma_start3A_402] : memref<6016x128xf32, #tpu.memory_space<vmem_shared>> -> memref<6016x128xf32, #tpu.memory_space<vmem_shared>>
        tpu.enqueue_indirect_dma source(%arg26 : memref<32x128xf32, #tpu.memory_space<vmem>>) target(%dma_start3A_403 : memref<6016x128xf32, #tpu.memory_space<vmem_shared>>) offsets(%arg15 : memref<32xi32, #tpu.memory_space<vmem>>) semaphore(%arg42 : memref<!tpu.dma_semaphore, #tpu.memory_space<semaphore_mem>>) {add = true}
        %ge3A_404 = arith.constant 1 : i32
        %ge3A_405 = arith.cmpi sge, %while3A_348, %ge3A_404 : i32
        %convert_element_type3A_406 = arith.extui %ge3A_405 : i1 to i32
        %cond3A_407 = arith.constant 0 : i32
        %cond3A_408 = arith.cmpi ne, %convert_element_type3A_406, %cond3A_407 : i32
        scf.if %cond3A_408 {
          %dma_wait3A_414 = arith.constant 0 : i32
          %dma_wait3A_415 = arith.constant 0 : i32
          %dma_wait3A_416 = tpu.memref_slice %arg32[%dma_wait3A_414, %dma_wait3A_415] : memref<6016x128xf32, #tpu.memory_space<vmem_shared>> -> memref<6016x128xf32, #tpu.memory_space<vmem_shared>>
          tpu.wait_indirect_dma semaphore(%arg41 : memref<!tpu.dma_semaphore, #tpu.memory_space<semaphore_mem>>) src(%arg25 : memref<32x128xf32, #tpu.memory_space<vmem>>) dst(%dma_wait3A_416 : memref<6016x128xf32, #tpu.memory_space<vmem_shared>>)
        } else {
        }
        %add3A_409 = arith.constant 6 : i32
        %add3A_410 = arith.addi %while3A_348, %add3A_409 : i32
        %lt3A = arith.cmpi slt, %add3A_410, %shift_right_logical3A_203 : i32
        %convert_element_type3A_411 = arith.extui %lt3A : i1 to i32
        %cond3A_412 = arith.constant 0 : i32
        %cond3A_413 = arith.cmpi ne, %convert_element_type3A_411, %cond3A_412 : i32
        scf.if %cond3A_413 {
          %add3A_414 = arith.constant 6 : i32
          %add3A_415 = arith.addi %while3A_348, %add3A_414 : i32
          %mul3A_416 = arith.constant 32 : i32
          %mul3A_417 = arith.muli %add3A_415, %mul3A_416 : i32
          %add3A_418 = arith.constant 0 : i32
          %add3A_419 = arith.addi %mul3A_417, %add3A_418 : i32
          %get3A = arith.index_cast %add3A_419 : i32 to index
          %get3A_420 = tpu.vector_load %arg9[%get3A] {strides = array<i32>} : memref<10240xi32, #tpu.memory_space<vmem>>, vector<16xi32>,
          %shift_right_logical3A_421 = arith.constant 7 : i32
          %shift_right_logical3A_422 = vector.broadcast %shift_right_logical3A_421 : i32 to vector<16xi32>
          %shift_right_logical3A_423 = arith.shrui %get3A_420, %shift_right_logical3A_422 : vector<16xi32>
          %and3A_424 = arith.constant 127 : i32
          %and3A_425 = vector.broadcast %and3A_424 : i32 to vector<16xi32>
          %and3A_426 = arith.andi %get3A_420, %and3A_425 : vector<16xi32>
          %gather3A = tpu.vector_load_idx %arg7[%shift_right_logical3A_423, %and3A_426] : memref<126x80xi32, #tpu.memory_space<vmem>>[vector<16xi32>, vector<16xi32>], vector<16xi32>,
          %swap3A_427 = arith.constant 0 : index
          %swap3A_428 = tpu.vector_load %arg12[%swap3A_427] {strides = array<i32>} : memref<32xi32, #tpu.memory_space<vmem>>, vector<16xi32>,
          tpu.vector_store %arg12[%swap3A_427], %gather3A {strides = array<i32>} : memref<32xi32, #tpu.memory_space<vmem>>, vector<16xi32>,
          %gather3A_429 = tpu.vector_load_idx %arg8[%shift_right_logical3A_423, %and3A_426] : memref<126x80xi32, #tpu.memory_space<vmem>>[vector<16xi32>, vector<16xi32>], vector<16xi32>,
          %swap3A_430 = arith.constant 0 : index
          %swap3A_431 = tpu.vector_load %arg13[%swap3A_430] {strides = array<i32>} : memref<32xi32, #tpu.memory_space<vmem>>, vector<16xi32>,
          tpu.vector_store %arg13[%swap3A_430], %gather3A_429 {strides = array<i32>} : memref<32xi32, #tpu.memory_space<vmem>>, vector<16xi32>,
          %mul3A_432 = arith.constant 32 : i32
          %mul3A_433 = arith.muli %add3A_415, %mul3A_432 : i32
          %add3A_434 = arith.constant 16 : i32
          %add3A_435 = arith.addi %mul3A_433, %add3A_434 : i32
          %get3A_436 = arith.index_cast %add3A_435 : i32 to index
          %get3A_437 = tpu.vector_load %arg9[%get3A_436] {strides = array<i32>} : memref<10240xi32, #tpu.memory_space<vmem>>, vector<16xi32>,
          %shift_right_logical3A_438 = arith.constant 7 : i32
          %shift_right_logical3A_439 = vector.broadcast %shift_right_logical3A_438 : i32 to vector<16xi32>
          %shift_right_logical3A_440 = arith.shrui %get3A_437, %shift_right_logical3A_439 : vector<16xi32>
          %and3A_441 = arith.constant 127 : i32
          %and3A_442 = vector.broadcast %and3A_441 : i32 to vector<16xi32>
          %and3A_443 = arith.andi %get3A_437, %and3A_442 : vector<16xi32>
          %gather3A_444 = tpu.vector_load_idx %arg7[%shift_right_logical3A_440, %and3A_443] : memref<126x80xi32, #tpu.memory_space<vmem>>[vector<16xi32>, vector<16xi32>], vector<16xi32>,
          %swap3A_445 = arith.constant 16 : index
          %swap3A_446 = tpu.vector_load %arg12[%swap3A_445] {strides = array<i32>} : memref<32xi32, #tpu.memory_space<vmem>>, vector<16xi32>,
          tpu.vector_store %arg12[%swap3A_445], %gather3A_444 {strides = array<i32>} : memref<32xi32, #tpu.memory_space<vmem>>, vector<16xi32>,
          %gather3A_447 = tpu.vector_load_idx %arg8[%shift_right_logical3A_440, %and3A_443] : memref<126x80xi32, #tpu.memory_space<vmem>>[vector<16xi32>, vector<16xi32>], vector<16xi32>,
          %swap3A_448 = arith.constant 16 : index
          %swap3A_449 = tpu.vector_load %arg13[%swap3A_448] {strides = array<i32>} : memref<32xi32, #tpu.memory_space<vmem>>, vector<16xi32>,
          tpu.vector_store %arg13[%swap3A_448], %gather3A_447 {strides = array<i32>} : memref<32xi32, #tpu.memory_space<vmem>>, vector<16xi32>,
          %dma_start3A_450 = arith.constant 0 : i32
          %dma_start3A_451 = arith.constant 0 : i32
          %dma_start3A_452 = tpu.memref_slice %arg2[%dma_start3A_450, %dma_start3A_451] : memref<10000x128xf32, #tpu.memory_space<hbm>> -> memref<10000x128xf32, #tpu.memory_space<hbm>>
          tpu.enqueue_indirect_dma source(%dma_start3A_452 : memref<10000x128xf32, #tpu.memory_space<hbm>>) target(%arg25 : memref<32x128xf32, #tpu.memory_space<vmem>>) offsets(%arg12 : memref<32xi32, #tpu.memory_space<vmem>>) semaphore(%arg34 : memref<!tpu.dma_semaphore, #tpu.memory_space<semaphore_mem>>)
        } else {
        }
      } else {
      }
      %rem3A_370 = arith.constant 7 : i32
      %rem3A_371 = arith.remsi %while3A_348, %rem3A_370 : i32
      %eq3A_372 = arith.constant 3 : i32
      %eq3A_373 = arith.cmpi eq, %rem3A_371, %eq3A_372 : i32
      %convert_element_type3A_374 = arith.extui %eq3A_373 : i1 to i32
      %cond3A_375 = arith.constant 0 : i32
      %cond3A_376 = arith.cmpi ne, %convert_element_type3A_374, %cond3A_375 : i32
      scf.if %cond3A_376 {
        %dma_wait3A_398 = arith.constant 0 : i32
        %dma_wait3A_399 = arith.constant 0 : i32
        %dma_wait3A_400 = tpu.memref_slice %arg2[%dma_wait3A_398, %dma_wait3A_399] : memref<10000x128xf32, #tpu.memory_space<hbm>> -> memref<10000x128xf32, #tpu.memory_space<hbm>>
        tpu.wait_indirect_dma semaphore(%arg36 : memref<!tpu.dma_semaphore, #tpu.memory_space<semaphore_mem>>) src(%dma_wait3A_400 : memref<10000x128xf32, #tpu.memory_space<hbm>>) dst(%arg27 : memref<32x128xf32, #tpu.memory_space<vmem>>)
        %dma_start3A_401 = arith.constant 0 : i32
        %dma_start3A_402 = arith.constant 0 : i32
        %dma_start3A_403 = tpu.memref_slice %arg32[%dma_start3A_401, %dma_start3A_402] : memref<6016x128xf32, #tpu.memory_space<vmem_shared>> -> memref<6016x128xf32, #tpu.memory_space<vmem_shared>>
        tpu.enqueue_indirect_dma source(%arg27 : memref<32x128xf32, #tpu.memory_space<vmem>>) target(%dma_start3A_403 : memref<6016x128xf32, #tpu.memory_space<vmem_shared>>) offsets(%arg17 : memref<32xi32, #tpu.memory_space<vmem>>) semaphore(%arg43 : memref<!tpu.dma_semaphore, #tpu.memory_space<semaphore_mem>>) {add = true}
        %ge3A_404 = arith.constant 1 : i32
        %ge3A_405 = arith.cmpi sge, %while3A_348, %ge3A_404 : i32
        %convert_element_type3A_406 = arith.extui %ge3A_405 : i1 to i32
        %cond3A_407 = arith.constant 0 : i32
        %cond3A_408 = arith.cmpi ne, %convert_element_type3A_406, %cond3A_407 : i32
        scf.if %cond3A_408 {
          %dma_wait3A_414 = arith.constant 0 : i32
          %dma_wait3A_415 = arith.constant 0 : i32
          %dma_wait3A_416 = tpu.memref_slice %arg32[%dma_wait3A_414, %dma_wait3A_415] : memref<6016x128xf32, #tpu.memory_space<vmem_shared>> -> memref<6016x128xf32, #tpu.memory_space<vmem_shared>>
          tpu.wait_indirect_dma semaphore(%arg42 : memref<!tpu.dma_semaphore, #tpu.memory_space<semaphore_mem>>) src(%arg26 : memref<32x128xf32, #tpu.memory_space<vmem>>) dst(%dma_wait3A_416 : memref<6016x128xf32, #tpu.memory_space<vmem_shared>>)
        } else {
        }
        %add3A_409 = arith.constant 6 : i32
        %add3A_410 = arith.addi %while3A_348, %add3A_409 : i32
        %lt3A = arith.cmpi slt, %add3A_410, %shift_right_logical3A_203 : i32
        %convert_element_type3A_411 = arith.extui %lt3A : i1 to i32
        %cond3A_412 = arith.constant 0 : i32
        %cond3A_413 = arith.cmpi ne, %convert_element_type3A_411, %cond3A_412 : i32
        scf.if %cond3A_413 {
          %add3A_414 = arith.constant 6 : i32
          %add3A_415 = arith.addi %while3A_348, %add3A_414 : i32
          %mul3A_416 = arith.constant 32 : i32
          %mul3A_417 = arith.muli %add3A_415, %mul3A_416 : i32
          %add3A_418 = arith.constant 0 : i32
          %add3A_419 = arith.addi %mul3A_417, %add3A_418 : i32
          %get3A = arith.index_cast %add3A_419 : i32 to index
          %get3A_420 = tpu.vector_load %arg9[%get3A] {strides = array<i32>} : memref<10240xi32, #tpu.memory_space<vmem>>, vector<16xi32>,
          %shift_right_logical3A_421 = arith.constant 7 : i32
          %shift_right_logical3A_422 = vector.broadcast %shift_right_logical3A_421 : i32 to vector<16xi32>
          %shift_right_logical3A_423 = arith.shrui %get3A_420, %shift_right_logical3A_422 : vector<16xi32>
          %and3A_424 = arith.constant 127 : i32
          %and3A_425 = vector.broadcast %and3A_424 : i32 to vector<16xi32>
          %and3A_426 = arith.andi %get3A_420, %and3A_425 : vector<16xi32>
          %gather3A = tpu.vector_load_idx %arg7[%shift_right_logical3A_423, %and3A_426] : memref<126x80xi32, #tpu.memory_space<vmem>>[vector<16xi32>, vector<16xi32>], vector<16xi32>,
          %swap3A_427 = arith.constant 0 : index
          %swap3A_428 = tpu.vector_load %arg14[%swap3A_427] {strides = array<i32>} : memref<32xi32, #tpu.memory_space<vmem>>, vector<16xi32>,
          tpu.vector_store %arg14[%swap3A_427], %gather3A {strides = array<i32>} : memref<32xi32, #tpu.memory_space<vmem>>, vector<16xi32>,
          %gather3A_429 = tpu.vector_load_idx %arg8[%shift_right_logical3A_423, %and3A_426] : memref<126x80xi32, #tpu.memory_space<vmem>>[vector<16xi32>, vector<16xi32>], vector<16xi32>,
          %swap3A_430 = arith.constant 0 : index
          %swap3A_431 = tpu.vector_load %arg15[%swap3A_430] {strides = array<i32>} : memref<32xi32, #tpu.memory_space<vmem>>, vector<16xi32>,
          tpu.vector_store %arg15[%swap3A_430], %gather3A_429 {strides = array<i32>} : memref<32xi32, #tpu.memory_space<vmem>>, vector<16xi32>,
          %mul3A_432 = arith.constant 32 : i32
          %mul3A_433 = arith.muli %add3A_415, %mul3A_432 : i32
          %add3A_434 = arith.constant 16 : i32
          %add3A_435 = arith.addi %mul3A_433, %add3A_434 : i32
          %get3A_436 = arith.index_cast %add3A_435 : i32 to index
          %get3A_437 = tpu.vector_load %arg9[%get3A_436] {strides = array<i32>} : memref<10240xi32, #tpu.memory_space<vmem>>, vector<16xi32>,
          %shift_right_logical3A_438 = arith.constant 7 : i32
          %shift_right_logical3A_439 = vector.broadcast %shift_right_logical3A_438 : i32 to vector<16xi32>
          %shift_right_logical3A_440 = arith.shrui %get3A_437, %shift_right_logical3A_439 : vector<16xi32>
          %and3A_441 = arith.constant 127 : i32
          %and3A_442 = vector.broadcast %and3A_441 : i32 to vector<16xi32>
          %and3A_443 = arith.andi %get3A_437, %and3A_442 : vector<16xi32>
          %gather3A_444 = tpu.vector_load_idx %arg7[%shift_right_logical3A_440, %and3A_443] : memref<126x80xi32, #tpu.memory_space<vmem>>[vector<16xi32>, vector<16xi32>], vector<16xi32>,
          %swap3A_445 = arith.constant 16 : index
          %swap3A_446 = tpu.vector_load %arg14[%swap3A_445] {strides = array<i32>} : memref<32xi32, #tpu.memory_space<vmem>>, vector<16xi32>,
          tpu.vector_store %arg14[%swap3A_445], %gather3A_444 {strides = array<i32>} : memref<32xi32, #tpu.memory_space<vmem>>, vector<16xi32>,
          %gather3A_447 = tpu.vector_load_idx %arg8[%shift_right_logical3A_440, %and3A_443] : memref<126x80xi32, #tpu.memory_space<vmem>>[vector<16xi32>, vector<16xi32>], vector<16xi32>,
          %swap3A_448 = arith.constant 16 : index
          %swap3A_449 = tpu.vector_load %arg15[%swap3A_448] {strides = array<i32>} : memref<32xi32, #tpu.memory_space<vmem>>, vector<16xi32>,
          tpu.vector_store %arg15[%swap3A_448], %gather3A_447 {strides = array<i32>} : memref<32xi32, #tpu.memory_space<vmem>>, vector<16xi32>,
          %dma_start3A_450 = arith.constant 0 : i32
          %dma_start3A_451 = arith.constant 0 : i32
          %dma_start3A_452 = tpu.memref_slice %arg2[%dma_start3A_450, %dma_start3A_451] : memref<10000x128xf32, #tpu.memory_space<hbm>> -> memref<10000x128xf32, #tpu.memory_space<hbm>>
          tpu.enqueue_indirect_dma source(%dma_start3A_452 : memref<10000x128xf32, #tpu.memory_space<hbm>>) target(%arg26 : memref<32x128xf32, #tpu.memory_space<vmem>>) offsets(%arg14 : memref<32xi32, #tpu.memory_space<vmem>>) semaphore(%arg35 : memref<!tpu.dma_semaphore, #tpu.memory_space<semaphore_mem>>)
        } else {
        }
      } else {
      }
      %rem3A_377 = arith.constant 7 : i32
      %rem3A_378 = arith.remsi %while3A_348, %rem3A_377 : i32
      %eq3A_379 = arith.constant 4 : i32
      %eq3A_380 = arith.cmpi eq, %rem3A_378, %eq3A_379 : i32
      %convert_element_type3A_381 = arith.extui %eq3A_380 : i1 to i32
      %cond3A_382 = arith.constant 0 : i32
      %cond3A_383 = arith.cmpi ne, %convert_element_type3A_381, %cond3A_382 : i32
      scf.if %cond3A_383 {
        %dma_wait3A_398 = arith.constant 0 : i32
        %dma_wait3A_399 = arith.constant 0 : i32
        %dma_wait3A_400 = tpu.memref_slice %arg2[%dma_wait3A_398, %dma_wait3A_399] : memref<10000x128xf32, #tpu.memory_space<hbm>> -> memref<10000x128xf32, #tpu.memory_space<hbm>>
        tpu.wait_indirect_dma semaphore(%arg37 : memref<!tpu.dma_semaphore, #tpu.memory_space<semaphore_mem>>) src(%dma_wait3A_400 : memref<10000x128xf32, #tpu.memory_space<hbm>>) dst(%arg28 : memref<32x128xf32, #tpu.memory_space<vmem>>)
        %dma_start3A_401 = arith.constant 0 : i32
        %dma_start3A_402 = arith.constant 0 : i32
        %dma_start3A_403 = tpu.memref_slice %arg32[%dma_start3A_401, %dma_start3A_402] : memref<6016x128xf32, #tpu.memory_space<vmem_shared>> -> memref<6016x128xf32, #tpu.memory_space<vmem_shared>>
        tpu.enqueue_indirect_dma source(%arg28 : memref<32x128xf32, #tpu.memory_space<vmem>>) target(%dma_start3A_403 : memref<6016x128xf32, #tpu.memory_space<vmem_shared>>) offsets(%arg19 : memref<32xi32, #tpu.memory_space<vmem>>) semaphore(%arg44 : memref<!tpu.dma_semaphore, #tpu.memory_space<semaphore_mem>>) {add = true}
        %ge3A_404 = arith.constant 1 : i32
        %ge3A_405 = arith.cmpi sge, %while3A_348, %ge3A_404 : i32
        %convert_element_type3A_406 = arith.extui %ge3A_405 : i1 to i32
        %cond3A_407 = arith.constant 0 : i32
        %cond3A_408 = arith.cmpi ne, %convert_element_type3A_406, %cond3A_407 : i32
        scf.if %cond3A_408 {
          %dma_wait3A_414 = arith.constant 0 : i32
          %dma_wait3A_415 = arith.constant 0 : i32
          %dma_wait3A_416 = tpu.memref_slice %arg32[%dma_wait3A_414, %dma_wait3A_415] : memref<6016x128xf32, #tpu.memory_space<vmem_shared>> -> memref<6016x128xf32, #tpu.memory_space<vmem_shared>>
          tpu.wait_indirect_dma semaphore(%arg43 : memref<!tpu.dma_semaphore, #tpu.memory_space<semaphore_mem>>) src(%arg27 : memref<32x128xf32, #tpu.memory_space<vmem>>) dst(%dma_wait3A_416 : memref<6016x128xf32, #tpu.memory_space<vmem_shared>>)
        } else {
        }
        %add3A_409 = arith.constant 6 : i32
        %add3A_410 = arith.addi %while3A_348, %add3A_409 : i32
        %lt3A = arith.cmpi slt, %add3A_410, %shift_right_logical3A_203 : i32
        %convert_element_type3A_411 = arith.extui %lt3A : i1 to i32
        %cond3A_412 = arith.constant 0 : i32
        %cond3A_413 = arith.cmpi ne, %convert_element_type3A_411, %cond3A_412 : i32
        scf.if %cond3A_413 {
          %add3A_414 = arith.constant 6 : i32
          %add3A_415 = arith.addi %while3A_348, %add3A_414 : i32
          %mul3A_416 = arith.constant 32 : i32
          %mul3A_417 = arith.muli %add3A_415, %mul3A_416 : i32
          %add3A_418 = arith.constant 0 : i32
          %add3A_419 = arith.addi %mul3A_417, %add3A_418 : i32
          %get3A = arith.index_cast %add3A_419 : i32 to index
          %get3A_420 = tpu.vector_load %arg9[%get3A] {strides = array<i32>} : memref<10240xi32, #tpu.memory_space<vmem>>, vector<16xi32>,
          %shift_right_logical3A_421 = arith.constant 7 : i32
          %shift_right_logical3A_422 = vector.broadcast %shift_right_logical3A_421 : i32 to vector<16xi32>
          %shift_right_logical3A_423 = arith.shrui %get3A_420, %shift_right_logical3A_422 : vector<16xi32>
          %and3A_424 = arith.constant 127 : i32
          %and3A_425 = vector.broadcast %and3A_424 : i32 to vector<16xi32>
          %and3A_426 = arith.andi %get3A_420, %and3A_425 : vector<16xi32>
          %gather3A = tpu.vector_load_idx %arg7[%shift_right_logical3A_423, %and3A_426] : memref<126x80xi32, #tpu.memory_space<vmem>>[vector<16xi32>, vector<16xi32>], vector<16xi32>,
          %swap3A_427 = arith.constant 0 : index
          %swap3A_428 = tpu.vector_load %arg16[%swap3A_427] {strides = array<i32>} : memref<32xi32, #tpu.memory_space<vmem>>, vector<16xi32>,
          tpu.vector_store %arg16[%swap3A_427], %gather3A {strides = array<i32>} : memref<32xi32, #tpu.memory_space<vmem>>, vector<16xi32>,
          %gather3A_429 = tpu.vector_load_idx %arg8[%shift_right_logical3A_423, %and3A_426] : memref<126x80xi32, #tpu.memory_space<vmem>>[vector<16xi32>, vector<16xi32>], vector<16xi32>,
          %swap3A_430 = arith.constant 0 : index
          %swap3A_431 = tpu.vector_load %arg17[%swap3A_430] {strides = array<i32>} : memref<32xi32, #tpu.memory_space<vmem>>, vector<16xi32>,
          tpu.vector_store %arg17[%swap3A_430], %gather3A_429 {strides = array<i32>} : memref<32xi32, #tpu.memory_space<vmem>>, vector<16xi32>,
          %mul3A_432 = arith.constant 32 : i32
          %mul3A_433 = arith.muli %add3A_415, %mul3A_432 : i32
          %add3A_434 = arith.constant 16 : i32
          %add3A_435 = arith.addi %mul3A_433, %add3A_434 : i32
          %get3A_436 = arith.index_cast %add3A_435 : i32 to index
          %get3A_437 = tpu.vector_load %arg9[%get3A_436] {strides = array<i32>} : memref<10240xi32, #tpu.memory_space<vmem>>, vector<16xi32>,
          %shift_right_logical3A_438 = arith.constant 7 : i32
          %shift_right_logical3A_439 = vector.broadcast %shift_right_logical3A_438 : i32 to vector<16xi32>
          %shift_right_logical3A_440 = arith.shrui %get3A_437, %shift_right_logical3A_439 : vector<16xi32>
          %and3A_441 = arith.constant 127 : i32
          %and3A_442 = vector.broadcast %and3A_441 : i32 to vector<16xi32>
          %and3A_443 = arith.andi %get3A_437, %and3A_442 : vector<16xi32>
          %gather3A_444 = tpu.vector_load_idx %arg7[%shift_right_logical3A_440, %and3A_443] : memref<126x80xi32, #tpu.memory_space<vmem>>[vector<16xi32>, vector<16xi32>], vector<16xi32>,
          %swap3A_445 = arith.constant 16 : index
          %swap3A_446 = tpu.vector_load %arg16[%swap3A_445] {strides = array<i32>} : memref<32xi32, #tpu.memory_space<vmem>>, vector<16xi32>,
          tpu.vector_store %arg16[%swap3A_445], %gather3A_444 {strides = array<i32>} : memref<32xi32, #tpu.memory_space<vmem>>, vector<16xi32>,
          %gather3A_447 = tpu.vector_load_idx %arg8[%shift_right_logical3A_440, %and3A_443] : memref<126x80xi32, #tpu.memory_space<vmem>>[vector<16xi32>, vector<16xi32>], vector<16xi32>,
          %swap3A_448 = arith.constant 16 : index
          %swap3A_449 = tpu.vector_load %arg17[%swap3A_448] {strides = array<i32>} : memref<32xi32, #tpu.memory_space<vmem>>, vector<16xi32>,
          tpu.vector_store %arg17[%swap3A_448], %gather3A_447 {strides = array<i32>} : memref<32xi32, #tpu.memory_space<vmem>>, vector<16xi32>,
          %dma_start3A_450 = arith.constant 0 : i32
          %dma_start3A_451 = arith.constant 0 : i32
          %dma_start3A_452 = tpu.memref_slice %arg2[%dma_start3A_450, %dma_start3A_451] : memref<10000x128xf32, #tpu.memory_space<hbm>> -> memref<10000x128xf32, #tpu.memory_space<hbm>>
          tpu.enqueue_indirect_dma source(%dma_start3A_452 : memref<10000x128xf32, #tpu.memory_space<hbm>>) target(%arg27 : memref<32x128xf32, #tpu.memory_space<vmem>>) offsets(%arg16 : memref<32xi32, #tpu.memory_space<vmem>>) semaphore(%arg36 : memref<!tpu.dma_semaphore, #tpu.memory_space<semaphore_mem>>)
        } else {
        }
      } else {
      }
      %rem3A_384 = arith.constant 7 : i32
      %rem3A_385 = arith.remsi %while3A_348, %rem3A_384 : i32
      %eq3A_386 = arith.constant 5 : i32
      %eq3A_387 = arith.cmpi eq, %rem3A_385, %eq3A_386 : i32
      %convert_element_type3A_388 = arith.extui %eq3A_387 : i1 to i32
      %cond3A_389 = arith.constant 0 : i32
      %cond3A_390 = arith.cmpi ne, %convert_element_type3A_388, %cond3A_389 : i32
      scf.if %cond3A_390 {
        %dma_wait3A_398 = arith.constant 0 : i32
        %dma_wait3A_399 = arith.constant 0 : i32
        %dma_wait3A_400 = tpu.memref_slice %arg2[%dma_wait3A_398, %dma_wait3A_399] : memref<10000x128xf32, #tpu.memory_space<hbm>> -> memref<10000x128xf32, #tpu.memory_space<hbm>>
        tpu.wait_indirect_dma semaphore(%arg38 : memref<!tpu.dma_semaphore, #tpu.memory_space<semaphore_mem>>) src(%dma_wait3A_400 : memref<10000x128xf32, #tpu.memory_space<hbm>>) dst(%arg29 : memref<32x128xf32, #tpu.memory_space<vmem>>)
        %dma_start3A_401 = arith.constant 0 : i32
        %dma_start3A_402 = arith.constant 0 : i32
        %dma_start3A_403 = tpu.memref_slice %arg32[%dma_start3A_401, %dma_start3A_402] : memref<6016x128xf32, #tpu.memory_space<vmem_shared>> -> memref<6016x128xf32, #tpu.memory_space<vmem_shared>>
        tpu.enqueue_indirect_dma source(%arg29 : memref<32x128xf32, #tpu.memory_space<vmem>>) target(%dma_start3A_403 : memref<6016x128xf32, #tpu.memory_space<vmem_shared>>) offsets(%arg21 : memref<32xi32, #tpu.memory_space<vmem>>) semaphore(%arg45 : memref<!tpu.dma_semaphore, #tpu.memory_space<semaphore_mem>>) {add = true}
        %ge3A_404 = arith.constant 1 : i32
        %ge3A_405 = arith.cmpi sge, %while3A_348, %ge3A_404 : i32
        %convert_element_type3A_406 = arith.extui %ge3A_405 : i1 to i32
        %cond3A_407 = arith.constant 0 : i32
        %cond3A_408 = arith.cmpi ne, %convert_element_type3A_406, %cond3A_407 : i32
        scf.if %cond3A_408 {
          %dma_wait3A_414 = arith.constant 0 : i32
          %dma_wait3A_415 = arith.constant 0 : i32
          %dma_wait3A_416 = tpu.memref_slice %arg32[%dma_wait3A_414, %dma_wait3A_415] : memref<6016x128xf32, #tpu.memory_space<vmem_shared>> -> memref<6016x128xf32, #tpu.memory_space<vmem_shared>>
          tpu.wait_indirect_dma semaphore(%arg44 : memref<!tpu.dma_semaphore, #tpu.memory_space<semaphore_mem>>) src(%arg28 : memref<32x128xf32, #tpu.memory_space<vmem>>) dst(%dma_wait3A_416 : memref<6016x128xf32, #tpu.memory_space<vmem_shared>>)
        } else {
        }
        %add3A_409 = arith.constant 6 : i32
        %add3A_410 = arith.addi %while3A_348, %add3A_409 : i32
        %lt3A = arith.cmpi slt, %add3A_410, %shift_right_logical3A_203 : i32
        %convert_element_type3A_411 = arith.extui %lt3A : i1 to i32
        %cond3A_412 = arith.constant 0 : i32
        %cond3A_413 = arith.cmpi ne, %convert_element_type3A_411, %cond3A_412 : i32
        scf.if %cond3A_413 {
          %add3A_414 = arith.constant 6 : i32
          %add3A_415 = arith.addi %while3A_348, %add3A_414 : i32
          %mul3A_416 = arith.constant 32 : i32
          %mul3A_417 = arith.muli %add3A_415, %mul3A_416 : i32
          %add3A_418 = arith.constant 0 : i32
          %add3A_419 = arith.addi %mul3A_417, %add3A_418 : i32
          %get3A = arith.index_cast %add3A_419 : i32 to index
          %get3A_420 = tpu.vector_load %arg9[%get3A] {strides = array<i32>} : memref<10240xi32, #tpu.memory_space<vmem>>, vector<16xi32>,
          %shift_right_logical3A_421 = arith.constant 7 : i32
          %shift_right_logical3A_422 = vector.broadcast %shift_right_logical3A_421 : i32 to vector<16xi32>
          %shift_right_logical3A_423 = arith.shrui %get3A_420, %shift_right_logical3A_422 : vector<16xi32>
          %and3A_424 = arith.constant 127 : i32
          %and3A_425 = vector.broadcast %and3A_424 : i32 to vector<16xi32>
          %and3A_426 = arith.andi %get3A_420, %and3A_425 : vector<16xi32>
          %gather3A = tpu.vector_load_idx %arg7[%shift_right_logical3A_423, %and3A_426] : memref<126x80xi32, #tpu.memory_space<vmem>>[vector<16xi32>, vector<16xi32>], vector<16xi32>,
          %swap3A_427 = arith.constant 0 : index
          %swap3A_428 = tpu.vector_load %arg18[%swap3A_427] {strides = array<i32>} : memref<32xi32, #tpu.memory_space<vmem>>, vector<16xi32>,
          tpu.vector_store %arg18[%swap3A_427], %gather3A {strides = array<i32>} : memref<32xi32, #tpu.memory_space<vmem>>, vector<16xi32>,
          %gather3A_429 = tpu.vector_load_idx %arg8[%shift_right_logical3A_423, %and3A_426] : memref<126x80xi32, #tpu.memory_space<vmem>>[vector<16xi32>, vector<16xi32>], vector<16xi32>,
          %swap3A_430 = arith.constant 0 : index
          %swap3A_431 = tpu.vector_load %arg19[%swap3A_430] {strides = array<i32>} : memref<32xi32, #tpu.memory_space<vmem>>, vector<16xi32>,
          tpu.vector_store %arg19[%swap3A_430], %gather3A_429 {strides = array<i32>} : memref<32xi32, #tpu.memory_space<vmem>>, vector<16xi32>,
          %mul3A_432 = arith.constant 32 : i32
          %mul3A_433 = arith.muli %add3A_415, %mul3A_432 : i32
          %add3A_434 = arith.constant 16 : i32
          %add3A_435 = arith.addi %mul3A_433, %add3A_434 : i32
          %get3A_436 = arith.index_cast %add3A_435 : i32 to index
          %get3A_437 = tpu.vector_load %arg9[%get3A_436] {strides = array<i32>} : memref<10240xi32, #tpu.memory_space<vmem>>, vector<16xi32>,
          %shift_right_logical3A_438 = arith.constant 7 : i32
          %shift_right_logical3A_439 = vector.broadcast %shift_right_logical3A_438 : i32 to vector<16xi32>
          %shift_right_logical3A_440 = arith.shrui %get3A_437, %shift_right_logical3A_439 : vector<16xi32>
          %and3A_441 = arith.constant 127 : i32
          %and3A_442 = vector.broadcast %and3A_441 : i32 to vector<16xi32>
          %and3A_443 = arith.andi %get3A_437, %and3A_442 : vector<16xi32>
          %gather3A_444 = tpu.vector_load_idx %arg7[%shift_right_logical3A_440, %and3A_443] : memref<126x80xi32, #tpu.memory_space<vmem>>[vector<16xi32>, vector<16xi32>], vector<16xi32>,
          %swap3A_445 = arith.constant 16 : index
          %swap3A_446 = tpu.vector_load %arg18[%swap3A_445] {strides = array<i32>} : memref<32xi32, #tpu.memory_space<vmem>>, vector<16xi32>,
          tpu.vector_store %arg18[%swap3A_445], %gather3A_444 {strides = array<i32>} : memref<32xi32, #tpu.memory_space<vmem>>, vector<16xi32>,
          %gather3A_447 = tpu.vector_load_idx %arg8[%shift_right_logical3A_440, %and3A_443] : memref<126x80xi32, #tpu.memory_space<vmem>>[vector<16xi32>, vector<16xi32>], vector<16xi32>,
          %swap3A_448 = arith.constant 16 : index
          %swap3A_449 = tpu.vector_load %arg19[%swap3A_448] {strides = array<i32>} : memref<32xi32, #tpu.memory_space<vmem>>, vector<16xi32>,
          tpu.vector_store %arg19[%swap3A_448], %gather3A_447 {strides = array<i32>} : memref<32xi32, #tpu.memory_space<vmem>>, vector<16xi32>,
          %dma_start3A_450 = arith.constant 0 : i32
          %dma_start3A_451 = arith.constant 0 : i32
          %dma_start3A_452 = tpu.memref_slice %arg2[%dma_start3A_450, %dma_start3A_451] : memref<10000x128xf32, #tpu.memory_space<hbm>> -> memref<10000x128xf32, #tpu.memory_space<hbm>>
          tpu.enqueue_indirect_dma source(%dma_start3A_452 : memref<10000x128xf32, #tpu.memory_space<hbm>>) target(%arg28 : memref<32x128xf32, #tpu.memory_space<vmem>>) offsets(%arg18 : memref<32xi32, #tpu.memory_space<vmem>>) semaphore(%arg37 : memref<!tpu.dma_semaphore, #tpu.memory_space<semaphore_mem>>)
        } else {
        }
      } else {
      }
      %rem3A_391 = arith.constant 7 : i32
      %rem3A_392 = arith.remsi %while3A_348, %rem3A_391 : i32
      %eq3A_393 = arith.constant 6 : i32
      %eq3A_394 = arith.cmpi eq, %rem3A_392, %eq3A_393 : i32
      %convert_element_type3A_395 = arith.extui %eq3A_394 : i1 to i32
      %cond3A_396 = arith.constant 0 : i32
      %cond3A_397 = arith.cmpi ne, %convert_element_type3A_395, %cond3A_396 : i32
      scf.if %cond3A_397 {
        %dma_wait3A_398 = arith.constant 0 : i32
        %dma_wait3A_399 = arith.constant 0 : i32
        %dma_wait3A_400 = tpu.memref_slice %arg2[%dma_wait3A_398, %dma_wait3A_399] : memref<10000x128xf32, #tpu.memory_space<hbm>> -> memref<10000x128xf32, #tpu.memory_space<hbm>>
        tpu.wait_indirect_dma semaphore(%arg39 : memref<!tpu.dma_semaphore, #tpu.memory_space<semaphore_mem>>) src(%dma_wait3A_400 : memref<10000x128xf32, #tpu.memory_space<hbm>>) dst(%arg30 : memref<32x128xf32, #tpu.memory_space<vmem>>)
        %dma_start3A_401 = arith.constant 0 : i32
        %dma_start3A_402 = arith.constant 0 : i32
        %dma_start3A_403 = tpu.memref_slice %arg32[%dma_start3A_401, %dma_start3A_402] : memref<6016x128xf32, #tpu.memory_space<vmem_shared>> -> memref<6016x128xf32, #tpu.memory_space<vmem_shared>>
        tpu.enqueue_indirect_dma source(%arg30 : memref<32x128xf32, #tpu.memory_space<vmem>>) target(%dma_start3A_403 : memref<6016x128xf32, #tpu.memory_space<vmem_shared>>) offsets(%arg23 : memref<32xi32, #tpu.memory_space<vmem>>) semaphore(%arg46 : memref<!tpu.dma_semaphore, #tpu.memory_space<semaphore_mem>>) {add = true}
        %ge3A_404 = arith.constant 1 : i32
        %ge3A_405 = arith.cmpi sge, %while3A_348, %ge3A_404 : i32
        %convert_element_type3A_406 = arith.extui %ge3A_405 : i1 to i32
        %cond3A_407 = arith.constant 0 : i32
        %cond3A_408 = arith.cmpi ne, %convert_element_type3A_406, %cond3A_407 : i32
        scf.if %cond3A_408 {
          %dma_wait3A_414 = arith.constant 0 : i32
          %dma_wait3A_415 = arith.constant 0 : i32
          %dma_wait3A_416 = tpu.memref_slice %arg32[%dma_wait3A_414, %dma_wait3A_415] : memref<6016x128xf32, #tpu.memory_space<vmem_shared>> -> memref<6016x128xf32, #tpu.memory_space<vmem_shared>>
          tpu.wait_indirect_dma semaphore(%arg45 : memref<!tpu.dma_semaphore, #tpu.memory_space<semaphore_mem>>) src(%arg29 : memref<32x128xf32, #tpu.memory_space<vmem>>) dst(%dma_wait3A_416 : memref<6016x128xf32, #tpu.memory_space<vmem_shared>>)
        } else {
        }
        %add3A_409 = arith.constant 6 : i32
        %add3A_410 = arith.addi %while3A_348, %add3A_409 : i32
        %lt3A = arith.cmpi slt, %add3A_410, %shift_right_logical3A_203 : i32
        %convert_element_type3A_411 = arith.extui %lt3A : i1 to i32
        %cond3A_412 = arith.constant 0 : i32
        %cond3A_413 = arith.cmpi ne, %convert_element_type3A_411, %cond3A_412 : i32
        scf.if %cond3A_413 {
          %add3A_414 = arith.constant 6 : i32
          %add3A_415 = arith.addi %while3A_348, %add3A_414 : i32
          %mul3A_416 = arith.constant 32 : i32
          %mul3A_417 = arith.muli %add3A_415, %mul3A_416 : i32
          %add3A_418 = arith.constant 0 : i32
          %add3A_419 = arith.addi %mul3A_417, %add3A_418 : i32
          %get3A = arith.index_cast %add3A_419 : i32 to index
          %get3A_420 = tpu.vector_load %arg9[%get3A] {strides = array<i32>} : memref<10240xi32, #tpu.memory_space<vmem>>, vector<16xi32>,
          %shift_right_logical3A_421 = arith.constant 7 : i32
          %shift_right_logical3A_422 = vector.broadcast %shift_right_logical3A_421 : i32 to vector<16xi32>
          %shift_right_logical3A_423 = arith.shrui %get3A_420, %shift_right_logical3A_422 : vector<16xi32>
          %and3A_424 = arith.constant 127 : i32
          %and3A_425 = vector.broadcast %and3A_424 : i32 to vector<16xi32>
          %and3A_426 = arith.andi %get3A_420, %and3A_425 : vector<16xi32>
          %gather3A = tpu.vector_load_idx %arg7[%shift_right_logical3A_423, %and3A_426] : memref<126x80xi32, #tpu.memory_space<vmem>>[vector<16xi32>, vector<16xi32>], vector<16xi32>,
          %swap3A_427 = arith.constant 0 : index
          %swap3A_428 = tpu.vector_load %arg20[%swap3A_427] {strides = array<i32>} : memref<32xi32, #tpu.memory_space<vmem>>, vector<16xi32>,
          tpu.vector_store %arg20[%swap3A_427], %gather3A {strides = array<i32>} : memref<32xi32, #tpu.memory_space<vmem>>, vector<16xi32>,
          %gather3A_429 = tpu.vector_load_idx %arg8[%shift_right_logical3A_423, %and3A_426] : memref<126x80xi32, #tpu.memory_space<vmem>>[vector<16xi32>, vector<16xi32>], vector<16xi32>,
          %swap3A_430 = arith.constant 0 : index
          %swap3A_431 = tpu.vector_load %arg21[%swap3A_430] {strides = array<i32>} : memref<32xi32, #tpu.memory_space<vmem>>, vector<16xi32>,
          tpu.vector_store %arg21[%swap3A_430], %gather3A_429 {strides = array<i32>} : memref<32xi32, #tpu.memory_space<vmem>>, vector<16xi32>,
          %mul3A_432 = arith.constant 32 : i32
          %mul3A_433 = arith.muli %add3A_415, %mul3A_432 : i32
          %add3A_434 = arith.constant 16 : i32
          %add3A_435 = arith.addi %mul3A_433, %add3A_434 : i32
          %get3A_436 = arith.index_cast %add3A_435 : i32 to index
          %get3A_437 = tpu.vector_load %arg9[%get3A_436] {strides = array<i32>} : memref<10240xi32, #tpu.memory_space<vmem>>, vector<16xi32>,
          %shift_right_logical3A_438 = arith.constant 7 : i32
          %shift_right_logical3A_439 = vector.broadcast %shift_right_logical3A_438 : i32 to vector<16xi32>
          %shift_right_logical3A_440 = arith.shrui %get3A_437, %shift_right_logical3A_439 : vector<16xi32>
          %and3A_441 = arith.constant 127 : i32
          %and3A_442 = vector.broadcast %and3A_441 : i32 to vector<16xi32>
          %and3A_443 = arith.andi %get3A_437, %and3A_442 : vector<16xi32>
          %gather3A_444 = tpu.vector_load_idx %arg7[%shift_right_logical3A_440, %and3A_443] : memref<126x80xi32, #tpu.memory_space<vmem>>[vector<16xi32>, vector<16xi32>], vector<16xi32>,
          %swap3A_445 = arith.constant 16 : index
          %swap3A_446 = tpu.vector_load %arg20[%swap3A_445] {strides = array<i32>} : memref<32xi32, #tpu.memory_space<vmem>>, vector<16xi32>,
          tpu.vector_store %arg20[%swap3A_445], %gather3A_444 {strides = array<i32>} : memref<32xi32, #tpu.memory_space<vmem>>, vector<16xi32>,
          %gather3A_447 = tpu.vector_load_idx %arg8[%shift_right_logical3A_440, %and3A_443] : memref<126x80xi32, #tpu.memory_space<vmem>>[vector<16xi32>, vector<16xi32>], vector<16xi32>,
          %swap3A_448 = arith.constant 16 : index
          %swap3A_449 = tpu.vector_load %arg21[%swap3A_448] {strides = array<i32>} : memref<32xi32, #tpu.memory_space<vmem>>, vector<16xi32>,
          tpu.vector_store %arg21[%swap3A_448], %gather3A_447 {strides = array<i32>} : memref<32xi32, #tpu.memory_space<vmem>>, vector<16xi32>,
          %dma_start3A_450 = arith.constant 0 : i32
          %dma_start3A_451 = arith.constant 0 : i32
          %dma_start3A_452 = tpu.memref_slice %arg2[%dma_start3A_450, %dma_start3A_451] : memref<10000x128xf32, #tpu.memory_space<hbm>> -> memref<10000x128xf32, #tpu.memory_space<hbm>>
          tpu.enqueue_indirect_dma source(%dma_start3A_452 : memref<10000x128xf32, #tpu.memory_space<hbm>>) target(%arg29 : memref<32x128xf32, #tpu.memory_space<vmem>>) offsets(%arg20 : memref<32xi32, #tpu.memory_space<vmem>>) semaphore(%arg38 : memref<!tpu.dma_semaphore, #tpu.memory_space<semaphore_mem>>)
        } else {
        }
      } else {
      }
    }
    %sub3A_247 = arith.constant 1 : i32
    %sub3A_248 = arith.subi %shift_right_logical3A_203, %sub3A_247 : i32
    %ge3A = arith.constant 0 : i32
    %ge3A_249 = arith.cmpi sge, %sub3A_248, %ge3A : i32
    %rem3A = arith.constant 7 : i32
    %rem3A_250 = arith.remsi %sub3A_248, %rem3A : i32
    %eq3A = arith.constant 0 : i32
    %eq3A_251 = arith.cmpi eq, %rem3A_250, %eq3A : i32
    %and3A = arith.andi %ge3A_249, %eq3A_251 : i1
    %convert_element_type3A_252 = arith.extui %and3A : i1 to i32
    %cond3A_253 = arith.constant 0 : i32
    %cond3A_254 = arith.cmpi ne, %convert_element_type3A_252, %cond3A_253 : i32
    scf.if %cond3A_254 {
      %dma_wait3A_348 = arith.constant 0 : i32
      %dma_wait3A_349 = arith.constant 0 : i32
      %dma_wait3A_350 = tpu.memref_slice %arg32[%dma_wait3A_348, %dma_wait3A_349] : memref<6016x128xf32, #tpu.memory_space<vmem_shared>> -> memref<6016x128xf32, #tpu.memory_space<vmem_shared>>
      tpu.wait_indirect_dma semaphore(%arg40 : memref<!tpu.dma_semaphore, #tpu.memory_space<semaphore_mem>>) src(%arg24 : memref<32x128xf32, #tpu.memory_space<vmem>>) dst(%dma_wait3A_350 : memref<6016x128xf32, #tpu.memory_space<vmem_shared>>)
    } else {
    }
    %ge3A_255 = arith.constant 0 : i32
    %ge3A_256 = arith.cmpi sge, %sub3A_248, %ge3A_255 : i32
    %rem3A_257 = arith.constant 7 : i32
    %rem3A_258 = arith.remsi %sub3A_248, %rem3A_257 : i32
    %eq3A_259 = arith.constant 1 : i32
    %eq3A_260 = arith.cmpi eq, %rem3A_258, %eq3A_259 : i32
    %and3A_261 = arith.andi %ge3A_256, %eq3A_260 : i1
    %convert_element_type3A_262 = arith.extui %and3A_261 : i1 to i32
    %cond3A_263 = arith.constant 0 : i32
    %cond3A_264 = arith.cmpi ne, %convert_element_type3A_262, %cond3A_263 : i32
    scf.if %cond3A_264 {
      %dma_wait3A_348 = arith.constant 0 : i32
      %dma_wait3A_349 = arith.constant 0 : i32
      %dma_wait3A_350 = tpu.memref_slice %arg32[%dma_wait3A_348, %dma_wait3A_349] : memref<6016x128xf32, #tpu.memory_space<vmem_shared>> -> memref<6016x128xf32, #tpu.memory_space<vmem_shared>>
      tpu.wait_indirect_dma semaphore(%arg41 : memref<!tpu.dma_semaphore, #tpu.memory_space<semaphore_mem>>) src(%arg25 : memref<32x128xf32, #tpu.memory_space<vmem>>) dst(%dma_wait3A_350 : memref<6016x128xf32, #tpu.memory_space<vmem_shared>>)
    } else {
    }
    %ge3A_265 = arith.constant 0 : i32
    %ge3A_266 = arith.cmpi sge, %sub3A_248, %ge3A_265 : i32
    %rem3A_267 = arith.constant 7 : i32
    %rem3A_268 = arith.remsi %sub3A_248, %rem3A_267 : i32
    %eq3A_269 = arith.constant 2 : i32
    %eq3A_270 = arith.cmpi eq, %rem3A_268, %eq3A_269 : i32
    %and3A_271 = arith.andi %ge3A_266, %eq3A_270 : i1
    %convert_element_type3A_272 = arith.extui %and3A_271 : i1 to i32
    %cond3A_273 = arith.constant 0 : i32
    %cond3A_274 = arith.cmpi ne, %convert_element_type3A_272, %cond3A_273 : i32
    scf.if %cond3A_274 {
      %dma_wait3A_348 = arith.constant 0 : i32
      %dma_wait3A_349 = arith.constant 0 : i32
      %dma_wait3A_350 = tpu.memref_slice %arg32[%dma_wait3A_348, %dma_wait3A_349] : memref<6016x128xf32, #tpu.memory_space<vmem_shared>> -> memref<6016x128xf32, #tpu.memory_space<vmem_shared>>
      tpu.wait_indirect_dma semaphore(%arg42 : memref<!tpu.dma_semaphore, #tpu.memory_space<semaphore_mem>>) src(%arg26 : memref<32x128xf32, #tpu.memory_space<vmem>>) dst(%dma_wait3A_350 : memref<6016x128xf32, #tpu.memory_space<vmem_shared>>)
    } else {
    }
    %ge3A_275 = arith.constant 0 : i32
    %ge3A_276 = arith.cmpi sge, %sub3A_248, %ge3A_275 : i32
    %rem3A_277 = arith.constant 7 : i32
    %rem3A_278 = arith.remsi %sub3A_248, %rem3A_277 : i32
    %eq3A_279 = arith.constant 3 : i32
    %eq3A_280 = arith.cmpi eq, %rem3A_278, %eq3A_279 : i32
    %and3A_281 = arith.andi %ge3A_276, %eq3A_280 : i1
    %convert_element_type3A_282 = arith.extui %and3A_281 : i1 to i32
    %cond3A_283 = arith.constant 0 : i32
    %cond3A_284 = arith.cmpi ne, %convert_element_type3A_282, %cond3A_283 : i32
    scf.if %cond3A_284 {
      %dma_wait3A_348 = arith.constant 0 : i32
      %dma_wait3A_349 = arith.constant 0 : i32
      %dma_wait3A_350 = tpu.memref_slice %arg32[%dma_wait3A_348, %dma_wait3A_349] : memref<6016x128xf32, #tpu.memory_space<vmem_shared>> -> memref<6016x128xf32, #tpu.memory_space<vmem_shared>>
      tpu.wait_indirect_dma semaphore(%arg43 : memref<!tpu.dma_semaphore, #tpu.memory_space<semaphore_mem>>) src(%arg27 : memref<32x128xf32, #tpu.memory_space<vmem>>) dst(%dma_wait3A_350 : memref<6016x128xf32, #tpu.memory_space<vmem_shared>>)
    } else {
    }
    %ge3A_285 = arith.constant 0 : i32
    %ge3A_286 = arith.cmpi sge, %sub3A_248, %ge3A_285 : i32
    %rem3A_287 = arith.constant 7 : i32
    %rem3A_288 = arith.remsi %sub3A_248, %rem3A_287 : i32
    %eq3A_289 = arith.constant 4 : i32
    %eq3A_290 = arith.cmpi eq, %rem3A_288, %eq3A_289 : i32
    %and3A_291 = arith.andi %ge3A_286, %eq3A_290 : i1
    %convert_element_type3A_292 = arith.extui %and3A_291 : i1 to i32
    %cond3A_293 = arith.constant 0 : i32
    %cond3A_294 = arith.cmpi ne, %convert_element_type3A_292, %cond3A_293 : i32
    scf.if %cond3A_294 {
      %dma_wait3A_348 = arith.constant 0 : i32
      %dma_wait3A_349 = arith.constant 0 : i32
      %dma_wait3A_350 = tpu.memref_slice %arg32[%dma_wait3A_348, %dma_wait3A_349] : memref<6016x128xf32, #tpu.memory_space<vmem_shared>> -> memref<6016x128xf32, #tpu.memory_space<vmem_shared>>
      tpu.wait_indirect_dma semaphore(%arg44 : memref<!tpu.dma_semaphore, #tpu.memory_space<semaphore_mem>>) src(%arg28 : memref<32x128xf32, #tpu.memory_space<vmem>>) dst(%dma_wait3A_350 : memref<6016x128xf32, #tpu.memory_space<vmem_shared>>)
    } else {
    }
    %ge3A_295 = arith.constant 0 : i32
    %ge3A_296 = arith.cmpi sge, %sub3A_248, %ge3A_295 : i32
    %rem3A_297 = arith.constant 7 : i32
    %rem3A_298 = arith.remsi %sub3A_248, %rem3A_297 : i32
    %eq3A_299 = arith.constant 5 : i32
    %eq3A_300 = arith.cmpi eq, %rem3A_298, %eq3A_299 : i32
    %and3A_301 = arith.andi %ge3A_296, %eq3A_300 : i1
    %convert_element_type3A_302 = arith.extui %and3A_301 : i1 to i32
    %cond3A_303 = arith.constant 0 : i32
    %cond3A_304 = arith.cmpi ne, %convert_element_type3A_302, %cond3A_303 : i32
    scf.if %cond3A_304 {
      %dma_wait3A_348 = arith.constant 0 : i32
      %dma_wait3A_349 = arith.constant 0 : i32
      %dma_wait3A_350 = tpu.memref_slice %arg32[%dma_wait3A_348, %dma_wait3A_349] : memref<6016x128xf32, #tpu.memory_space<vmem_shared>> -> memref<6016x128xf32, #tpu.memory_space<vmem_shared>>
      tpu.wait_indirect_dma semaphore(%arg45 : memref<!tpu.dma_semaphore, #tpu.memory_space<semaphore_mem>>) src(%arg29 : memref<32x128xf32, #tpu.memory_space<vmem>>) dst(%dma_wait3A_350 : memref<6016x128xf32, #tpu.memory_space<vmem_shared>>)
    } else {
    }
    %ge3A_305 = arith.constant 0 : i32
    %ge3A_306 = arith.cmpi sge, %sub3A_248, %ge3A_305 : i32
    %rem3A_307 = arith.constant 7 : i32
    %rem3A_308 = arith.remsi %sub3A_248, %rem3A_307 : i32
    %eq3A_309 = arith.constant 6 : i32
    %eq3A_310 = arith.cmpi eq, %rem3A_308, %eq3A_309 : i32
    %and3A_311 = arith.andi %ge3A_306, %eq3A_310 : i1
    %convert_element_type3A_312 = arith.extui %and3A_311 : i1 to i32
    %cond3A_313 = arith.constant 0 : i32
    %cond3A_314 = arith.cmpi ne, %convert_element_type3A_312, %cond3A_313 : i32
    scf.if %cond3A_314 {
      %dma_wait3A_348 = arith.constant 0 : i32
      %dma_wait3A_349 = arith.constant 0 : i32
      %dma_wait3A_350 = tpu.memref_slice %arg32[%dma_wait3A_348, %dma_wait3A_349] : memref<6016x128xf32, #tpu.memory_space<vmem_shared>> -> memref<6016x128xf32, #tpu.memory_space<vmem_shared>>
      tpu.wait_indirect_dma semaphore(%arg46 : memref<!tpu.dma_semaphore, #tpu.memory_space<semaphore_mem>>) src(%arg30 : memref<32x128xf32, #tpu.memory_space<vmem>>) dst(%dma_wait3A_350 : memref<6016x128xf32, #tpu.memory_space<vmem_shared>>)
    } else {
    }
    %barrier3A_315 = arith.constant 0 : index
    tpu.barrier barrier_id(%barrier3A_315)
    %mul3A_316 = arith.constant 376 : i32
    %mul3A_317 = arith.muli %arg1, %mul3A_316 : i32
    %dma_start3A_318 = arith.constant 0 : i32
    %dma_start3A_319 = tpu.memref_slice %arg5[%arg0, %mul3A_317, %dma_start3A_318] : memref<2x6016x128xf32, #tpu.memory_space<hbm>> -> memref<1x376x128xf32, #tpu.memory_space<hbm>>
    %dma_start3A_320 = tpu.memref_squeeze %dma_start3A_319 : memref<1x376x128xf32, #tpu.memory_space<hbm>> -> memref<376x128xf32, #tpu.memory_space<hbm>>
    %dma_start3A_321 = arith.constant 0 : i32
    %dma_start3A_322 = tpu.memref_slice %arg32[%mul3A_317, %dma_start3A_321] : memref<6016x128xf32, #tpu.memory_space<vmem_shared>> -> memref<376x128xf32, #tpu.memory_space<vmem_shared>>
    tpu.enqueue_dma source(%dma_start3A_322 : memref<376x128xf32, #tpu.memory_space<vmem_shared>>) target(%dma_start3A_320 : memref<376x128xf32, #tpu.memory_space<hbm>>) target_semaphore(%arg33 : memref<!tpu.dma_semaphore, #tpu.memory_space<semaphore_mem>>)
    %dma_start3A_323 = arith.constant 0 : i32
    %dma_start3A_324 = tpu.memref_slice %arg31[%dma_start3A_323] : memref<6032xf32, #tpu.memory_space<vmem>> -> memref<6032xf32, #tpu.memory_space<vmem>>
    %dma_start3A_325 = arith.constant 0 : i32
    %dma_start3A_326 = tpu.memref_slice %arg6[%add3A, %dma_start3A_325] : memref<32x6032xf32, #tpu.memory_space<hbm>> -> memref<1x6032xf32, #tpu.memory_space<hbm>>
    %dma_start3A_327 = tpu.memref_squeeze %dma_start3A_326 : memref<1x6032xf32, #tpu.memory_space<hbm>> -> memref<6032xf32, #tpu.memory_space<hbm>>
    %dma_start3A_328 = arith.constant 0 : i32
    %dma_start3A_329 = tpu.memref_slice %arg6[%add3A, %dma_start3A_328] : memref<32x6032xf32, #tpu.memory_space<hbm>> -> memref<1x6032xf32, #tpu.memory_space<hbm>>
    %dma_start3A_330 = tpu.memref_squeeze %dma_start3A_329 : memref<1x6032xf32, #tpu.memory_space<hbm>> -> memref<6032xf32, #tpu.memory_space<hbm>>
    %dma_start3A_331 = arith.constant 0 : i32
    %dma_start3A_332 = tpu.memref_slice %arg31[%dma_start3A_331] : memref<6032xf32, #tpu.memory_space<vmem>> -> memref<6032xf32, #tpu.memory_space<vmem>>
    tpu.enqueue_dma source(%dma_start3A_332 : memref<6032xf32, #tpu.memory_space<vmem>>) target(%dma_start3A_330 : memref<6032xf32, #tpu.memory_space<hbm>>) target_semaphore(%arg34 : memref<!tpu.dma_semaphore, #tpu.memory_space<semaphore_mem>>)
    %dma_wait3A_333 = arith.constant 0 : i32
    %dma_wait3A_334 = tpu.memref_slice %arg5[%arg0, %mul3A_317, %dma_wait3A_333] : memref<2x6016x128xf32, #tpu.memory_space<hbm>> -> memref<1x376x128xf32, #tpu.memory_space<hbm>>
    %dma_wait3A_335 = tpu.memref_squeeze %dma_wait3A_334 : memref<1x376x128xf32, #tpu.memory_space<hbm>> -> memref<376x128xf32, #tpu.memory_space<hbm>>
    %dma_wait3A_336 = arith.constant 0 : i32
    %dma_wait3A_337 = tpu.memref_slice %arg32[%mul3A_317, %dma_wait3A_336] : memref<6016x128xf32, #tpu.memory_space<vmem_shared>> -> memref<376x128xf32, #tpu.memory_space<vmem_shared>>
    tpu.wait_dma2 semaphore(%arg33 : memref<!tpu.dma_semaphore, #tpu.memory_space<semaphore_mem>>) src(%dma_wait3A_337 : memref<376x128xf32, #tpu.memory_space<vmem_shared>>) dst(%dma_wait3A_335 : memref<376x128xf32, #tpu.memory_space<hbm>>)
    %dma_wait3A_338 = arith.constant 0 : i32
    %dma_wait3A_339 = tpu.memref_slice %arg31[%dma_wait3A_338] : memref<6032xf32, #tpu.memory_space<vmem>> -> memref<6032xf32, #tpu.memory_space<vmem>>
    %dma_wait3A_340 = arith.constant 0 : i32
    %dma_wait3A_341 = tpu.memref_slice %arg6[%add3A, %dma_wait3A_340] : memref<32x6032xf32, #tpu.memory_space<hbm>> -> memref<1x6032xf32, #tpu.memory_space<hbm>>
    %dma_wait3A_342 = tpu.memref_squeeze %dma_wait3A_341 : memref<1x6032xf32, #tpu.memory_space<hbm>> -> memref<6032xf32, #tpu.memory_space<hbm>>
    %dma_wait3A_343 = arith.constant 0 : i32
    %dma_wait3A_344 = tpu.memref_slice %arg6[%add3A, %dma_wait3A_343] : memref<32x6032xf32, #tpu.memory_space<hbm>> -> memref<1x6032xf32, #tpu.memory_space<hbm>>
    %dma_wait3A_345 = tpu.memref_squeeze %dma_wait3A_344 : memref<1x6032xf32, #tpu.memory_space<hbm>> -> memref<6032xf32, #tpu.memory_space<hbm>>
    %dma_wait3A_346 = arith.constant 0 : i32
    %dma_wait3A_347 = tpu.memref_slice %arg31[%dma_wait3A_346] : memref<6032xf32, #tpu.memory_space<vmem>> -> memref<6032xf32, #tpu.memory_space<vmem>>
    tpu.wait_dma2 semaphore(%arg34 : memref<!tpu.dma_semaphore, #tpu.memory_space<semaphore_mem>>) src(%dma_wait3A_347 : memref<6032xf32, #tpu.memory_space<vmem>>) dst(%dma_wait3A_345 : memref<6032xf32, #tpu.memory_space<hbm>>)
    return
  }
}

module attributes {stable_mosaic.version = 14 : i64} {
  func.func @_proj_body(%arg0: i32, %arg1: memref<1000x128xf32, #tpu.memory_space<vmem>>, %arg2: memref<1000x128xf32, #tpu.memory_space<vmem>>, %arg3: memref<128x128xf32, #tpu.memory_space<vmem>>, %arg4: memref<1x128xf32, #tpu.memory_space<vmem>>, %arg5: memref<128x128xf32, #tpu.memory_space<vmem>>, %arg6: memref<1x128xf32, #tpu.memory_space<vmem>>, %arg7: memref<1000x128xf32, #tpu.memory_space<vmem>>) attributes {dimension_semantics = [#tpu.dimension_semantics<arbitrary>], iteration_bounds = array<i64: 10>, scalar_prefetch = 0 : i64, scratch_operands = 0 : i64, tpu.core_type = #tpu.core_type<tc>, window_params = [{transform_indices = @transform_0, window_bounds = array<i64: 1000, 128>}, {transform_indices = @transform_1, window_bounds = array<i64: 1000, 128>}, {pipeline_mode = #tpu.pipeline_mode<synchronous>, transform_indices = @transform_2, window_bounds = array<i64: 128, 128>}, {pipeline_mode = #tpu.pipeline_mode<synchronous>, transform_indices = @transform_3, window_bounds = array<i64: 1, 128>}, {pipeline_mode = #tpu.pipeline_mode<synchronous>, transform_indices = @transform_4, window_bounds = array<i64: 128, 128>}, {pipeline_mode = #tpu.pipeline_mode<synchronous>, transform_indices = @transform_5, window_bounds = array<i64: 1, 128>}, {transform_indices = @transform_6, window_bounds = array<i64: 1000, 128>}]} {
    %lt3A = arith.constant 6 : i32
    %lt3A_0 = arith.cmpi slt, %arg0, %lt3A : i32
    %convert_element_type3A = arith.extui %lt3A_0 : i1 to i32
    %cond3A = arith.constant 0 : i32
    %cond3A_1 = arith.cmpi ne, %convert_element_type3A, %cond3A : i32
    scf.if %cond3A_1 {
      %get3A = arith.constant 0 : index
      %get3A_6 = arith.constant 0 : index
      %get3A_7 = vector.load %arg1[%get3A, %get3A_6] : memref<1000x128xf32, #tpu.memory_space<vmem>>, vector<1000x128xf32>
      %get3A_8 = arith.constant 0 : index
      %get3A_9 = arith.constant 0 : index
      %get3A_10 = vector.load %arg3[%get3A_8, %get3A_9] : memref<128x128xf32, #tpu.memory_space<vmem>>, vector<128x128xf32>
      %dot_general3A = arith.constant dense<0.000000e+00> : vector<1000x128xf32>
      %dot_general3A_11 = tpu.matmul %get3A_7, %get3A_10, %dot_general3A {dimension_numbers = #tpu.dot_dimension_numbers<[1], [0], [0], [1], [0, 0, 1, 1], [], []>, transpose_lhs_hint = false} : vector<1000x128xf32>, vector<128x128xf32>, vector<1000x128xf32> -> vector<1000x128xf32>
      %get3A_12 = arith.constant 0 : index
      %get3A_13 = arith.constant 0 : index
      %get3A_14 = vector.load %arg4[%get3A_12, %get3A_13] : memref<1x128xf32, #tpu.memory_space<vmem>>, vector<1x128xf32>
      %add3A = vector.broadcast %get3A_14 : vector<1x128xf32> to vector<1000x128xf32>
      %add3A_15 = arith.addf %dot_general3A_11, %add3A : vector<1000x128xf32>
      %swap3A = arith.constant 0 : index
      %swap3A_16 = arith.constant 0 : index
      %swap3A_17 = vector.load %arg7[%swap3A, %swap3A_16] : memref<1000x128xf32, #tpu.memory_space<vmem>>, vector<1000x128xf32>
      tpu.vector_store %arg7[%swap3A, %swap3A_16], %add3A_15 {strides = array<i32>} : memref<1000x128xf32, #tpu.memory_space<vmem>>, vector<1000x128xf32>,
    } else {
    }
    %ge3A = arith.constant 6 : i32
    %ge3A_2 = arith.cmpi sge, %arg0, %ge3A : i32
    %convert_element_type3A_3 = arith.extui %ge3A_2 : i1 to i32
    %cond3A_4 = arith.constant 0 : i32
    %cond3A_5 = arith.cmpi ne, %convert_element_type3A_3, %cond3A_4 : i32
    scf.if %cond3A_5 {
      %get3A = arith.constant 0 : index
      %get3A_6 = arith.constant 0 : index
      %get3A_7 = vector.load %arg2[%get3A, %get3A_6] : memref<1000x128xf32, #tpu.memory_space<vmem>>, vector<1000x128xf32>
      %get3A_8 = arith.constant 0 : index
      %get3A_9 = arith.constant 0 : index
      %get3A_10 = vector.load %arg5[%get3A_8, %get3A_9] : memref<128x128xf32, #tpu.memory_space<vmem>>, vector<128x128xf32>
      %dot_general3A = arith.constant dense<0.000000e+00> : vector<1000x128xf32>
      %dot_general3A_11 = tpu.matmul %get3A_7, %get3A_10, %dot_general3A {dimension_numbers = #tpu.dot_dimension_numbers<[1], [0], [0], [1], [0, 0, 1, 1], [], []>, transpose_lhs_hint = false} : vector<1000x128xf32>, vector<128x128xf32>, vector<1000x128xf32> -> vector<1000x128xf32>
      %get3A_12 = arith.constant 0 : index
      %get3A_13 = arith.constant 0 : index
      %get3A_14 = vector.load %arg6[%get3A_12, %get3A_13] : memref<1x128xf32, #tpu.memory_space<vmem>>, vector<1x128xf32>
      %add3A = vector.broadcast %get3A_14 : vector<1x128xf32> to vector<1000x128xf32>
      %add3A_15 = arith.addf %dot_general3A_11, %add3A : vector<1000x128xf32>
      %swap3A = arith.constant 0 : index
      %swap3A_16 = arith.constant 0 : index
      %swap3A_17 = vector.load %arg7[%swap3A, %swap3A_16] : memref<1000x128xf32, #tpu.memory_space<vmem>>, vector<1000x128xf32>
      tpu.vector_store %arg7[%swap3A, %swap3A_16], %add3A_15 {strides = array<i32>} : memref<1000x128xf32, #tpu.memory_space<vmem>>, vector<1000x128xf32>,
    } else {
    }
    return
  }
  func.func @transform_0(%arg0: i32) -> (i32, i32) {
    %min3A = arith.constant 5 : i32
    %min3A_0 = arith.minsi %arg0, %min3A : i32
    %c0_i32 = arith.constant 0 : i32
    %c0_i32_1 = arith.constant 0 : i32
    return %min3A_0, %c0_i32 : i32, i32
  }
  func.func @transform_1(%arg0: i32) -> (i32, i32) {
    %sub3A = arith.constant 6 : i32
    %sub3A_0 = arith.subi %arg0, %sub3A : i32
    %max3A = arith.constant 0 : i32
    %max3A_1 = arith.maxsi %sub3A_0, %max3A : i32
    %c0_i32 = arith.constant 0 : i32
    %c0_i32_2 = arith.constant 0 : i32
    return %max3A_1, %c0_i32 : i32, i32
  }
  func.func @transform_2(%arg0: i32) -> (i32, i32) {
    %c0_i32 = arith.constant 0 : i32
    %c0_i32_0 = arith.constant 0 : i32
    %c0_i32_1 = arith.constant 0 : i32
    return %c0_i32, %c0_i32_0 : i32, i32
  }
  func.func @transform_3(%arg0: i32) -> (i32, i32) {
    %c0_i32 = arith.constant 0 : i32
    %c0_i32_0 = arith.constant 0 : i32
    %c0_i32_1 = arith.constant 0 : i32
    return %c0_i32, %c0_i32_0 : i32, i32
  }
  func.func @transform_4(%arg0: i32) -> (i32, i32) {
    %c0_i32 = arith.constant 0 : i32
    %c0_i32_0 = arith.constant 0 : i32
    %c0_i32_1 = arith.constant 0 : i32
    return %c0_i32, %c0_i32_0 : i32, i32
  }
  func.func @transform_5(%arg0: i32) -> (i32, i32) {
    %c0_i32 = arith.constant 0 : i32
    %c0_i32_0 = arith.constant 0 : i32
    %c0_i32_1 = arith.constant 0 : i32
    return %c0_i32, %c0_i32_0 : i32, i32
  }
  func.func @transform_6(%arg0: i32) -> (i32, i32) {
    %c0_i32 = arith.constant 0 : i32
    %c0_i32_0 = arith.constant 0 : i32
    return %arg0, %c0_i32 : i32, i32
  }
}

module attributes {stable_mosaic.version = 14 : i64} {
  func.func @_final_body(%arg0: i32, %arg1: memref<6016x128xf32, #tpu.memory_space<vmem>>, %arg2: memref<2x6016x128xf32, #tpu.memory_space<vmem>>, %arg3: memref<32x6032xf32, #tpu.memory_space<vmem>>, %arg4: memref<128x128xf32, #tpu.memory_space<vmem>>, %arg5: memref<128x128xf32, #tpu.memory_space<vmem>>, %arg6: memref<1x128xf32, #tpu.memory_space<vmem>>, %arg7: memref<6000x128xf32, #tpu.memory_space<vmem>>) attributes {dimension_semantics = [#tpu.dimension_semantics<arbitrary>], iteration_bounds = array<i64: 1>, scalar_prefetch = 0 : i64, scratch_operands = 0 : i64, tpu.core_type = #tpu.core_type<tc>, window_params = [{transform_indices = @transform_0, window_bounds = array<i64: 6016, 128>}, {pipeline_mode = #tpu.pipeline_mode<synchronous>, transform_indices = @transform_1, window_bounds = array<i64: 2, 6016, 128>}, {pipeline_mode = #tpu.pipeline_mode<synchronous>, transform_indices = @transform_2, window_bounds = array<i64: 32, 6032>}, {pipeline_mode = #tpu.pipeline_mode<synchronous>, transform_indices = @transform_3, window_bounds = array<i64: 128, 128>}, {pipeline_mode = #tpu.pipeline_mode<synchronous>, transform_indices = @transform_4, window_bounds = array<i64: 128, 128>}, {pipeline_mode = #tpu.pipeline_mode<synchronous>, transform_indices = @transform_5, window_bounds = array<i64: 1, 128>}, {pipeline_mode = #tpu.pipeline_mode<synchronous>, transform_indices = @transform_6, window_bounds = array<i64: 6000, 128>}]} {
    %get3A = arith.constant 0 : index
    %get3A_0 = arith.constant 0 : index
    %get3A_1 = arith.constant 0 : index
    %get3A_2 = vector.load %arg2[%get3A, %get3A_0, %get3A_1] : memref<2x6016x128xf32, #tpu.memory_space<vmem>>, vector<1x6016x128xf32>
    %get3A_3 = vector.shape_cast %get3A_2 : vector<1x6016x128xf32> to vector<6016x128xf32>
    %get3A_4 = arith.constant 1 : index
    %get3A_5 = arith.constant 0 : index
    %get3A_6 = arith.constant 0 : index
    %get3A_7 = vector.load %arg2[%get3A_4, %get3A_5, %get3A_6] : memref<2x6016x128xf32, #tpu.memory_space<vmem>>, vector<1x6016x128xf32>
    %get3A_8 = vector.shape_cast %get3A_7 : vector<1x6016x128xf32> to vector<6016x128xf32>
    %add3A = arith.addf %get3A_3, %get3A_8 : vector<6016x128xf32>
    %get3A_9 = arith.constant 0 : index
    %get3A_10 = arith.constant 0 : index
    %get3A_11 = vector.load %arg3[%get3A_9, %get3A_10] : memref<32x6032xf32, #tpu.memory_space<vmem>>, vector<32x6032xf32>
    %slice3A = vector.extract_strided_slice %get3A_11 {offsets = [0, 6016], sizes = [32, 1], strides = [1, 1]} : vector<32x6032xf32> to vector<32x1xf32>
    %squeeze3A = vector.shape_cast %slice3A : vector<32x1xf32> to vector<32xf32>
    %reduce_sum3A = vector.shape_cast %squeeze3A : vector<32xf32> to vector<1x32xf32>
    %reduce_sum3A_12 = arith.constant dense<0.000000e+00> : vector<1xf32>
    %reduce_sum3A_13 = vector.multi_reduction <add>, %reduce_sum3A, %reduce_sum3A_12 [1] : vector<1x32xf32> to vector<1xf32>
    %reduce_sum3A_14 = vector.shape_cast %reduce_sum3A_13 : vector<1xf32> to vector<1x1xf32>
    %reduce_sum3A_15 = vector.extract %reduce_sum3A_14[0, 0] : f32 from vector<1x1xf32>
    %iota3A = tpu.iota {dimensions = array<i32: 0>} : vector<6016x1xi32>
    %eq3A = arith.constant 0 : i32
    %eq3A_16 = vector.broadcast %eq3A : i32 to vector<6016x1xi32>
    %eq3A_17 = arith.cmpi eq, %iota3A, %eq3A_16 : vector<6016x1xi32>
    %jit3A = arith.constant 0.000000e+00 : f32
    %broadcast_in_dim3A = vector.broadcast %reduce_sum3A_15 : f32 to vector<6016x1xf32>
    %broadcast_in_dim3A_18 = vector.broadcast %jit3A : f32 to vector<6016x1xf32>
    %select_n3A = arith.select %eq3A_17, %broadcast_in_dim3A, %broadcast_in_dim3A_18 : vector<6016x1xi1>, vector<6016x1xf32>
    %get3A_19 = arith.constant 0 : index
    %get3A_20 = arith.constant 0 : index
    %get3A_21 = vector.load %arg1[%get3A_19, %get3A_20] : memref<6016x128xf32, #tpu.memory_space<vmem>>, vector<1x128xf32>
    %mul3A = vector.broadcast %select_n3A : vector<6016x1xf32> to vector<6016x128xf32>
    %mul3A_22 = vector.broadcast %get3A_21 : vector<1x128xf32> to vector<6016x128xf32>
    %mul3A_23 = arith.mulf %mul3A, %mul3A_22 : vector<6016x128xf32>
    %sub3A = arith.subf %add3A, %mul3A_23 : vector<6016x128xf32>
    %slice3A_24 = vector.extract_strided_slice %get3A_11 {offsets = [0, 0], sizes = [32, 6016], strides = [1, 1]} : vector<32x6032xf32> to vector<32x6016xf32>
    %reduce_sum3A_25 = arith.constant dense<0.000000e+00> : vector<6016xf32>
    %reduce_sum3A_26 = vector.multi_reduction <add>, %slice3A_24, %reduce_sum3A_25 [0] : vector<32x6016xf32> to vector<6016xf32>
    %max3A = arith.constant 1.000000e+00 : f32
    %max3A_27 = vector.broadcast %max3A : f32 to vector<6016xf32>
    %max3A_28 = arith.maximumf %reduce_sum3A_26, %max3A_27 : vector<6016xf32>
    %broadcast_in_dim3A_29 = vector.shape_cast %max3A_28 : vector<6016xf32> to vector<6016x1xf32>
    %div3A = vector.broadcast %broadcast_in_dim3A_29 : vector<6016x1xf32> to vector<6016x128xf32>
    %div3A_30 = arith.divf %sub3A, %div3A : vector<6016x128xf32>
    %get3A_31 = arith.constant 0 : index
    %get3A_32 = arith.constant 0 : index
    %get3A_33 = vector.load %arg1[%get3A_31, %get3A_32] : memref<6016x128xf32, #tpu.memory_space<vmem>>, vector<6016x128xf32>
    %get3A_34 = arith.constant 0 : index
    %get3A_35 = arith.constant 0 : index
    %get3A_36 = vector.load %arg4[%get3A_34, %get3A_35] : memref<128x128xf32, #tpu.memory_space<vmem>>, vector<128x128xf32>
    %dot_general3A = arith.constant dense<0.000000e+00> : vector<6016x128xf32>
    %dot_general3A_37 = tpu.matmul %get3A_33, %get3A_36, %dot_general3A {dimension_numbers = #tpu.dot_dimension_numbers<[1], [0], [0], [1], [0, 0, 1, 1], [], []>, transpose_lhs_hint = false} : vector<6016x128xf32>, vector<128x128xf32>, vector<6016x128xf32> -> vector<6016x128xf32>
    %get3A_38 = arith.constant 0 : index
    %get3A_39 = arith.constant 0 : index
    %get3A_40 = vector.load %arg5[%get3A_38, %get3A_39] : memref<128x128xf32, #tpu.memory_space<vmem>>, vector<128x128xf32>
    %dot_general3A_41 = arith.constant dense<0.000000e+00> : vector<6016x128xf32>
    %dot_general3A_42 = tpu.matmul %div3A_30, %get3A_40, %dot_general3A_41 {dimension_numbers = #tpu.dot_dimension_numbers<[1], [0], [0], [1], [0, 0, 1, 1], [], []>, transpose_lhs_hint = false} : vector<6016x128xf32>, vector<128x128xf32>, vector<6016x128xf32> -> vector<6016x128xf32>
    %add3A_43 = arith.addf %dot_general3A_37, %dot_general3A_42 : vector<6016x128xf32>
    %get3A_44 = arith.constant 0 : index
    %get3A_45 = arith.constant 0 : index
    %get3A_46 = vector.load %arg6[%get3A_44, %get3A_45] : memref<1x128xf32, #tpu.memory_space<vmem>>, vector<1x128xf32>
    %add3A_47 = vector.broadcast %get3A_46 : vector<1x128xf32> to vector<6016x128xf32>
    %add3A_48 = arith.addf %add3A_43, %add3A_47 : vector<6016x128xf32>
    %max3A_49 = arith.constant 0.000000e+00 : f32
    %max3A_50 = vector.broadcast %max3A_49 : f32 to vector<6016x128xf32>
    %max3A_51 = arith.maximumf %add3A_48, %max3A_50 : vector<6016x128xf32>
    %slice3A_52 = vector.extract_strided_slice %max3A_51 {offsets = [0, 0], sizes = [6000, 128], strides = [1, 1]} : vector<6016x128xf32> to vector<6000x128xf32>
    %swap3A = arith.constant 0 : index
    %swap3A_53 = arith.constant 0 : index
    %swap3A_54 = vector.load %arg7[%swap3A, %swap3A_53] : memref<6000x128xf32, #tpu.memory_space<vmem>>, vector<6000x128xf32>
    tpu.vector_store %arg7[%swap3A, %swap3A_53], %slice3A_52 {strides = array<i32>} : memref<6000x128xf32, #tpu.memory_space<vmem>>, vector<6000x128xf32>,
    return
  }
  func.func @transform_0(%arg0: i32) -> (i32, i32) {
    %c0_i32 = arith.constant 0 : i32
    %c0_i32_0 = arith.constant 0 : i32
    %c0_i32_1 = arith.constant 0 : i32
    return %c0_i32, %c0_i32_0 : i32, i32
  }
  func.func @transform_1(%arg0: i32) -> (i32, i32, i32) {
    %c0_i32 = arith.constant 0 : i32
    %c0_i32_0 = arith.constant 0 : i32
    %c0_i32_1 = arith.constant 0 : i32
    %c0_i32_2 = arith.constant 0 : i32
    return %c0_i32, %c0_i32_0, %c0_i32_1 : i32, i32, i32
  }
  func.func @transform_2(%arg0: i32) -> (i32, i32) {
    %c0_i32 = arith.constant 0 : i32
    %c0_i32_0 = arith.constant 0 : i32
    %c0_i32_1 = arith.constant 0 : i32
    return %c0_i32, %c0_i32_0 : i32, i32
  }
  func.func @transform_3(%arg0: i32) -> (i32, i32) {
    %c0_i32 = arith.constant 0 : i32
    %c0_i32_0 = arith.constant 0 : i32
    %c0_i32_1 = arith.constant 0 : i32
    return %c0_i32, %c0_i32_0 : i32, i32
  }
  func.func @transform_4(%arg0: i32) -> (i32, i32) {
    %c0_i32 = arith.constant 0 : i32
    %c0_i32_0 = arith.constant 0 : i32
    %c0_i32_1 = arith.constant 0 : i32
    return %c0_i32, %c0_i32_0 : i32, i32
  }
  func.func @transform_5(%arg0: i32) -> (i32, i32) {
    %c0_i32 = arith.constant 0 : i32
    %c0_i32_0 = arith.constant 0 : i32
    %c0_i32_1 = arith.constant 0 : i32
    return %c0_i32, %c0_i32_0 : i32, i32
  }
  func.func @transform_6(%arg0: i32) -> (i32, i32) {
    %c0_i32 = arith.constant 0 : i32
    %c0_i32_0 = arith.constant 0 : i32
    %c0_i32_1 = arith.constant 0 : i32
    return %c0_i32, %c0_i32_0 : i32, i32
  }
}

</mosaic_0001>

<sc_bundles>
// kernel: kernel.5.cloned.1.call-start
scs
__scs_entry_jumppad:
0x0: {  	(pc) =	sbr.rel $0x88, $3  }
0x1: {  	(tag) =	ssettag $0x0;
	lr =	simm.s32 $0x1  }
0x2: {  	[smem:$0x3F97] =	sst lr;
	_ =	strace $0xD0000000  }
0x3: {  	_ = 	snop  }
0x4: {  	_ = 	snop  }
0x5: {  	_ = 	snop  }
0x6: {  	_ = 	snop  }
0x7: {  	_ = 	snop  }
__scs_overlays_trampoline_lowered:
0x8: {  	[smem:$0x3FA6] =	sst s0  }
0x9: {  	[smem:$0x3FA7] =	sst s1  }
0xa: {  	[smem:$0x3FA8] =	sst s2  }
0xb: {  	[smem:$0x3FA9] =	sst s3  }
0xc: {  	[smem:$0x3FAA] =	sst s4  }
0xd: {  	[smem:$0x3FAB] =	sst s5  }
0xe: {  	[smem:$0x3FAC] =	sst s6  }
0xf: {  	[smem:$0x3FAD] =	sst s7  }
0x10: {  	[smem:$0x3FAE] =	sst s8  }
0x11: {  	[smem:$0x3FAF] =	sst s9;
	s0 =	simm.s32 @!p0 $0x0  }
0x12: {  	s1 =	sld [smem:$0x3F95];
	s0 =	simm.s32 @p0 $0x1  }
0x13: {  	[smem:$0x3FB0] =	sst s0;
	s0 =	simm.s32 @!p1 $0x0  }
0x14: {  	s2 =	sld [smem:$0x3F94];
	s0 =	simm.s32 @p1 $0x1  }
0x15: {  	[smem:$0x3FB1] =	sst s0;
	s0 =	simm.s32 @!p2 $0x0  }
0x16: {  	s3 =	sld [smem:$0x3FDB];
	s0 =	simm.s32 @p2 $0x1  }
0x17: {  	s4 =	simm.s32 $0x1BF5;
	[smem:$0x3FB3] =	sst s0  }
0x18: {  	s0 =	sld [smem:$0x3F96];
	_ =	swait.ge [sflag:s4], $0x0  }
0x19: {  	s7 =	sld [smem:$0x3F97]  }
0x1a: {  	s8 =	sadd.s32 $0xFFFFE003, lr  }
0x1b: {  	s9 =	sadd.s32 $0xFFFFFEF7, lr;
	s5 =	simm.s32 $0xFFFFFFFF;
	p2 =	slt.u32 s8, $0xFFFFF086  }
0x1c: {  	p1 =	slt.u32 s9, $0xF7A;
	s5 =	simm.s32 @!p2 $0x0  }
0x1d: {  	s5 =	simm.s32 @p1 $0x1;
	p0 =	seq.s32 s7, s2  }
0x1e: {  	s7 =	smul.u32 @!p0 $0xF7A, s2;
	p2 =	seq.s32 @!p0 s5, $0x0  }
0x1f: {  	s9 =	smul.u32 $0xF7A, s1;
	s8 =	simm.s32 @!p0 $0x1BF5;
	p2 =	por !p2, p0  }
0x20: {  	[sflag:s8] =	ssyncset.s32 @!p0 $0xFFFFF086;
	s6 =	sadd.s32 @!p0 s3, s7;
	s7 =	simm.s32 @!p0 $0x108  }
0x21: {  	s3 =	sadd.s32 s3, s9;
	s6 =	sadd.s32 @!p0 $0x88, s6;
	s7 =	simm.s32 @p2 $0x1082  }
0x22: {  	[simem:s7], [sflag:s8] =	dma.local @!p0 [hbm:s6], $0xF7A  }
0x23: {  	s9 =	sor.u32 $0xD0000000, s2;
	s6 =	simm.s32 $0x108;
	_ =	swait.ge @!p0 [sflag:s8], $0x0  }
0x24: {  	s3 =	sadd.s32 $0x88, s3;
	s6 =	simm.s32 @!p1 $0x1082;
	[sflag:s4] =	ssyncset.s32 $0xFFFFF086  }
0x25: {  	[simem:s6], [sflag:s4] =	dma.local [hbm:s3], $0xF7A  }
0x26: {  	[smem:$0x3F97] =	sst s1;
	(tag) =	ssettag s2;
	_ =	strace s9  }
0x27: {  	s1 =	sld [smem:$0x3FA7]  }
0x28: {  	s2 =	sld [smem:$0x3FA8]  }
0x29: {  	s4 =	sld [smem:$0x3FAA]  }
0x2a: {  	p0 =	seq.s32 s5, $0x0;
	s5 =	sld [smem:$0x3FAB]  }
0x2b: {  	s6 =	sld [smem:$0x3FAC]  }
0x2c: {  	s7 =	sld [smem:$0x3FAD]  }
0x2d: {  	s3 =	simm.s32 $0x108;
	s8 =	sld [smem:$0x3FAE]  }
0x2e: {  	s3 =	simm.s32 @!p0 $0x1082;
	s9 =	sld [smem:$0x3FAF]  }
0x2f: {  	lr =	sadd.s32 s0, s3;
	s0 =	sld [smem:$0x3FA6]  }
0x30: {  	s3 =	sld [smem:$0x3FA9]  }
0x31: {  	[smem:$0x3FB2] =	sst s10  }
0x32: {  	s10 =	sld [smem:$0x3FB0];
	_ =	sdelay $0x3  }
0x33: {  	p0 =	seq.s32 s10, $0x1;
	s10 =	sld [smem:$0x3FB2];
	_ =	sdelay $0x3  }
0x34: {  	[smem:$0x3FB2] =	sst s10  }
0x35: {  	s10 =	sld [smem:$0x3FB1];
	_ =	sdelay $0x3  }
0x36: {  	p1 =	seq.s32 s10, $0x1;
	s10 =	sld [smem:$0x3FB2];
	_ =	sdelay $0x3  }
0x37: {  	[smem:$0x3FB2] =	sst s10  }
0x38: {  	s10 =	sld [smem:$0x3FB3]  }
0x39: {  	_ = 	snop;
	(pc) =	sbr.ind lr, $3  }
0x3a: {  	_ = 	snop  }
0x3b: {  	_ = 	snop  }
0x3c: {  	p2 =	seq.s32 s10, $0x1;
	s10 =	sld [smem:$0x3FB2]  }
0x3d: {  	_ =	shalt  }
0x3e: {  	_ =	shalt  }
0x3f: {  	_ =	shalt  }
0x40: {  	_ =	shalt  }
0x41: {  	_ =	shalt  }
0x42: {  	_ =	shalt  }
0x43: {  	_ =	shalt  }
0x44: {  	_ =	shalt  }
0x45: {  	_ =	shalt  }
0x46: {  	_ =	shalt  }
0x47: {  	_ =	shalt  }
0x48: {  	_ =	shalt  }
0x49: {  	_ =	shalt  }
0x4a: {  	_ =	shalt  }
0x4b: {  	_ =	shalt  }
0x4c: {  	_ =	shalt  }
0x4d: {  	_ =	shalt  }
0x4e: {  	_ =	shalt  }
0x4f: {  	_ =	shalt  }
0x50: {  	_ =	shalt  }
0x51: {  	_ =	shalt  }
0x52: {  	_ =	shalt  }
0x53: {  	_ =	shalt  }
0x54: {  	_ =	shalt  }
0x55: {  	_ =	shalt  }
0x56: {  	_ =	shalt  }
0x57: {  	_ =	shalt  }
0x58: {  	_ =	shalt  }
0x59: {  	_ =	shalt  }
0x5a: {  	_ =	shalt  }
0x5b: {  	_ =	shalt  }
0x5c: {  	_ =	shalt  }
0x5d: {  	_ =	shalt  }
0x5e: {  	_ =	shalt  }
0x5f: {  	_ =	shalt  }
0x60: {  	_ =	shalt  }
0x61: {  	_ =	shalt  }
0x62: {  	_ =	shalt  }
0x63: {  	_ =	shalt  }
0x64: {  	_ =	shalt  }
0x65: {  	_ =	shalt  }
0x66: {  	_ =	shalt  }
0x67: {  	_ =	shalt  }
0x68: {  	_ =	shalt  }
0x69: {  	_ =	shalt  }
0x6a: {  	_ =	shalt  }
0x6b: {  	_ =	shalt  }
0x6c: {  	_ =	shalt  }
0x6d: {  	_ =	shalt  }
0x6e: {  	_ =	shalt  }
0x6f: {  	_ =	shalt  }
0x70: {  	_ =	shalt  }
0x71: {  	_ =	shalt  }
0x72: {  	_ =	shalt  }
0x73: {  	_ =	shalt  }
0x74: {  	_ =	shalt  }
0x75: {  	_ =	shalt  }
0x76: {  	_ =	shalt  }
0x77: {  	_ =	shalt  }
0x78: {  	_ =	shalt  }
0x79: {  	_ =	shalt  }
0x7a: {  	_ =	shalt  }
0x7b: {  	_ =	shalt  }
0x7c: {  	_ =	shalt  }
0x7d: {  	_ =	shalt  }
0x7e: {  	_ =	shalt  }
0x7f: {  	_ =	shalt  }
0x80: {  	_ =	shalt  }
0x81: {  	_ =	shalt  }
0x82: {  	_ =	shalt  }
0x83: {  	_ =	shalt  }
0x84: {  	_ =	shalt  }
0x85: {  	_ =	shalt  }
0x86: {  	_ =	shalt  }
0x87: {  	_ =	shalt  }
.Lfunc_end0:
.L_simem_size_0:
called_computation_lowered:
.L_overlay_start_0:
0x88: {  	s2 =	sld [smem:$0x3FD9]  }
0x89: {  	s3 =	sld [smem:$0x3FFE];
	_ =	sdelay $0x1  }
0x8a: {  	s1 =	srdreg.scid  }
0x8b: {  	s0 =	sand.u32 $0x1, s1  }
0x8c: {  	s17 =	sshll.u32 s0, $0xA;
	s2 =	sadd.s32 s3, s2  }
0x8d: {  	s2 =	sadd.s32 s2, s17  }
0x8e: {  	[smem:$0x3FBE] =	sst s2  }
0x8f: {  	_ = 	snop  }
0x90: {  	s2 =	sld [smem:$0x3FD0];
	(tm) =	ssettm $0x1  }
0x91: {  	s18 =	sld [smem:$0x3FFB];
	_ =	sdelay $0x3  }
0x92: {  	_ =	strace s18  }
0x93: {  	s3 =	sld [smem:$0x3FFC];
	_ =	sdelay $0x3  }
0x94: {  	_ =	strace s3  }
0x95: {  	s3 =	sld [smem:$0x3FFD];
	_ =	sdelay $0x3  }
0x96: {  	_ =	strace s3  }
0x97: {  	_ =	strace $0x8FFFFFFF  }
0x98: {  	s19 =	sld [smem:$0x3FDB];
	_ =	sdelay $0x1  }
0x99: {  	s4 =	simm.s32 $_scs_section_size  }
0x9a: {  	s5 =	simm.s32 $_size__tile_overlayer_lowered;
	s6 =	simm.s32 $_tile_overlayer_lowered  }
0x9b: {  	s22 =	simm.s32 $0x1BFF;
	s21 =	sshll.u32 s6, $0x1;
	s3 =	sadd.s32 s4, s19  }
0x9c: {  	s7 =	simm.s32 $0x0;
	s20 =	sshll.u32 s5, $0x1;
	s5 =	sadd.s32 s21, s3  }
0x9d: {  	[timem:s7], [sflag:s22] =	dma.local [hbm:s5], s20  }
0x9e: {  	_ =	swait.ge [sflag:s22], s20  }
0x9f: {  	s4 =	ssub.s32 $0x0, s20;
	[sflag:s22] =	ssyncset.done $0x0  }
0xa0: {  	[sflag:s22] =	ssyncadd.s32 s4;
	_ =	sdelay $0x1  }
0xa1: {  	s23 =	simm.s32 $0x1B8B  }
0xa2: {  	_ =	swait.ge [sflag:s23], $0x1  }
0xa3: {  	[sflag:s23] =	ssyncset.done $0x0  }
0xa4: {  	s25 =	simm.s32 $0x1B8E;
	s24 =	sld [smem:$0x3FFE];
	[sflag:s23] =	ssyncadd.s32 $0xFFFFFFFF  }
0xa5: {  	s26 =	simm.s32 $execute0_lowered;
	[smem:$0x3FD2] =	sst s25  }
0xa6: {  	s5 =	sshll.u32 s26, $0x1;
	_ =	strace $0x80000046;
	[dreg:$0x1] =	wrdreg $0xFFFFFFFF  }
0xa7: {  	s28 =	simm.s32 $_size_execute0_lowered;
	s3 =	sadd.s32 s3, s5;
	[dreg:$0x0] =	wrdreg $0x0  }
0xa8: {  	s5 =	sshll.u32 s28, $0x1;
	[dreg:$0x2] =	wrdreg s3  }
0xa9: {  	[dreg:$0x3] =	wrdreg s5  }
0xaa: {  	[dreg:$0x4] =	wrdreg $0xC0  }
0xab: {  	_ =	task [dreg:s7], $0x5FFFF  }
0xac: {  	[dreg:$0x1] =	wrdreg $0xFFFFFFFF  }
0xad: {  	[dreg:$0x0] =	wrdreg $0x60  }
0xae: {  	[dreg:$0x2] =	wrdreg s24  }
0xaf: {  	[dreg:$0x3] =	wrdreg s2  }
0xb0: {  	[dreg:$0x4] =	wrdreg $0x137000  }
0xb1: {  	[dreg:$0x5] =	wrdreg $0x9  }
0xb2: {  	_ =	task.clear_ibuf [dreg:s7], $0x6FFFF;
	_ =	strace $0x90000046  }
0xb3: {  	s29 =	simm.s32 $0x9;
	_ =	strace $0x80000048  }
0xb4: {  	_ =	swait.ge [sflag:s29], $0x1  }
0xb5: {  	[sflag:s29] =	ssyncadd.s32 $0xFFFFFFFF  }
0xb6: {  	_ =	strace $0x90000048  }
0xb7: {  	_ =	sfence  }
0xb8: {  	s30 =	sld [smem:$0x0];
	_ =	sdelay $0x2  }
0xb9: {  	s31 =	sshll.u32 s1, $0xD;
	s1 =	sshrl.u32 s1, $0x2  }
0xba: {  	s3 =	sand.u32 $0x4000, s31;
	s1 =	sadd.s32 s1, s30  }
0xbb: {  	s0 =	sor.u32 s3, s0;
	s1 =	sshll.u32 s1, $0x11  }
0xbc: {  	s0 =	sor.u32 s1, s0  }
0xbd: {  	s0 =	sadd.s32 $0x8F2B, s0  }
0xbe: {  	[sflag:s0] =	ssyncadd.remote.s32 $0x1  }
0xbf: {  	_ =	sfence.sel $0xFFFF  }
0xc0: {  	[dreg:$0x0] =	wrdreg $0xFFFFFFFF;
	(pc) =	sbr.abs _section_cstart, $3  }
0xc1: {  	[dreg:$0x1] =	wrdreg $0xFFFFFFFF  }
0xc2: {  	_ =	task.clear_ibuf [dreg:s7], $0x2FFFF;
	_ =	strace $0x9FFFFFFF  }
0xc3: {  	(tm) =	ssettm $0x7FFFFFFF  }
tec
execute0_lowered:
.L_overlay_start_1:
0x0: {  	(tag) =	ssettag $0x1  }
0x1: {  	s0 =	rddreg [dreg:$0x0]  }
0x2: {  	s2 =	rddreg [dreg:$0x1]  }
0x3: {  	s1 =	rddreg [dreg:$0x2]  }
0x4: {  	s3 =	simm.s32 $0x0;
	s4 =	srdreg.scid;
	s11 =	stileid.u32  }
0x5: {  	s28 =	simm.s32 $0x20;
	s29 =	simm.s32 $0x2;
	s30 =	simm.s32 $0xA880  }
0x6: {  	s31 =	simm.s32 $0x0;
	[smem:$0x7FF] =	sst s3;
	s8 =	smul.u32 $0xBC00, s11  }
0x7: {  	s5 =	sand.u32 $0x1, s4;
	s19 =	sshll.u32 s11, $0x7;
	s20 =	smul.u32 $0x2F000, s11  }
0x8: {  	s4 =	sshll.u32 s5, $0x4;
	s6 =	smul.u32 $0xBC000, s5;
	_ =	strace $0x80000047  }
0x9: {  	s5 =	ssub.s32 $0x2, s5;
	s7 =	sor.u32 s11, s4;
	s4 =	sadd.s32 $0x12000, s0  }
0xa: {  	s21 =	sshrl.u32 s5, $0x1;
	s22 =	sshrl.u32 s20, $0x2;
	s9 =	sshll.u32 s7, $0xB  }
0xb: {  	s7 =	sshrl.u32 s7, $0x3;
	s6 =	sadd.s32 s8, s6;
	s8 =	sand.u32 $0x380, s19  }
0xc: {  	s5 =	ssub.s32 s5, s21;
	s7 =	smul.u32 $0xC000, s7;
	s10 =	sadd.s32 s9, s0  }
0xd: {  	s6 =	sshrl.u32 s6, $0x3;
	s2 =	sadd.s32 s2, s9;
	s21 =	smax.u32 s5, $0x1  }
0xe: {  	[dreg:$0x4] =	wrdreg s2;
	s23 =	sadd.s32 $0x2000, s10;
	s7 =	sor.u32 s8, s7  }
0xf: {  	s6 =	sadd.s32 s6, s0;
	[dreg:$0x5] =	wrdreg s23;
	s7 =	sshrl.u32 s7, $0x3  }
0x10: {  	s19 =	sadd.s32 $0x39200, s6;
	s0 =	sadd.s32 s7, s0;
	s7 =	sadd.s32 s22, s1  }
0x11: {  	s23 =	simm.s32 $0x4000;
	s22 =	simm.s32 $0xF;
	s24 =	sadd.s32 $0x1000, s7  }
0x12: {  	s25 =	sadd.s32 $0x2000, s7;
	s26 =	sadd.s32 $0x3000, s7;
	s11 =	sadd.s32 $0x4000, s7  }
.Ltmp0:
0x13: {  	s12 =	sadd.s32 $0x5000, s7;
	s13 =	sadd.s32 $0x6000, s7;
	(pc) =	sbr.rel .LBB2_1-.Ltmp0, $4  }
0x14: {  	s14 =	sadd.s32 $0x7000, s7;
	s15 =	sadd.s32 $0x8000, s7;
	[dreg:$0x6] =	wrdreg s24  }
0x15: {  	s16 =	sadd.s32 $0x9000, s7;
	s17 =	sadd.s32 $0xA000, s7;
	[dreg:$0x7] =	wrdreg s25  }
0x16: {  	v0 =	vimm.s32 $0x0;
	v1 =	vlaneseq.u32;
	s18 =	sadd.s32 $0xB000, s7;
	s20 =	sadd.s32 $0x68200, s0;
	[dreg:$0x8] =	wrdreg s26  }
0x17: {  	v2 =	vimm.f32 $0.0e+00;
	v3 =	vimm.f32 $1.000000000e+00;
	v4 =	vor.u32 $0x3E80, v1;
	s24 =	simm.s32 $0xAF00;
	s25 =	simm.s32 $0x1;
	s26 =	simm.s32 $0x11F00  }
.LBB2_21:
0x18: {  	s0 =	simm.s32 $0x8  }
.LBB2_35:
0x19: {  	_ =	swait.ge [sflag:s0], $0x1000  }
0x1a: {  	[sflag:s0] =	ssyncset.done $0x0  }
0x1b: {  	[sflag:s0] =	ssyncadd.s32 $0xFFFFF000  }
.LBB2_36:
0x1c: {  	s0 =	stileid.u32;
	[bflag:$0x0] =	sbarrier.arrive $0xFFFF  }
0x1d: {  	s2 =	sshrl.u32 s7, $0x3;
	s9 =	simm.s32 $0x80;
	s0 =	sshll.u32 s0, $0x6  }
0x1e: {  	s10 =	simm.s32 $0x400;
	s31 =	sadd.s32 $0x1, s31;
	s0 =	sor.u32 $0x1C01, s0  }
0x1f: {  	[hbm:s19], [sflag:s0] =	dma.local [spmem:s2], $0x1780  }
0x20: {  	[hbm4b:s20+s9] =	stream.strided.scatter [tilespmem:s26], [sflag:$0x2], $0x1800, s10, s9, $0x38;
	[tilespmem:$0x1F300] =	vst v63  }
0x21: {  	p0 =	sne.s32 s31, s21;
	_ =	swait.ge [sflag:s25], $0x1780  }
.Ltmp1:
0x22: {  	[sflag:s25] =	ssyncset.done $0x0;
	(pc) =	sbr.rel @!p0 .LBB2_37-.Ltmp1, $4  }
0x23: {  	[sflag:s25] =	ssyncadd.s32 $0xFFFFE880  }
0x24: {  	_ =	swait.ge [sflag:s29], $0x1800  }
0x25: {  	[sflag:s29] =	ssyncset.done $0x0  }
0x26: {  	[sflag:s29] =	ssyncadd.s32 $0xFFFFE800  }
.LBB2_1:
0x27: {  	s0 =	rddreg [dreg:$0x4]  }
0x28: {  	[tilespmem:s3], [sflag:$0xF] =	stream.linear.gather [hbm4b:s0+s3], $0x3E80, $0x38;
	[tilespmem:$0x1F300] =	vst v63  }
0x29: {  	_ =	swait.ge [sflag:s22], $0x3E80  }
0x2a: {  	[sflag:s22] =	ssyncset.done $0x0  }
0x2b: {  	s10 =	rddreg [dreg:$0x5];
	[sflag:s22] =	ssyncadd.s32 $0xFFFFC180  }
0x2c: {  	[tilespmem:s23], [sflag:$0xF] =	stream.linear.gather [hbm4b:s10+s3], $0x3E80, $0x38;
	[tilespmem:$0x1F300] =	vst v63  }
0x2d: {  	_ =	swait.ge [sflag:s22], $0x3E80  }
0x2e: {  	[sflag:s22] =	ssyncset.done $0x0  }
0x2f: {  	[sflag:s22] =	ssyncadd.s32 $0xFFFFC180  }
0x30: {  	[tilespmem:$0x3E80] =	vst v0  }
0x31: {  	s0 =	simm.s32 $0x0;
	[tilespmem:$0x7E80] =	vst v0  }
.LBB2_2:
0x32: {  	p0 =	sne.s32 s0, $0x5E00  }
.Ltmp2:
0x33: {  	_ = 	snop;
	(pc) =	sbr.rel @p0 .LBB2_2-.Ltmp2, $3  }
0x34: {  	_ =	sdelay $0x1  }
0x35: {  	s2 =	sshra.s32 s0, $0x2  }
0x36: {  	s0 =	sadd.s32 $0x40, s0;
	[tilespmem:s2+$0x11F00] =	vst v2  }
0x37: {  	s0 =	simm.s32 $0x0  }
0x38: {  	s2 =	sand.u32 $0x3E00, s0  }
0x39: {  	s5 =	sand.u32 $0x70, s0;
	s6 =	sshrl.u32 s2, $0x2  }
0x3a: {  	s2 =	simm.s32 $0x40;
	s5 =	sor.u32 s5, s6  }
.LBB2_4:
0x3b: {  	p0 =	sne.s32 s2, $0x3FC0  }
0x3c: {  	[tilespmem:s5+$0xAF00] =	vst v2;
	s0 =	sadd.s32 $0x10, s0;
	s5 =	smov.u32 s2;
	s2 =	sadd.s32 $0x40, s2  }
.Ltmp3:
0x3d: {  	(pc) =	sbr.rel @p0 .LBB2_4-.Ltmp3, $4  }
0x3e: {  	_ = 	snop  }
0x3f: {  	s5 =	sand.u32 $0x3E00, s5  }
0x40: {  	s6 =	sand.u32 $0x70, s0;
	s5 =	sshrl.u32 s5, $0x2  }
0x41: {  	s5 =	sor.u32 s6, s5  }
0x42: {  	[tilespmem:s5+$0xAF00] =	vst v2  }
0x43: {  	[spmem:s7] =	stream.linear.scatter [tilespmem:s24], [sflag:$0x1], $0x1000, $0x38;
	[tilespmem:$0x1F300] =	vst v63  }
0x44: {  	s0 =	rddreg [dreg:$0x6]  }
0x45: {  	[spmem:s0] =	stream.linear.scatter [tilespmem:s24], [sflag:$0x1], $0x1000, $0x38;
	[tilespmem:$0x1F300] =	vst v63  }
0x46: {  	s8 =	rddreg [dreg:$0x7]  }
0x47: {  	[spmem:s8] =	stream.linear.scatter [tilespmem:s24], [sflag:$0x1], $0x1000, $0x38;
	[tilespmem:$0x1F300] =	vst v63  }
0x48: {  	s9 =	rddreg [dreg:$0x8]  }
0x49: {  	[spmem:s9] =	stream.linear.scatter [tilespmem:s24], [sflag:$0x1], $0x1000, $0x38;
	[tilespmem:$0x1F300] =	vst v63  }
0x4a: {  	_ = 	snop  }
0x4b: {  	[spmem:s11] =	stream.linear.scatter [tilespmem:s24], [sflag:$0x1], $0x1000, $0x38;
	[tilespmem:$0x1F300] =	vst v63  }
0x4c: {  	_ = 	snop  }
0x4d: {  	[spmem:s12] =	stream.linear.scatter [tilespmem:s24], [sflag:$0x1], $0x1000, $0x38;
	[tilespmem:$0x1F300] =	vst v63  }
0x4e: {  	_ = 	snop  }
0x4f: {  	[spmem:s13] =	stream.linear.scatter [tilespmem:s24], [sflag:$0x1], $0x1000, $0x38;
	[tilespmem:$0x1F300] =	vst v63  }
0x50: {  	_ = 	snop  }
0x51: {  	[spmem:s14] =	stream.linear.scatter [tilespmem:s24], [sflag:$0x1], $0x1000, $0x38;
	[tilespmem:$0x1F300] =	vst v63  }
0x52: {  	_ = 	snop  }
0x53: {  	[spmem:s15] =	stream.linear.scatter [tilespmem:s24], [sflag:$0x1], $0x1000, $0x38;
	[tilespmem:$0x1F300] =	vst v63  }
0x54: {  	_ = 	snop  }
0x55: {  	[spmem:s16] =	stream.linear.scatter [tilespmem:s24], [sflag:$0x1], $0x1000, $0x38;
	[tilespmem:$0x1F300] =	vst v63  }
0x56: {  	_ = 	snop  }
0x57: {  	[spmem:s17] =	stream.linear.scatter [tilespmem:s24], [sflag:$0x1], $0x1000, $0x38;
	[tilespmem:$0x1F300] =	vst v63  }
0x58: {  	_ = 	snop  }
0x59: {  	[spmem:s18] =	stream.linear.scatter [tilespmem:s24], [sflag:$0x1], $0xC00, $0x38;
	[tilespmem:$0x1F300] =	vst v63  }
0x5a: {  	_ =	swait.ge [sflag:s25], $0x1000  }
0x5b: {  	[sflag:s25] =	ssyncset.done $0x0  }
0x5c: {  	[sflag:s25] =	ssyncadd.s32 $0xFFFFF000  }
0x5d: {  	_ =	swait.ge [sflag:s25], $0x1000  }
0x5e: {  	[sflag:s25] =	ssyncset.done $0x0  }
0x5f: {  	[sflag:s25] =	ssyncadd.s32 $0xFFFFF000  }
0x60: {  	_ =	swait.ge [sflag:s25], $0x1000  }
0x61: {  	[sflag:s25] =	ssyncset.done $0x0  }
0x62: {  	[sflag:s25] =	ssyncadd.s32 $0xFFFFF000  }
0x63: {  	_ =	swait.ge [sflag:s25], $0x1000  }
0x64: {  	[sflag:s25] =	ssyncset.done $0x0  }
0x65: {  	[sflag:s25] =	ssyncadd.s32 $0xFFFFF000  }
0x66: {  	_ =	swait.ge [sflag:s25], $0x1000  }
0x67: {  	[sflag:s25] =	ssyncset.done $0x0  }
0x68: {  	[sflag:s25] =	ssyncadd.s32 $0xFFFFF000  }
0x69: {  	_ =	swait.ge [sflag:s25], $0x1000  }
0x6a: {  	[sflag:s25] =	ssyncset.done $0x0  }
0x6b: {  	[sflag:s25] =	ssyncadd.s32 $0xFFFFF000  }
0x6c: {  	_ =	swait.ge [sflag:s25], $0x1000  }
0x6d: {  	[sflag:s25] =	ssyncset.done $0x0  }
0x6e: {  	[sflag:s25] =	ssyncadd.s32 $0xFFFFF000  }
0x6f: {  	_ =	swait.ge [sflag:s25], $0x1000  }
0x70: {  	[sflag:s25] =	ssyncset.done $0x0  }
0x71: {  	[sflag:s25] =	ssyncadd.s32 $0xFFFFF000  }
0x72: {  	_ =	swait.ge [sflag:s25], $0x1000  }
0x73: {  	[sflag:s25] =	ssyncset.done $0x0  }
0x74: {  	[sflag:s25] =	ssyncadd.s32 $0xFFFFF000  }
0x75: {  	_ =	swait.ge [sflag:s25], $0x1000  }
0x76: {  	[sflag:s25] =	ssyncset.done $0x0  }
0x77: {  	[sflag:s25] =	ssyncadd.s32 $0xFFFFF000  }
0x78: {  	_ =	swait.ge [sflag:s25], $0x1000  }
0x79: {  	[sflag:s25] =	ssyncset.done $0x0  }
0x7a: {  	[sflag:s25] =	ssyncadd.s32 $0xFFFFF000  }
0x7b: {  	_ =	swait.ge [sflag:s25], $0xC00  }
0x7c: {  	[sflag:s25] =	ssyncset.done $0x0  }
0x7d: {  	[sflag:s25] =	ssyncadd.s32 $0xFFFFF400  }
0x7e: {  	s0 =	simm.s32 $0x4020;
	[bflag:$0x0] =	sbarrier.arrive $0xFFFF  }
0x7f: {  	v5 =	vld [tilespmem:s0+$0xFFFFFFE0];
	_ =	sdelay $0x4  }
0x80: {  	vm0 =	vlt.s32 v5, $0x1780  }
0x81: {  	v6 =	vmpcnt.ones.xlane vm0;
	_ =	sdelay $0x1  }
0x82: {  	(v2sf) =	vpush v6, $0x0  }
0x83: {  	v5 =	vnsel vm0, $0x1780, v5;
	_ =	sdelay $0x1  }
0x84: {  	s2 =	simm.s32 $0x0  }
0x85: {  	s10 =	simm.s32 $0x0;
	v6 =	vor.u32 s2, v1  }
0x86: {  	[tilespmem:s10+$0x8000] =	vst.msk vm0, v6  }
0x87: {  	[tilespmem:v5+s26+$0x0] =	vst.idx.add.f32.msk $0xffff, v3  }
0x88: {  	v5 =	vld [tilespmem:s0+$0xFFFFFFF0];
	_ =	sdelay $0x4  }
0x89: {  	vm0 =	vlt.s32 v5, $0x1780  }
0x8a: {  	v5 =	vnsel vm0, $0x1780, v5;
	v6 =	vmpcnt.ones.xlane vm0;
	_ =	sdelay $0x1  }
0x8b: {  	s6 =	simm.s32 $0x10;
	(v2sf) =	vpush v6, $0x0;
	s8 =	spop (v2sf)  }
0x8c: {  	v6 =	vor.u32 s6, v1;
	s5 =	sadd.s32 $0x0, s8  }
0x8d: {  	[tilespmem:s5+$0x8000] =	vst.msk vm0, v6  }
0x8e: {  	[tilespmem:v5+s26+$0x0] =	vst.idx.add.f32.msk $0xffff, v3  }
0x8f: {  	v5 =	vld [tilespmem:s0+$0x0];
	_ =	sdelay $0x4  }
0x90: {  	vm0 =	vlt.s32 v5, $0x1780  }
0x91: {  	v6 =	vmpcnt.ones.xlane vm0;
	_ =	sdelay $0x1  }
0x92: {  	(v2sf) =	vpush v6, $0x0  }
0x93: {  	v5 =	vnsel vm0, $0x1780, v5;
	_ =	sdelay $0x1  }
0x94: {  	s9 =	simm.s32 $0x20;
	s6 =	spop (v2sf)  }
0x95: {  	v6 =	vor.u32 s9, v1;
	s5 =	sadd.s32 s5, s6  }
0x96: {  	[tilespmem:s5+$0x8000] =	vst.msk vm0, v6  }
0x97: {  	[tilespmem:v5+s26+$0x0] =	vst.idx.add.f32.msk $0xffff, v3  }
0x98: {  	v5 =	vld [tilespmem:s0+$0x10];
	_ =	sdelay $0x4  }
0x99: {  	vm0 =	vlt.s32 v5, $0x1780  }
0x9a: {  	v5 =	vnsel vm0, $0x1780, v5;
	v6 =	vmpcnt.ones.xlane vm0;
	_ =	sdelay $0x1  }
0x9b: {  	s10 =	simm.s32 $0x30;
	(v2sf) =	vpush v6, $0x0;
	s8 =	spop (v2sf)  }
0x9c: {  	v6 =	vor.u32 s10, v1;
	s5 =	sadd.s32 s5, s8  }
0x9d: {  	[tilespmem:s5+$0x8000] =	vst.msk vm0, v6  }
0x9e: {  	[tilespmem:v5+s26+$0x0] =	vst.idx.add.f32.msk $0xffff, v3  }
0x9f: {  	v5 =	vld [tilespmem:s0+$0x20];
	_ =	sdelay $0x4  }
0xa0: {  	vm0 =	vlt.s32 v5, $0x1780  }
0xa1: {  	v6 =	vmpcnt.ones.xlane vm0;
	_ =	sdelay $0x1  }
0xa2: {  	(v2sf) =	vpush v6, $0x0  }
0xa3: {  	v5 =	vnsel vm0, $0x1780, v5;
	_ =	sdelay $0x1  }
0xa4: {  	s9 =	simm.s32 $0x40;
	s10 =	spop (v2sf)  }
0xa5: {  	v6 =	vor.u32 s9, v1;
	s8 =	sadd.s32 s5, s10  }
0xa6: {  	[tilespmem:s8+$0x8000] =	vst.msk vm0, v6  }
0xa7: {  	s2 =	simm.s32 $0x40A0;
	[tilespmem:v5+s26+$0x0] =	vst.idx.add.f32.msk $0xffff, v3  }
0xa8: {  	v5 =	vld [tilespmem:s2+$0xFFFFFFE0];
	_ =	sdelay $0x4  }
0xa9: {  	vm0 =	vlt.s32 v5, $0x1780  }
0xaa: {  	v6 =	vmpcnt.ones.xlane vm0;
	_ =	sdelay $0x1  }
0xab: {  	s0 =	simm.s32 $0xC0;
	s5 =	simm.s32 $0x140;
	v5 =	vnsel vm0, $0x1780, v5;
	(v2sf) =	vpush v6, $0x0;
	s6 =	spop (v2sf)  }
.LBB2_6:
0xac: {  	s10 =	sadd.s32 $0xFFFFFFC0, s0  }
0xad: {  	s8 =	sadd.s32 s8, s6;
	s6 =	smov.u32 s5;
	s9 =	sadd.s32 $0x80, s5  }
0xae: {  	p0 =	sne.s32 s5, $0x3E40;
	v6 =	vor.u32 s10, v1  }
0xaf: {  	[tilespmem:s8+$0x8000] =	vst.msk vm0, v6  }
0xb0: {  	[tilespmem:v5+s26+$0x0] =	vst.idx.add.f32.msk $0xffff, v3  }
0xb1: {  	v5 =	vld [tilespmem:s2+$0xFFFFFFF0];
	_ =	sdelay $0x4  }
0xb2: {  	vm0 =	vlt.s32 v5, $0x1780  }
0xb3: {  	v5 =	vnsel vm0, $0x1780, v5;
	v6 =	vmpcnt.ones.xlane vm0;
	_ =	sdelay $0x1  }
0xb4: {  	(v2sf) =	vpush v6, $0x0  }
0xb5: {  	s5 =	sadd.s32 $0xFFFFFFD0, s0;
	s10 =	spop (v2sf)  }
0xb6: {  	v6 =	vor.u32 s5, v1;
	s8 =	sadd.s32 s8, s10  }
0xb7: {  	[tilespmem:s8+$0x8000] =	vst.msk vm0, v6  }
0xb8: {  	[tilespmem:v5+s26+$0x0] =	vst.idx.add.f32.msk $0xffff, v3  }
0xb9: {  	v5 =	vld [tilespmem:s2+$0x0];
	_ =	sdelay $0x4  }
0xba: {  	vm0 =	vlt.s32 v5, $0x1780  }
0xbb: {  	v5 =	vnsel vm0, $0x1780, v5;
	v6 =	vmpcnt.ones.xlane vm0;
	_ =	sdelay $0x1  }
0xbc: {  	(v2sf) =	vpush v6, $0x0;
	_ =	sdelay $0x1  }
0xbd: {  	s5 =	sadd.s32 $0xFFFFFFE0, s0;
	s10 =	spop (v2sf)  }
0xbe: {  	v6 =	vor.u32 s5, v1;
	s8 =	sadd.s32 s8, s10  }
0xbf: {  	[tilespmem:s8+$0x8000] =	vst.msk vm0, v6  }
0xc0: {  	[tilespmem:v5+s26+$0x0] =	vst.idx.add.f32.msk $0xffff, v3  }
0xc1: {  	v5 =	vld [tilespmem:s2+$0x10];
	_ =	sdelay $0x4  }
0xc2: {  	vm0 =	vlt.s32 v5, $0x1780  }
0xc3: {  	v5 =	vnsel vm0, $0x1780, v5;
	v6 =	vmpcnt.ones.xlane vm0;
	_ =	sdelay $0x1  }
0xc4: {  	(v2sf) =	vpush v6, $0x0  }
0xc5: {  	s5 =	sadd.s32 $0xFFFFFFF0, s0;
	s10 =	spop (v2sf)  }
0xc6: {  	v6 =	vor.u32 s5, v1;
	s8 =	sadd.s32 s8, s10  }
0xc7: {  	[tilespmem:s8+$0x8000] =	vst.msk vm0, v6  }
0xc8: {  	[tilespmem:v5+s26+$0x0] =	vst.idx.add.f32.msk $0xffff, v3  }
0xc9: {  	v5 =	vld [tilespmem:s2+$0x20];
	_ =	sdelay $0x4  }
0xca: {  	vm0 =	vlt.s32 v5, $0x1780  }
0xcb: {  	v5 =	vnsel vm0, $0x1780, v5;
	v6 =	vmpcnt.ones.xlane vm0;
	_ =	sdelay $0x1  }
0xcc: {  	(v2sf) =	vpush v6, $0x0;
	_ =	sdelay $0x1  }
0xcd: {  	s5 =	spop (v2sf)  }
0xce: {  	v6 =	vor.u32 s0, v1;
	s0 =	smov.u32 s6;
	s8 =	sadd.s32 s8, s5  }
0xcf: {  	[tilespmem:s8+$0x8000] =	vst.msk vm0, v6  }
0xd0: {  	s2 =	sadd.s32 $0x80, s2;
	[tilespmem:v5+s26+$0x0] =	vst.idx.add.f32.msk $0xffff, v3  }
0xd1: {  	v5 =	vld [tilespmem:s2+$0xFFFFFFE0];
	_ =	sdelay $0x4  }
.Ltmp4:
0xd2: {  	vm0 =	vlt.s32 v5, $0x1780;
	(pc) =	sbr.rel @p0 .LBB2_6-.Ltmp4, $3  }
0xd3: {  	v5 =	vnsel vm0, $0x1780, v5;
	v6 =	vmpcnt.ones.xlane vm0;
	_ =	sdelay $0x1  }
0xd4: {  	(v2sf) =	vpush v6, $0x0  }
0xd5: {  	s5 =	smov.u32 s9;
	s6 =	spop (v2sf)  }
0xd6: {  	_ = 	snop  }
0xd7: {  	s5 =	sadd.s32 $0xFFFFFFC0, s0  }
0xd8: {  	s6 =	sadd.s32 s8, s6;
	v6 =	vor.u32 s5, v1  }
0xd9: {  	[tilespmem:s6+$0x8000] =	vst.msk vm0, v6  }
0xda: {  	[tilespmem:v5+s26+$0x0] =	vst.idx.add.f32.msk $0xffff, v3  }
0xdb: {  	v5 =	vld [tilespmem:s2+$0xFFFFFFF0];
	_ =	sdelay $0x4  }
0xdc: {  	vm12 =	vlt.s32 v5, $0x1780  }
0xdd: {  	v5 =	vnsel vm12, $0x1780, v5;
	v6 =	vmpcnt.ones.xlane vm12;
	_ =	sdelay $0x1  }
0xde: {  	s9 =	sadd.s32 $0xFFFFFFD0, s0;
	(v2sf) =	vpush v6, $0x0;
	s10 =	spop (v2sf)  }
0xdf: {  	v6 =	vor.u32 s9, v1;
	s6 =	sadd.s32 s6, s10  }
0xe0: {  	[tilespmem:s6+$0x8000] =	vst.msk vm12, v6  }
0xe1: {  	[tilespmem:v5+s26+$0x0] =	vst.idx.add.f32.msk $0xffff, v3  }
0xe2: {  	v5 =	vld [tilespmem:s2+$0x0];
	_ =	sdelay $0x4  }
0xe3: {  	vm13 =	vlt.s32 v5, $0x1780  }
0xe4: {  	v6 =	vmpcnt.ones.xlane vm13;
	_ =	sdelay $0x1  }
0xe5: {  	(v2sf) =	vpush v6, $0x0  }
0xe6: {  	v5 =	vnsel vm13, $0x1780, v5;
	_ =	sdelay $0x1  }
0xe7: {  	s9 =	sadd.s32 $0xFFFFFFE0, s0;
	s10 =	spop (v2sf)  }
0xe8: {  	v6 =	vor.u32 s9, v1;
	s6 =	sadd.s32 s6, s10  }
0xe9: {  	[tilespmem:s6+$0x8000] =	vst.msk vm13, v6  }
0xea: {  	[tilespmem:v5+s26+$0x0] =	vst.idx.add.f32.msk $0xffff, v3  }
0xeb: {  	v5 =	vld [tilespmem:s2+$0x10];
	_ =	sdelay $0x4  }
0xec: {  	vm14 =	vlt.s32 v5, $0x1780  }
0xed: {  	v5 =	vnsel vm14, $0x1780, v5;
	_ =	sdelay $0x1  }
0xee: {  	s9 =	sadd.s32 $0xFFFFFFF0, s0;
	s10 =	spop (v2sf)  }
0xef: {  	v6 =	vor.u32 s9, v1;
	s6 =	sadd.s32 s6, s10  }
0xf0: {  	[tilespmem:s6+$0x8000] =	vst.msk vm14, v6  }
0xf1: {  	[tilespmem:v5+s26+$0x0] =	vst.idx.add.f32.msk $0xffff, v3  }
0xf2: {  	v5 =	vld [tilespmem:s2+$0x20];
	_ =	sdelay $0x4  }
0xf3: {  	v6 =	vmpcnt.ones.xlane vm14;
	vm15 =	vlt.s32 v5, $0x1780  }
0xf4: {  	v7 =	vmpcnt.ones.xlane vm15  }
0xf5: {  	(v2sf) =	vpush v6, $0x0  }
0xf6: {  	(v2sf) =	vpush v7, $0x0;
	_ =	sdelay $0xb  }
0xf7: {  	v5 =	vnsel vm15, $0x1780, v5;
	_ =	sdelay $0x1  }
0xf8: {  	s5 =	spop (v2sf)  }
0xf9: {  	v6 =	vor.u32 s0, v1;
	s2 =	sadd.s32 s6, s5;
	s8 =	spop (v2sf)  }
0xfa: {  	[tilespmem:s2+$0x8000] =	vst.msk vm15, v6;
	s9 =	sadd.s32 s2, s8  }
0xfb: {  	[tilespmem:v5+s26+$0x0] =	vst.idx.add.f32.msk $0xffff, v3;
	s2 =	sadd.s32 $0x1F, s9  }
0xfc: {  	[tilespmem:s9+$0x8000] =	vst v4;
	s0 =	sshrl.u32 s2, $0x5  }
0xfd: {  	[tilespmem:s9+$0x8010] =	vst v4;
	p0 =	seq.s32 s0, $0x0  }
0xfe: {  	v5 =	vld @!p0 [tilespmem:$0x8000];
	_ =	sdelay $0x1  }
0xff: {  	s10 =	sand.u32 $0xFFFFFFE0, s2  }
0x100: {  	s5 =	ssub.s32 s10, s9  }
0x101: {  	s5 =	scvt.s32.f32 s5;
	_ =	sdelay $0x1  }
0x102: {  	v6 =	vmov s5  }
0x103: {  	s5 =	simm.s32 @!p0 $0x0;
	[tilespmem:$0x13680] =	vst v6  }
0x104: {  	v6 =	vld.idx.msk @!p0 [tilespmem:v5+s5+$0x0], $0xffff;
	_ =	sdelay $0x3  }
0x105: {  	v7 =	vld @!p0 [tilespmem:$0x8010]  }
0x106: {  	s6 =	simm.s32 @!p0 $0x4000;
	[tilespmem:$0xA800] =	vst @!p0 v6  }
0x107: {  	v5 =	vld.idx.msk @!p0 [tilespmem:v5+s6+$0x0], $0xffff;
	_ =	sdelay $0x4  }
0x108: {  	[tilespmem:$0xA880] =	vst @!p0 v5  }
0x109: {  	v5 =	vld.idx.msk @!p0 [tilespmem:v7+s5+$0x0], $0xffff;
	_ =	sdelay $0x4  }
0x10a: {  	[tilespmem:$0xA810] =	vst @!p0 v5  }
0x10b: {  	v5 =	vld.idx.msk @!p0 [tilespmem:v7+s6+$0x0], $0xffff;
	_ =	sdelay $0x3  }
0x10c: {  	p1 =	slt.u32 s2, $0x40  }
0x10d: {  	s8 =	simm.s32 @!p0 $0xAF00;
	s5 =	simm.s32 @!p0 $0x20;
	s6 =	simm.s32 @!p0 $0xA800;
	[tilespmem:$0xA890] =	vst @!p0 v5  }
0x10e: {  	[tilespmem:s8], [sflag:$0x1] =	stream.indirect.gather @!p0 [hbm4b:s4+s5], $0x80, s6, s5, $0xb8;
	[tilespmem:$0x1F300] =	vst v63  }
0x10f: {  	v5 =	vld @!p1 [tilespmem:$0x8020];
	_ =	sdelay $0x6  }
0x110: {  	s5 =	simm.s32 @!p1 $0x0  }
0x111: {  	v6 =	vld.idx.msk @!p1 [tilespmem:v5+s5+$0x0], $0xffff;
	_ =	sdelay $0x3  }
0x112: {  	v7 =	vld @!p1 [tilespmem:$0x8030]  }
0x113: {  	s6 =	simm.s32 @!p1 $0x4000;
	[tilespmem:$0xA900] =	vst @!p1 v6  }
0x114: {  	v5 =	vld.idx.msk @!p1 [tilespmem:v5+s6+$0x0], $0xffff;
	_ =	sdelay $0x4  }
0x115: {  	[tilespmem:$0xA980] =	vst @!p1 v5  }
0x116: {  	v5 =	vld.idx.msk @!p1 [tilespmem:v7+s5+$0x0], $0xffff;
	_ =	sdelay $0x4  }
0x117: {  	[tilespmem:$0xA910] =	vst @!p1 v5  }
0x118: {  	v5 =	vld.idx.msk @!p1 [tilespmem:v7+s6+$0x0], $0xffff;
	_ =	sdelay $0x3  }
0x119: {  	p2 =	slt.u32 @!p1 s2, $0x60  }
0x11a: {  	s8 =	simm.s32 @!p1 $0xBF00;
	s5 =	simm.s32 @!p1 $0x20;
	s6 =	simm.s32 @!p1 $0xA900;
	[tilespmem:$0xA990] =	vst @!p1 v5  }
0x11b: {  	[tilespmem:s8], [sflag:$0x2] =	stream.indirect.gather @!p1 [hbm4b:s4+s5], $0x80, s6, s5, $0xb8;
	[tilespmem:$0x1F300] =	vst v63  }
0x11c: {  	p1 =	por p1, p2  }
0x11d: {  	v5 =	vld @!p1 [tilespmem:$0x8040];
	_ =	sdelay $0x6  }
0x11e: {  	s5 =	simm.s32 @!p1 $0x0  }
0x11f: {  	v6 =	vld.idx.msk @!p1 [tilespmem:v5+s5+$0x0], $0xffff;
	_ =	sdelay $0x3  }
0x120: {  	v7 =	vld @!p1 [tilespmem:$0x8050]  }
0x121: {  	s6 =	simm.s32 @!p1 $0x4000;
	[tilespmem:$0xAA00] =	vst @!p1 v6  }
0x122: {  	v5 =	vld.idx.msk @!p1 [tilespmem:v5+s6+$0x0], $0xffff;
	_ =	sdelay $0x4  }
0x123: {  	[tilespmem:$0xAA80] =	vst @!p1 v5  }
0x124: {  	v5 =	vld.idx.msk @!p1 [tilespmem:v7+s5+$0x0], $0xffff;
	_ =	sdelay $0x4  }
0x125: {  	[tilespmem:$0xAA10] =	vst @!p1 v5  }
0x126: {  	v5 =	vld.idx.msk @!p1 [tilespmem:v7+s6+$0x0], $0xffff;
	_ =	sdelay $0x3  }
0x127: {  	s8 =	simm.s32 @!p1 $0xCF00  }
0x128: {  	p2 =	slt.u32 @!p1 s2, $0x80;
	s5 =	simm.s32 @!p1 $0x20;
	s6 =	simm.s32 @!p1 $0xAA00;
	[tilespmem:$0xAA90] =	vst @!p1 v5  }
0x129: {  	[tilespmem:s8], [sflag:$0x3] =	stream.indirect.gather @!p1 [hbm4b:s4+s5], $0x80, s6, s5, $0xb8;
	[tilespmem:$0x1F300] =	vst v63  }
0x12a: {  	p1 =	por p1, p2  }
.Ltmp5:
0x12b: {  	_ = 	snop;
	(pc) =	sbr.rel @p1 .LBB2_9-.Ltmp5, $1  }
0x12c: {  	_ =	sdelay $0x3  }
0x12d: {  	v5 =	vld [tilespmem:$0x8060];
	_ =	sdelay $0x7  }
0x12e: {  	v6 =	vld.idx.msk [tilespmem:v5+s3+$0x0], $0xffff;
	_ =	sdelay $0x3  }
0x12f: {  	v7 =	vld [tilespmem:$0x8070]  }
0x130: {  	[tilespmem:$0xAB00] =	vst v6  }
0x131: {  	v5 =	vld.idx.msk [tilespmem:v5+s23+$0x0], $0xffff;
	_ =	sdelay $0x4  }
0x132: {  	[tilespmem:$0xAB80] =	vst v5  }
0x133: {  	v5 =	vld.idx.msk [tilespmem:v7+s3+$0x0], $0xffff;
	_ =	sdelay $0x4  }
0x134: {  	[tilespmem:$0xAB10] =	vst v5  }
0x135: {  	v5 =	vld.idx.msk [tilespmem:v7+s23+$0x0], $0xffff;
	_ =	sdelay $0x4  }
0x136: {  	s5 =	simm.s32 $0xAB00;
	s6 =	simm.s32 $0xDF00;
	p1 =	slt.u32 s2, $0xA0;
	[tilespmem:$0xAB90] =	vst v5  }
0x137: {  	[tilespmem:s6], [sflag:$0x4] =	stream.indirect.gather [hbm4b:s4+s28], $0x80, s5, s28, $0xb8;
	[tilespmem:$0x1F300] =	vst v63  }
0x138: {  	v5 =	vld @!p1 [tilespmem:$0x8080];
	_ =	sdelay $0x6  }
0x139: {  	s5 =	simm.s32 @!p1 $0x0  }
0x13a: {  	v6 =	vld.idx.msk @!p1 [tilespmem:v5+s5+$0x0], $0xffff;
	_ =	sdelay $0x3  }
0x13b: {  	v7 =	vld @!p1 [tilespmem:$0x8090]  }
0x13c: {  	s6 =	simm.s32 @!p1 $0x4000;
	[tilespmem:$0xAC00] =	vst @!p1 v6  }
0x13d: {  	v5 =	vld.idx.msk @!p1 [tilespmem:v5+s6+$0x0], $0xffff;
	_ =	sdelay $0x4  }
0x13e: {  	[tilespmem:$0xAC80] =	vst @!p1 v5  }
0x13f: {  	v5 =	vld.idx.msk @!p1 [tilespmem:v7+s5+$0x0], $0xffff;
	_ =	sdelay $0x4  }
0x140: {  	[tilespmem:$0xAC10] =	vst @!p1 v5  }
0x141: {  	v5 =	vld.idx.msk @!p1 [tilespmem:v7+s6+$0x0], $0xffff;
	_ =	sdelay $0x3  }
0x142: {  	s8 =	simm.s32 @!p1 $0xEF00  }
0x143: {  	p2 =	slt.u32 @!p1 s2, $0xC0;
	s5 =	simm.s32 @!p1 $0x20;
	s6 =	simm.s32 @!p1 $0xAC00;
	[tilespmem:$0xAC90] =	vst @!p1 v5  }
0x144: {  	[tilespmem:s8], [sflag:$0x5] =	stream.indirect.gather @!p1 [hbm4b:s4+s5], $0x80, s6, s5, $0xb8;
	[tilespmem:$0x1F300] =	vst v63  }
0x145: {  	p1 =	por p2, p1  }
0x146: {  	v5 =	vld @!p1 [tilespmem:$0x80A0];
	_ =	sdelay $0x6  }
0x147: {  	s2 =	simm.s32 @!p1 $0x0  }
0x148: {  	v6 =	vld.idx.msk @!p1 [tilespmem:v5+s2+$0x0], $0xffff;
	_ =	sdelay $0x3  }
0x149: {  	v7 =	vld @!p1 [tilespmem:$0x80B0]  }
0x14a: {  	s5 =	simm.s32 @!p1 $0x4000;
	[tilespmem:$0xAD00] =	vst @!p1 v6  }
0x14b: {  	v5 =	vld.idx.msk @!p1 [tilespmem:v5+s5+$0x0], $0xffff;
	_ =	sdelay $0x4  }
0x14c: {  	[tilespmem:$0xAD80] =	vst @!p1 v5  }
0x14d: {  	v5 =	vld.idx.msk @!p1 [tilespmem:v7+s2+$0x0], $0xffff;
	_ =	sdelay $0x4  }
0x14e: {  	[tilespmem:$0xAD10] =	vst @!p1 v5  }
0x14f: {  	v5 =	vld.idx.msk @!p1 [tilespmem:v7+s5+$0x0], $0xffff;
	_ =	sdelay $0x4  }
0x150: {  	s6 =	simm.s32 @!p1 $0xFF00;
	s2 =	simm.s32 @!p1 $0x20;
	s5 =	simm.s32 @!p1 $0xAD00;
	[tilespmem:$0xAD90] =	vst @!p1 v5  }
0x151: {  	[tilespmem:s6], [sflag:$0x6] =	stream.indirect.gather @!p1 [hbm4b:s4+s2], $0x80, s5, s2, $0xb8;
	[tilespmem:$0x1F300] =	vst v63  }
.LBB2_9:
.Ltmp6:
0x152: {  	(pc) =	sbr.rel @p0 .LBB2_36-.Ltmp6, $1  }
0x153: {  	_ =	sdelay $0x3  }
.Ltmp7:
0x154: {  	(pc) =	sbr.rel .LBB2_11-.Ltmp7, $2  }
0x155: {  	_ =	sdelay $0x2  }
0x156: {  	s2 =	simm.s32 $0x0;
	s5 =	simm.s32 $0x80D0  }
.LBB2_15:
0x157: {  	p0 =	seq.s32 s6, $0x3  }
0x158: {  	s6 =	simm.s32 @p0 $0x4  }
0x159: {  	_ =	swait.ge @p0 [sflag:s6], $0x1000  }
0x15a: {  	s8 =	simm.s32 @p0 $0xAB80;
	[sflag:s6] =	ssyncset.done @p0 $0x0  }
0x15b: {  	s9 =	simm.s32 @p0 $0xDF00;
	[sflag:s6] =	ssyncadd.s32 @p0 $0xFFFFF000;
	s6 =	simm.s32 @p0 $0x20  }
0x15c: {  	[spmem:s1] =	stream.indirect.scatter.add.f32 @p0 [tilespmem:s9], [sflag:$0xB], $0x80, s8, s6, $0xb8;
	[tilespmem:$0x1F300] =	vst v63  }
0x15d: {  	s6 =	simm.s32 @p0 $0xA  }
0x15e: {  	s8 =	sadd.s32 @p0 $0x6, s2;
	_ =	swait.ge @p0 [sflag:s6], $0x1000  }
0x15f: {  	p1 =	sge.u32 @p0 s8, s0;
	[sflag:s6] =	ssyncset.done @p0 $0x0  }
0x160: {  	p1 =	por p1, !p0;
	[sflag:s6] =	ssyncadd.s32 @p0 $0xFFFFF000  }
0x161: {  	v5 =	vld @!p1 [tilespmem:s5+$0xFFFFFFF0];
	_ =	sdelay $0x6  }
0x162: {  	s6 =	simm.s32 @!p1 $0x0  }
0x163: {  	v6 =	vld.idx.msk @!p1 [tilespmem:v5+s6+$0x0], $0xffff;
	_ =	sdelay $0x4  }
0x164: {  	s8 =	simm.s32 @!p1 $0x4000;
	[tilespmem:$0xAA00] =	vst @!p1 v6  }
0x165: {  	v5 =	vld.idx.msk @!p1 [tilespmem:v5+s8+$0x0], $0xffff;
	_ =	sdelay $0x4  }
0x166: {  	[tilespmem:$0xAA80] =	vst @!p1 v5  }
0x167: {  	v5 =	vld @!p1 [tilespmem:s5+$0x0];
	_ =	sdelay $0x7  }
0x168: {  	v6 =	vld.idx.msk @!p1 [tilespmem:v5+s6+$0x0], $0xffff;
	_ =	sdelay $0x4  }
0x169: {  	[tilespmem:$0xAA10] =	vst @!p1 v6  }
0x16a: {  	v5 =	vld.idx.msk @!p1 [tilespmem:v5+s8+$0x0], $0xffff;
	_ =	sdelay $0x4  }
0x16b: {  	s9 =	simm.s32 @!p1 $0xCF00;
	s6 =	simm.s32 @!p1 $0x20;
	s8 =	simm.s32 @!p1 $0xAA00;
	[tilespmem:$0xAA90] =	vst @!p1 v5  }
0x16c: {  	[tilespmem:s9], [sflag:$0x3] =	stream.indirect.gather @!p1 [hbm4b:s4+s6], $0x80, s8, s6, $0xb8;
	[tilespmem:$0x1F300] =	vst v63  }
0x16d: {  	s6 =	simm.s32 @!p0 $0x5  }
0x16e: {  	_ =	swait.ge @!p0 [sflag:s6], $0x1000  }
0x16f: {  	s8 =	simm.s32 @!p0 $0xAC80;
	[sflag:s6] =	ssyncset.done @!p0 $0x0  }
0x170: {  	s9 =	simm.s32 @!p0 $0xEF00;
	[sflag:s6] =	ssyncadd.s32 @!p0 $0xFFFFF000;
	s6 =	simm.s32 @!p0 $0x20  }
0x171: {  	[spmem:s1] =	stream.indirect.scatter.add.f32 @!p0 [tilespmem:s9], [sflag:$0xC], $0x80, s8, s6, $0xb8;
	[tilespmem:$0x1F300] =	vst v63  }
0x172: {  	s6 =	simm.s32 @!p0 $0xB  }
0x173: {  	s8 =	sadd.s32 @!p0 $0x6, s2;
	_ =	swait.ge @!p0 [sflag:s6], $0x1000  }
0x174: {  	p1 =	sge.u32 @!p0 s8, s0;
	[sflag:s6] =	ssyncset.done @!p0 $0x0  }
0x175: {  	[sflag:s6] =	ssyncadd.s32 @!p0 $0xFFFFF000;
	p0 =	por p1, p0  }
0x176: {  	v5 =	vld @!p0 [tilespmem:s5+$0xFFFFFFF0];
	_ =	sdelay $0x6  }
0x177: {  	s6 =	simm.s32 @!p0 $0x0  }
0x178: {  	v6 =	vld.idx.msk @!p0 [tilespmem:v5+s6+$0x0], $0xffff;
	_ =	sdelay $0x4  }
0x179: {  	s8 =	simm.s32 @!p0 $0x4000;
	[tilespmem:$0xAB00] =	vst @!p0 v6  }
0x17a: {  	v5 =	vld.idx.msk @!p0 [tilespmem:v5+s8+$0x0], $0xffff;
	_ =	sdelay $0x4  }
0x17b: {  	[tilespmem:$0xAB80] =	vst @!p0 v5  }
0x17c: {  	v5 =	vld @!p0 [tilespmem:s5+$0x0];
	_ =	sdelay $0x7  }
0x17d: {  	v6 =	vld.idx.msk @!p0 [tilespmem:v5+s6+$0x0], $0xffff;
	_ =	sdelay $0x4  }
0x17e: {  	[tilespmem:$0xAB10] =	vst @!p0 v6  }
0x17f: {  	v5 =	vld.idx.msk @!p0 [tilespmem:v5+s8+$0x0], $0xffff;
	_ =	sdelay $0x4  }
0x180: {  	s9 =	simm.s32 @!p0 $0xDF00;
	s6 =	simm.s32 @!p0 $0x20;
	s8 =	simm.s32 @!p0 $0xAB00;
	[tilespmem:$0xAB90] =	vst @!p0 v5  }
0x181: {  	[tilespmem:s9], [sflag:$0x4] =	stream.indirect.gather @!p0 [hbm4b:s4+s6], $0x80, s8, s6, $0xb8;
	[tilespmem:$0x1F300] =	vst v63  }
.LBB2_18:
0x182: {  	s2 =	sadd.s32 $0x1, s2  }
0x183: {  	p0 =	sne.s32 s0, s2  }
.Ltmp8:
0x184: {  	_ = 	snop;
	(pc) =	sbr.rel @!p0 .LBB2_19-.Ltmp8, $2  }
0x185: {  	_ =	sdelay $0x2  }
0x186: {  	s5 =	sadd.s32 $0x20, s5  }
.LBB2_11:
0x187: {  	s6 =	smulhi.u32 $0x24924925, s2;
	_ =	sdelay $0x1  }
0x188: {  	s8 =	ssub.s32 s2, s6  }
0x189: {  	s8 =	sshrl.u32 s8, $0x1  }
0x18a: {  	s6 =	sadd.s32 s6, s8  }
0x18b: {  	s6 =	sshrl.u32 s6, $0x2  }
0x18c: {  	s6 =	smul.u32 $0xFFFFFFF9, s6;
	_ =	sdelay $0x1  }
0x18d: {  	s6 =	sadd.s32 s6, s2  }
0x18e: {  	p0 =	sgt.s32 s6, $0x2  }
.Ltmp9:
0x18f: {  	_ = 	snop;
	(pc) =	sbr.rel @!p0 .LBB2_12-.Ltmp9, $1  }
0x190: {  	_ =	sdelay $0x3  }
0x191: {  	p0 =	sgt.s32 s6, $0x4  }
.Ltmp10:
0x192: {  	_ = 	snop;
	(pc) =	sbr.rel @!p0 .LBB2_15-.Ltmp10, $1  }
0x193: {  	_ =	sdelay $0x3  }
0x194: {  	p0 =	seq.s32 s6, $0x5  }
0x195: {  	s6 =	simm.s32 @p0 $0x6  }
0x196: {  	_ =	swait.ge @p0 [sflag:s6], $0x1000  }
0x197: {  	s8 =	simm.s32 @p0 $0xAD80;
	[sflag:s6] =	ssyncset.done @p0 $0x0  }
0x198: {  	s9 =	simm.s32 @p0 $0xFF00;
	[sflag:s6] =	ssyncadd.s32 @p0 $0xFFFFF000;
	s6 =	simm.s32 @p0 $0x20  }
0x199: {  	[spmem:s1] =	stream.indirect.scatter.add.f32 @p0 [tilespmem:s9], [sflag:$0xD], $0x80, s8, s6, $0xb8;
	[tilespmem:$0x1F300] =	vst v63  }
0x19a: {  	s6 =	simm.s32 @p0 $0xC  }
0x19b: {  	s8 =	sadd.s32 @p0 $0x6, s2;
	_ =	swait.ge @p0 [sflag:s6], $0x1000  }
0x19c: {  	p1 =	sge.u32 @p0 s8, s0;
	[sflag:s6] =	ssyncset.done @p0 $0x0  }
0x19d: {  	p1 =	por p1, !p0;
	[sflag:s6] =	ssyncadd.s32 @p0 $0xFFFFF000  }
0x19e: {  	v5 =	vld @!p1 [tilespmem:s5+$0xFFFFFFF0];
	_ =	sdelay $0x6  }
0x19f: {  	s6 =	simm.s32 @!p1 $0x0  }
0x1a0: {  	v6 =	vld.idx.msk @!p1 [tilespmem:v5+s6+$0x0], $0xffff;
	_ =	sdelay $0x4  }
0x1a1: {  	s8 =	simm.s32 @!p1 $0x4000;
	[tilespmem:$0xAC00] =	vst @!p1 v6  }
0x1a2: {  	v5 =	vld.idx.msk @!p1 [tilespmem:v5+s8+$0x0], $0xffff;
	_ =	sdelay $0x4  }
0x1a3: {  	[tilespmem:$0xAC80] =	vst @!p1 v5  }
0x1a4: {  	v5 =	vld @!p1 [tilespmem:s5+$0x0];
	_ =	sdelay $0x7  }
0x1a5: {  	v6 =	vld.idx.msk @!p1 [tilespmem:v5+s6+$0x0], $0xffff;
	_ =	sdelay $0x4  }
0x1a6: {  	[tilespmem:$0xAC10] =	vst @!p1 v6  }
0x1a7: {  	v5 =	vld.idx.msk @!p1 [tilespmem:v5+s8+$0x0], $0xffff;
	_ =	sdelay $0x4  }
0x1a8: {  	s9 =	simm.s32 @!p1 $0xEF00;
	s6 =	simm.s32 @!p1 $0x20;
	s8 =	simm.s32 @!p1 $0xAC00;
	[tilespmem:$0xAC90] =	vst @!p1 v5  }
0x1a9: {  	[tilespmem:s9], [sflag:$0x5] =	stream.indirect.gather @!p1 [hbm4b:s4+s6], $0x80, s8, s6, $0xb8;
	[tilespmem:$0x1F300] =	vst v63  }
0x1aa: {  	s6 =	simm.s32 @!p0 $0x7  }
0x1ab: {  	_ =	swait.ge @!p0 [sflag:s6], $0x1000  }
0x1ac: {  	s8 =	simm.s32 @!p0 $0xAE80;
	[sflag:s6] =	ssyncset.done @!p0 $0x0  }
0x1ad: {  	s9 =	simm.s32 @!p0 $0x10F00;
	[sflag:s6] =	ssyncadd.s32 @!p0 $0xFFFFF000;
	s6 =	simm.s32 @!p0 $0x20  }
0x1ae: {  	[spmem:s1] =	stream.indirect.scatter.add.f32 @!p0 [tilespmem:s9], [sflag:$0xE], $0x80, s8, s6, $0xb8;
	[tilespmem:$0x1F300] =	vst v63  }
0x1af: {  	s6 =	simm.s32 @!p0 $0xD  }
0x1b0: {  	s8 =	sadd.s32 @!p0 $0x6, s2;
	_ =	swait.ge @!p0 [sflag:s6], $0x1000  }
0x1b1: {  	p1 =	sge.u32 @!p0 s8, s0;
	[sflag:s6] =	ssyncset.done @!p0 $0x0  }
0x1b2: {  	[sflag:s6] =	ssyncadd.s32 @!p0 $0xFFFFF000;
	p0 =	por p1, p0  }
0x1b3: {  	v5 =	vld @!p0 [tilespmem:s5+$0xFFFFFFF0];
	_ =	sdelay $0x6  }
0x1b4: {  	s6 =	simm.s32 @!p0 $0x0  }
0x1b5: {  	v6 =	vld.idx.msk @!p0 [tilespmem:v5+s6+$0x0], $0xffff;
	_ =	sdelay $0x4  }
0x1b6: {  	s8 =	simm.s32 @!p0 $0x4000;
	[tilespmem:$0xAD00] =	vst @!p0 v6  }
0x1b7: {  	v5 =	vld.idx.msk @!p0 [tilespmem:v5+s8+$0x0], $0xffff;
	_ =	sdelay $0x4  }
0x1b8: {  	[tilespmem:$0xAD80] =	vst @!p0 v5  }
0x1b9: {  	v5 =	vld @!p0 [tilespmem:s5+$0x0];
	_ =	sdelay $0x7  }
0x1ba: {  	v6 =	vld.idx.msk @!p0 [tilespmem:v5+s6+$0x0], $0xffff;
	_ =	sdelay $0x4  }
0x1bb: {  	[tilespmem:$0xAD10] =	vst @!p0 v6  }
0x1bc: {  	v5 =	vld.idx.msk @!p0 [tilespmem:v5+s8+$0x0], $0xffff;
	_ =	sdelay $0x1  }
.Ltmp11:
0x1bd: {  	_ = 	snop;
	(pc) =	sbr.rel .LBB2_18-.Ltmp11, $3  }
0x1be: {  	_ =	sdelay $0x1  }
0x1bf: {  	s9 =	simm.s32 @!p0 $0xFF00;
	s6 =	simm.s32 @!p0 $0x20;
	s8 =	simm.s32 @!p0 $0xAD00;
	[tilespmem:$0xAD90] =	vst @!p0 v5  }
0x1c0: {  	[tilespmem:s9], [sflag:$0x6] =	stream.indirect.gather @!p0 [hbm4b:s4+s6], $0x80, s8, s6, $0xb8;
	[tilespmem:$0x1F300] =	vst v63  }
.LBB2_12:
0x1c1: {  	p0 =	seq.s32 s6, $0x0  }
.Ltmp12:
0x1c2: {  	_ = 	snop;
	(pc) =	sbr.rel @p0 .LBB2_17-.Ltmp12, $1  }
0x1c3: {  	_ =	sdelay $0x3  }
0x1c4: {  	p0 =	seq.s32 s6, $0x1  }
0x1c5: {  	s6 =	simm.s32 @p0 $0x2  }
0x1c6: {  	_ =	swait.ge @p0 [sflag:s6], $0x1000  }
0x1c7: {  	s8 =	simm.s32 @p0 $0xA980;
	[sflag:s6] =	ssyncset.done @p0 $0x0  }
0x1c8: {  	s9 =	simm.s32 @p0 $0xBF00;
	[sflag:s6] =	ssyncadd.s32 @p0 $0xFFFFF000;
	s6 =	simm.s32 @p0 $0x20  }
0x1c9: {  	[spmem:s1] =	stream.indirect.scatter.add.f32 @p0 [tilespmem:s9], [sflag:$0x9], $0x80, s8, s6, $0xb8;
	[tilespmem:$0x1F300] =	vst v63  }
0x1ca: {  	s6 =	simm.s32 @p0 $0x8  }
0x1cb: {  	s8 =	sadd.s32 @p0 $0x6, s2;
	_ =	swait.ge @p0 [sflag:s6], $0x1000  }
0x1cc: {  	p1 =	sge.u32 @p0 s8, s0;
	[sflag:s6] =	ssyncset.done @p0 $0x0  }
0x1cd: {  	p1 =	por p1, !p0;
	[sflag:s6] =	ssyncadd.s32 @p0 $0xFFFFF000  }
0x1ce: {  	v5 =	vld @!p1 [tilespmem:s5+$0xFFFFFFF0];
	_ =	sdelay $0x6  }
0x1cf: {  	s6 =	simm.s32 @!p1 $0x0  }
0x1d0: {  	v6 =	vld.idx.msk @!p1 [tilespmem:v5+s6+$0x0], $0xffff;
	_ =	sdelay $0x4  }
0x1d1: {  	s8 =	simm.s32 @!p1 $0x4000;
	[tilespmem:$0xA800] =	vst @!p1 v6  }
0x1d2: {  	v5 =	vld.idx.msk @!p1 [tilespmem:v5+s8+$0x0], $0xffff;
	_ =	sdelay $0x4  }
0x1d3: {  	[tilespmem:$0xA880] =	vst @!p1 v5  }
0x1d4: {  	v5 =	vld @!p1 [tilespmem:s5+$0x0];
	_ =	sdelay $0x7  }
0x1d5: {  	v6 =	vld.idx.msk @!p1 [tilespmem:v5+s6+$0x0], $0xffff;
	_ =	sdelay $0x4  }
0x1d6: {  	[tilespmem:$0xA810] =	vst @!p1 v6  }
0x1d7: {  	v5 =	vld.idx.msk @!p1 [tilespmem:v5+s8+$0x0], $0xffff;
	_ =	sdelay $0x4  }
0x1d8: {  	s9 =	simm.s32 @!p1 $0xAF00;
	s6 =	simm.s32 @!p1 $0x20;
	s8 =	simm.s32 @!p1 $0xA800;
	[tilespmem:$0xA890] =	vst @!p1 v5  }
0x1d9: {  	[tilespmem:s9], [sflag:$0x1] =	stream.indirect.gather @!p1 [hbm4b:s4+s6], $0x80, s8, s6, $0xb8;
	[tilespmem:$0x1F300] =	vst v63  }
0x1da: {  	s6 =	simm.s32 @!p0 $0x3  }
0x1db: {  	_ =	swait.ge @!p0 [sflag:s6], $0x1000  }
0x1dc: {  	s8 =	simm.s32 @!p0 $0xAA80;
	[sflag:s6] =	ssyncset.done @!p0 $0x0  }
0x1dd: {  	s9 =	simm.s32 @!p0 $0xCF00;
	[sflag:s6] =	ssyncadd.s32 @!p0 $0xFFFFF000;
	s6 =	simm.s32 @!p0 $0x20  }
0x1de: {  	[spmem:s1] =	stream.indirect.scatter.add.f32 @!p0 [tilespmem:s9], [sflag:$0xA], $0x80, s8, s6, $0xb8;
	[tilespmem:$0x1F300] =	vst v63  }
0x1df: {  	s6 =	simm.s32 @!p0 $0x9  }
0x1e0: {  	s8 =	sadd.s32 @!p0 $0x6, s2;
	_ =	swait.ge @!p0 [sflag:s6], $0x1000  }
0x1e1: {  	p1 =	sge.u32 @!p0 s8, s0;
	[sflag:s6] =	ssyncset.done @!p0 $0x0  }
0x1e2: {  	[sflag:s6] =	ssyncadd.s32 @!p0 $0xFFFFF000;
	p0 =	por p1, p0  }
0x1e3: {  	v5 =	vld @!p0 [tilespmem:s5+$0xFFFFFFF0];
	_ =	sdelay $0x6  }
0x1e4: {  	s6 =	simm.s32 @!p0 $0x0  }
0x1e5: {  	v6 =	vld.idx.msk @!p0 [tilespmem:v5+s6+$0x0], $0xffff;
	_ =	sdelay $0x4  }
0x1e6: {  	s8 =	simm.s32 @!p0 $0x4000;
	[tilespmem:$0xA900] =	vst @!p0 v6  }
0x1e7: {  	v5 =	vld.idx.msk @!p0 [tilespmem:v5+s8+$0x0], $0xffff;
	_ =	sdelay $0x4  }
0x1e8: {  	[tilespmem:$0xA980] =	vst @!p0 v5  }
0x1e9: {  	v5 =	vld @!p0 [tilespmem:s5+$0x0];
	_ =	sdelay $0x7  }
0x1ea: {  	v6 =	vld.idx.msk @!p0 [tilespmem:v5+s6+$0x0], $0xffff;
	_ =	sdelay $0x4  }
0x1eb: {  	[tilespmem:$0xA910] =	vst @!p0 v6  }
0x1ec: {  	v5 =	vld.idx.msk @!p0 [tilespmem:v5+s8+$0x0], $0xffff;
	_ =	sdelay $0x1  }
.Ltmp13:
0x1ed: {  	_ = 	snop;
	(pc) =	sbr.rel .LBB2_18-.Ltmp13, $3  }
0x1ee: {  	_ =	sdelay $0x1  }
0x1ef: {  	s9 =	simm.s32 @!p0 $0xBF00;
	s6 =	simm.s32 @!p0 $0x20;
	s8 =	simm.s32 @!p0 $0xA900;
	[tilespmem:$0xA990] =	vst @!p0 v5  }
0x1f0: {  	[tilespmem:s9], [sflag:$0x2] =	stream.indirect.gather @!p0 [hbm4b:s4+s6], $0x80, s8, s6, $0xb8;
	[tilespmem:$0x1F300] =	vst v63  }
.LBB2_17:
0x1f1: {  	_ =	swait.ge [sflag:s25], $0x1000  }
0x1f2: {  	p0 =	seq.s32 s2, $0x0;
	[sflag:s25] =	ssyncset.done $0x0  }
0x1f3: {  	s6 =	simm.s32 @!p0 $0xE;
	[sflag:s25] =	ssyncadd.s32 $0xFFFFF000  }
0x1f4: {  	[spmem:s1] =	stream.indirect.scatter.add.f32 [tilespmem:s24], [sflag:$0x8], $0x80, s30, s28, $0xb8;
	[tilespmem:$0x1F300] =	vst v63  }
0x1f5: {  	_ =	swait.ge @!p0 [sflag:s6], $0x1000  }
0x1f6: {  	s8 =	sadd.s32 $0x6, s2;
	[sflag:s6] =	ssyncset.done @!p0 $0x0  }
0x1f7: {  	[sflag:s6] =	ssyncadd.s32 @!p0 $0xFFFFF000;
	p0 =	sge.u32 s8, s0  }
0x1f8: {  	v5 =	vld @!p0 [tilespmem:s5+$0xFFFFFFF0];
	_ =	sdelay $0x6  }
0x1f9: {  	s6 =	simm.s32 @!p0 $0x0  }
0x1fa: {  	v6 =	vld.idx.msk @!p0 [tilespmem:v5+s6+$0x0], $0xffff;
	_ =	sdelay $0x4  }
0x1fb: {  	s8 =	simm.s32 @!p0 $0x4000;
	[tilespmem:$0xAE00] =	vst @!p0 v6  }
0x1fc: {  	v5 =	vld.idx.msk @!p0 [tilespmem:v5+s8+$0x0], $0xffff;
	_ =	sdelay $0x4  }
0x1fd: {  	[tilespmem:$0xAE80] =	vst @!p0 v5  }
0x1fe: {  	v5 =	vld @!p0 [tilespmem:s5+$0x0];
	_ =	sdelay $0x7  }
0x1ff: {  	v6 =	vld.idx.msk @!p0 [tilespmem:v5+s6+$0x0], $0xffff;
	_ =	sdelay $0x4  }
0x200: {  	[tilespmem:$0xAE10] =	vst @!p0 v6  }
0x201: {  	v5 =	vld.idx.msk @!p0 [tilespmem:v5+s8+$0x0], $0xffff;
	_ =	sdelay $0x1  }
.Ltmp14:
0x202: {  	_ = 	snop;
	(pc) =	sbr.rel .LBB2_18-.Ltmp14, $3  }
0x203: {  	_ =	sdelay $0x1  }
0x204: {  	s9 =	simm.s32 @!p0 $0x10F00;
	s6 =	simm.s32 @!p0 $0x20;
	s8 =	simm.s32 @!p0 $0xAE00;
	[tilespmem:$0xAE90] =	vst @!p0 v5  }
0x205: {  	[tilespmem:s9], [sflag:$0x7] =	stream.indirect.gather @!p0 [hbm4b:s4+s6], $0x80, s8, s6, $0xb8;
	[tilespmem:$0x1F300] =	vst v63  }
.LBB2_19:
0x206: {  	s2 =	sadd.s32 $0xFFFFFFFF, s0  }
0x207: {  	s5 =	smulhi.u32 $0x92492493, s2;
	s6 =	sshra.s32 s2, $0x1F  }
0x208: {  	s6 =	smul.u32 $0x92492493, s6  }
0x209: {  	s9 =	ssub.s32 s5, s0  }
0x20a: {  	s0 =	sadd.s32 s6, s9  }
0x20b: {  	s0 =	sadd.s32 s2, s0  }
0x20c: {  	s0 =	sadd.s32 $0x1, s0  }
0x20d: {  	s10 =	sshrl.u32 s0, $0x1F;
	s0 =	sshra.s32 s0, $0x2  }
0x20e: {  	s0 =	sadd.s32 s10, s0  }
0x20f: {  	s0 =	smul.u32 $0x7, s0;
	_ =	sdelay $0x1  }
0x210: {  	s0 =	ssub.s32 s2, s0  }
0x211: {  	p0 =	sgt.s32 s0, $0x2  }
.Ltmp15:
0x212: {  	_ = 	snop;
	(pc) =	sbr.rel @!p0 .LBB2_20-.Ltmp15, $1  }
0x213: {  	_ =	sdelay $0x3  }
0x214: {  	p0 =	sgt.s32 s0, $0x4  }
.Ltmp16:
0x215: {  	_ = 	snop;
	(pc) =	sbr.rel @p0 .LBB2_29-.Ltmp16, $1  }
0x216: {  	_ =	sdelay $0x3  }
0x217: {  	p0 =	seq.s32 s0, $0x3  }
.Ltmp17:
0x218: {  	_ = 	snop;
	(pc) =	sbr.rel @p0 .LBB2_33-.Ltmp17, $1  }
0x219: {  	_ =	sdelay $0x3  }
0x21a: {  	p0 =	seq.s32 s0, $0x4  }
.Ltmp18:
0x21b: {  	_ = 	snop;
	(pc) =	sbr.rel @!p0 .LBB2_36-.Ltmp18, $1  }
0x21c: {  	_ =	sdelay $0x3  }
.Ltmp19:
0x21d: {  	(pc) =	sbr.rel .LBB2_35-.Ltmp19, $2  }
0x21e: {  	_ =	sdelay $0x2  }
0x21f: {  	s0 =	simm.s32 $0xC  }
.LBB2_20:
0x220: {  	p0 =	seq.s32 s0, $0x0  }
.Ltmp20:
0x221: {  	_ = 	snop;
	(pc) =	sbr.rel @p0 .LBB2_21-.Ltmp20, $1  }
0x222: {  	_ =	sdelay $0x3  }
0x223: {  	p0 =	seq.s32 s0, $0x1  }
.Ltmp21:
0x224: {  	_ = 	snop;
	(pc) =	sbr.rel @p0 .LBB2_32-.Ltmp21, $1  }
0x225: {  	_ =	sdelay $0x3  }
0x226: {  	p0 =	seq.s32 s0, $0x2  }
.Ltmp22:
0x227: {  	_ = 	snop;
	(pc) =	sbr.rel @!p0 .LBB2_36-.Ltmp22, $1  }
0x228: {  	_ =	sdelay $0x3  }
.Ltmp23:
0x229: {  	(pc) =	sbr.rel .LBB2_35-.Ltmp23, $2  }
0x22a: {  	_ =	sdelay $0x2  }
0x22b: {  	s0 =	simm.s32 $0xA  }
.LBB2_29:
0x22c: {  	p0 =	seq.s32 s0, $0x5  }
.Ltmp24:
0x22d: {  	_ = 	snop;
	(pc) =	sbr.rel @p0 .LBB2_34-.Ltmp24, $1  }
0x22e: {  	_ =	sdelay $0x3  }
0x22f: {  	p0 =	seq.s32 s0, $0x6  }
.Ltmp25:
0x230: {  	_ = 	snop;
	(pc) =	sbr.rel @!p0 .LBB2_36-.Ltmp25, $1  }
0x231: {  	_ =	sdelay $0x3  }
.Ltmp26:
0x232: {  	(pc) =	sbr.rel .LBB2_35-.Ltmp26, $2  }
0x233: {  	_ =	sdelay $0x2  }
0x234: {  	s0 =	simm.s32 $0xE  }
.LBB2_33:
.Ltmp27:
0x235: {  	(pc) =	sbr.rel .LBB2_35-.Ltmp27, $2  }
0x236: {  	_ =	sdelay $0x2  }
0x237: {  	s0 =	simm.s32 $0xB  }
.LBB2_34:
.Ltmp28:
0x238: {  	(pc) =	sbr.rel .LBB2_35-.Ltmp28, $2  }
0x239: {  	_ =	sdelay $0x2  }
0x23a: {  	s0 =	simm.s32 $0xD  }
.LBB2_32:
.Ltmp29:
0x23b: {  	(pc) =	sbr.rel .LBB2_35-.Ltmp29, $2  }
0x23c: {  	_ =	sdelay $0x2  }
0x23d: {  	s0 =	simm.s32 $0x9  }
.LBB2_37:
0x23e: {  	_ =	sfence.sel $0x180000  }
0x23f: {  	[bflag:$0x0] =	sbarrier.arrive $0xFFFF  }
0x240: {  	_ =	strace $0x90000047  }
0x241: {  	s0 =	stileid.u32;
	[bflag:$0x2] =	sbarrier.arrive $0xFFFF  }
0x242: {  	p0 =	sne.s32 s0, $0x0;
	s0 =	rddreg [dreg:$0x3]  }
0x243: {  	s0 =	sadd.s32 @!p0 $0x100000, s0  }
0x244: {  	[sflag:s0] =	ssyncadd.tile.s32 @!p0 $0x1;
	_ =	shalt  }
.Lfunc_end2:
_tile_overlayer_lowered:
.L_overlay_start_2:
0x245: {  	(tag) =	ssettag $0x2  }
0x246: {  	s0 =	rddreg [dreg:$0x0];
	s2 =	stileid.u32  }
0x247: {  	s1 =	rddreg [dreg:$0x1];
	p0 =	sne.s32 s2, $0x0  }
0x248: {  	s3 =	rddreg [dreg:$0x2];
	[bflag:$0x3] =	sbarrier.arrive $0xFFFF;
	s2 =	simm.s32 @!p0 $0x1C0F  }
0x249: {  	[timem:s3], [sflag:s2] =	dma.local @!p0 [hbm:s0], s1  }
0x24a: {  	s0 =	simm.s32 @!p0 $0xF  }
0x24b: {  	_ =	swait.ge @!p0 [sflag:s0], s1  }
0x24c: {  	s1 =	ssub.s32 @!p0 $0x0, s1;
	[sflag:s0] =	ssyncset.done @!p0 $0x0  }
0x24d: {  	[sflag:s0] =	ssyncadd.s32 @!p0 s1  }
0x24e: {  	[bflag:$0x3] =	sbarrier.arrive $0xFFFF  }
0x24f: {  	_ =	shalt  }

</sc_bundles>
